<compile_context>
chip_gen: v7x
topology: tpu7x:2x2x1
jax: 0.10.2.dev20260603
libtpu: 0.0.44.dev20260713+nightly
codegen_flags: <defaults>
</compile_context>

<pallas_src>
import functools

import jax
import jax.numpy as jnp
from jax import lax
from jax.experimental import pallas as pl
from jax.experimental.pallas import tpu as pltpu
from jax.experimental.pallas import tpu_sc as plsc

NC = 2
NS = 16
NW = NC * NS
LANES = 16
CHUNK = 80


def _zero_f32_2d(ref, nrows, ncols):
    zero = jnp.zeros((LANES,), jnp.float32)
    nc16 = ncols // LANES

    def body(i, carry):
        r = i // nc16
        c = i % nc16
        ref[r, pl.ds(c * LANES, LANES)] = zero
        return carry

    lax.fori_loop(0, nrows * nc16, body, 0)


def _fill_ones_2d(ref, nrows, ncols):
    one = jnp.ones((LANES,), jnp.float32)
    nc16 = ncols // LANES

    def body(i, carry):
        r = i // nc16
        c = i % nc16
        ref[r, pl.ds(c * LANES, LANES)] = one
        return carry

    lax.fori_loop(0, nrows * nc16, body, 0)


def _make_sc_agg(n, e, d, with_deg=False):
    C = CHUNK
    epw = e // NW
    assert epw * NW == e
    nchunk = epw // C
    tail = epw - nchunk * C
    assert nchunk % 2 == 1 and tail == 0
    rpt = (n // (8 * NS)) * 8
    rem = n - NS * rpt
    assert rem % 8 == 0 and rem <= 128
    ZR = rpt // 8
    ncopy = 8

    mesh = plsc.VectorSubcoreMesh(core_axis_name="c", subcore_axis_name="s",
                                  num_cores=NC, num_subcores=NS)

    assert nchunk % 3 == 2

    out_type = [jax.ShapeDtypeStruct((NC, n, d), jnp.float32)]
    if with_deg:
        out_type.append(jax.ShapeDtypeStruct((NC, n, d), jnp.float32))
    scratch = [
        pltpu.VMEM((epw,), jnp.int32),
        pltpu.VMEM((epw,), jnp.int32),
        pltpu.VMEM((C, d), jnp.float32),
        pltpu.VMEM((C, d), jnp.float32),
        pltpu.VMEM((C, d), jnp.float32),
        pltpu.VMEM_SHARED((n, d), jnp.float32),
        pltpu.SemaphoreType.DMA,
        pltpu.SemaphoreType.DMA,
        pltpu.SemaphoreType.DMA,
        pltpu.SemaphoreType.DMA,
        pltpu.SemaphoreType.DMA,
        pltpu.SemaphoreType.DMA,
    ]

    def body(h_hbm, src_hbm, dst_hbm, agg_out, *rest):
        if with_deg:
            (deg_out, src_v, dst_v, rows0, rows1, rows2, acc_sh,
             g0, g1, g2, s0, s1, s2) = rest
        else:
            (src_v, dst_v, rows0, rows1, rows2, acc_sh,
             g0, g1, g2, s0, s1, s2) = rest
        cid = lax.axis_index("c")
        sid = lax.axis_index("s")
        wid = sid * NC + cid
        base_w = wid * epw
        rows = [rows0, rows1, rows2]
        gsem = [g0, g1, g2]
        ssem = [s0, s1, s2]

        pltpu.async_copy(src_hbm.at[pl.ds(base_w, epw)], src_v, g0)
        pltpu.async_copy(dst_hbm.at[pl.ds(base_w, epw)], dst_v, g1)
        _zero_f32_2d(rows0, ZR, d)
        r0 = sid * rpt

        def zbody(j, carry):
            pltpu.async_copy(rows0.at[pl.ds(0, ZR)],
                             acc_sh.at[pl.ds(r0 + j * ZR, ZR)], s0)
            return carry

        lax.fori_loop(0, ncopy, zbody, 0)
        if rem:
            @pl.when(sid == NS - 1)
            def _():
                pltpu.async_copy(rows0.at[pl.ds(0, rem)],
                                 acc_sh.at[pl.ds(NS * rpt, rem)], s1)

        def zdrain(j, carry):
            pltpu.make_async_copy(rows0.at[pl.ds(0, ZR)],
                                  acc_sh.at[pl.ds(0, ZR)], s0).wait()
            return carry

        lax.fori_loop(0, ncopy, zdrain, 0)
        if rem:
            @pl.when(sid == NS - 1)
            def _():
                pltpu.make_async_copy(rows0.at[pl.ds(0, rem)],
                                      acc_sh.at[pl.ds(0, rem)], s1).wait()
        pltpu.make_async_copy(src_hbm.at[pl.ds(0, epw)], src_v, g0).wait()
        pltpu.make_async_copy(dst_hbm.at[pl.ds(0, epw)], dst_v, g1).wait()
        plsc.subcore_barrier()

        def start_gather(i, b):
            pltpu.async_copy(h_hbm.at[src_v.at[pl.ds(i * C, C)]], rows[b],
                             gsem[b])

        def wait_gather(b):
            pltpu.make_async_copy(h_hbm.at[pl.ds(0, C)], rows[b],
                                  gsem[b]).wait()

        def fire_scatter(i, b):
            pltpu.async_copy(rows[b], acc_sh.at[dst_v.at[pl.ds(i * C, C)]],
                             ssem[b], add=True)

        def wait_scatter(b):
            pltpu.make_async_copy(rows[b], acc_sh.at[pl.ds(0, C)],
                                  ssem[b]).wait()

        start_gather(0, 0)
        start_gather(1, 1)

        def step(i, t, skip_wait=False):
            if not skip_wait:
                wait_scatter((t + 2) % 3)
            start_gather(i + 2, (t + 2) % 3)
            wait_gather(t)
            fire_scatter(i, t)

        step(0, 0, skip_wait=True)
        for t in (1, 2):
            step(t, t)

        def group(q, carry):
            i = 3 * q
            for t in range(3):
                step(i + t, t)
            return carry

        lax.fori_loop(1, (nchunk - 2) // 3, group, 0)

        wait_scatter(2)
        wait_gather(0)
        fire_scatter(nchunk - 2, 0)
        wait_gather(1)
        fire_scatter(nchunk - 1, 1)
        wait_scatter(0)
        wait_scatter(1)
        plsc.subcore_barrier()

        pltpu.sync_copy(acc_sh.at[pl.ds(r0, rpt)],
                        agg_out.at[cid, pl.ds(r0, rpt)])
        if rem:
            @pl.when(sid == NS - 1)
            def _():
                pltpu.sync_copy(acc_sh.at[pl.ds(NS * rpt, rem)],
                                agg_out.at[cid, pl.ds(NS * rpt, rem)])

        if not with_deg:
            return

        _zero_f32_2d(rows0, ZR, d)
        _fill_ones_2d(rows1, C, d)

        def zbody2(j, carry):
            pltpu.async_copy(rows0.at[pl.ds(0, ZR)],
                             acc_sh.at[pl.ds(r0 + j * ZR, ZR)], s0)
            return carry

        lax.fori_loop(0, ncopy, zbody2, 0)
        if rem:
            @pl.when(sid == NS - 1)
            def _():
                pltpu.async_copy(rows0.at[pl.ds(0, rem)],
                                 acc_sh.at[pl.ds(NS * rpt, rem)], s1)

        def zdrain2(j, carry):
            pltpu.make_async_copy(rows0.at[pl.ds(0, ZR)],
                                  acc_sh.at[pl.ds(0, ZR)], s0).wait()
            return carry

        lax.fori_loop(0, ncopy, zdrain2, 0)
        if rem:
            @pl.when(sid == NS - 1)
            def _():
                pltpu.make_async_copy(rows0.at[pl.ds(0, rem)],
                                      acc_sh.at[pl.ds(0, rem)], s1).wait()
        plsc.subcore_barrier()

        DEPTH = 8

        def dfire(i):
            pltpu.async_copy(rows1,
                             acc_sh.at[dst_v.at[pl.ds(i * C, C)]], s2,
                             add=True)

        def ddrain():
            pltpu.make_async_copy(rows1, acc_sh.at[pl.ds(0, C)], s2).wait()

        def dprime(i, carry):
            dfire(i)
            return carry

        lax.fori_loop(0, DEPTH, dprime, 0)

        def dstep(i, carry):
            ddrain()
            dfire(i + DEPTH)
            return carry

        lax.fori_loop(0, nchunk - DEPTH, dstep, 0)

        def dflush(i, carry):
            ddrain()
            return carry

        lax.fori_loop(0, DEPTH, dflush, 0)
        plsc.subcore_barrier()

        pltpu.sync_copy(acc_sh.at[pl.ds(r0, rpt)],
                        deg_out.at[cid, pl.ds(r0, rpt)])
        if rem:
            @pl.when(sid == NS - 1)
            def _():
                pltpu.sync_copy(acc_sh.at[pl.ds(NS * rpt, rem)],
                                deg_out.at[cid, pl.ds(NS * rpt, rem)])

    return pl.kernel(body, out_type=out_type, mesh=mesh,
                     scratch_types=scratch)


def _make_tc_layer1(n, d):
    R = 2000
    assert n % R == 0

    def body(h_ref, ap_ref, dp_ref, ws_ref, wn_ref, b_ref, o_ref, rd_ref):
        deg = jnp.maximum(dp_ref[0, :, 0] + dp_ref[1, :, 0], 1.0)
        rd = (1.0 / deg)[:, None]
        rd_ref[...] = rd
        agg = (ap_ref[0] + ap_ref[1]) * rd
        acc = jnp.dot(h_ref[...], ws_ref[...],
                      preferred_element_type=jnp.float32)
        acc = acc + jnp.dot(agg, wn_ref[...],
                            preferred_element_type=jnp.float32)
        o_ref[...] = jnp.maximum(acc + b_ref[...], 0.0)

    return pl.pallas_call(
        body,
        grid=(n // R,),
        in_specs=[
            pl.BlockSpec((R, d), lambda i: (i, 0)),
            pl.BlockSpec((NC, R, d), lambda i: (0, i, 0)),
            pl.BlockSpec((NC, R, d), lambda i: (0, i, 0)),
            pl.BlockSpec((d, d), lambda i: (0, 0)),
            pl.BlockSpec((d, d), lambda i: (0, 0)),
            pl.BlockSpec((1, d), lambda i: (0, 0)),
        ],
        out_specs=[
            pl.BlockSpec((R, d), lambda i: (i, 0)),
            pl.BlockSpec((R, 1), lambda i: (i, 0)),
        ],
        out_shape=[
            jax.ShapeDtypeStruct((n, d), jnp.float32),
            jax.ShapeDtypeStruct((n, 1), jnp.float32),
        ],
    )


def _make_tc_layer(n, d, relu):
    R = 2000
    assert n % R == 0

    def body(h_ref, ap_ref, rd_ref, ws_ref, wn_ref, b_ref, o_ref):
        agg = (ap_ref[0] + ap_ref[1]) * rd_ref[...]
        acc = jnp.dot(h_ref[...], ws_ref[...],
                      preferred_element_type=jnp.float32)
        acc = acc + jnp.dot(agg, wn_ref[...],
                            preferred_element_type=jnp.float32)
        acc = acc + b_ref[...]
        o_ref[...] = jnp.maximum(acc, 0.0) if relu else acc

    return pl.pallas_call(
        body,
        grid=(n // R,),
        in_specs=[
            pl.BlockSpec((R, d), lambda i: (i, 0)),
            pl.BlockSpec((NC, R, d), lambda i: (0, i, 0)),
            pl.BlockSpec((R, 1), lambda i: (i, 0)),
            pl.BlockSpec((d, d), lambda i: (0, 0)),
            pl.BlockSpec((d, d), lambda i: (0, 0)),
            pl.BlockSpec((1, d), lambda i: (0, 0)),
        ],
        out_specs=pl.BlockSpec((R, d), lambda i: (i, 0)),
        out_shape=jax.ShapeDtypeStruct((n, d), jnp.float32),
    )


@functools.lru_cache(maxsize=None)
def _make_pipeline(n, e, d):
    sc_agg_deg = _make_sc_agg(n, e, d, with_deg=True)
    sc_agg = _make_sc_agg(n, e, d)
    tc_first = _make_tc_layer1(n, d)
    tc_relu = _make_tc_layer(n, d, relu=True)
    tc_lin = _make_tc_layer(n, d, relu=False)
    return sc_agg_deg, sc_agg, tc_first, tc_relu, tc_lin


def kernel(x, edge_index, W_self, W_neigh, b):
    n, d = x.shape
    e = edge_index.shape[1]
    sc_agg_deg, sc_agg, tc_first, tc_relu, tc_lin = _make_pipeline(n, e, d)

    src = edge_index[0]
    dst = edge_index[1]
    wst = W_self.T
    wnt = W_neigh.T
    b2 = b[None, :]

    aggp, degp = sc_agg_deg(x, src, dst)
    h, rdeg = tc_first(x, aggp, degp, wst, wnt, b2)
    (aggp,) = sc_agg(h, src, dst)
    h = tc_relu(h, aggp, rdeg, wst, wnt, b2)
    (aggp,) = sc_agg(h, src, dst)
    return tc_lin(h, aggp, rdeg, wst, wnt, b2)

# --- scband reference (transcript-rebuilt; emitter-appended) ---
"""Pipeline reference for scband-sage-78924319031789 (READ-ONLY COPY).

The authoritative reference and input builder live on the scoring server;
editing this copy changes nothing except your own understanding.
"""

import jax, jax.numpy as jnp
import numpy as np

N = 10000
E = 320000
D = 128

def setup_inputs(seed: int = 0) -> dict:
    key = jax.random.key(seed)
    k1, k2, k3, k4 = jax.random.split(key, 4)
    x = jax.random.normal(k1, (N, D), dtype=jnp.float32)
    edge_index = jax.random.randint(k2, (2, E), 0, N, dtype=jnp.int32)
    scale = 1.0 / np.sqrt(D)
    W_self = jax.random.normal(k3, (D, D), dtype=jnp.float32) * scale
    W_neigh = jax.random.normal(k4, (D, D), dtype=jnp.float32) * scale
    b = jnp.zeros((D,), dtype=jnp.float32)
    return {"x": x, "edge_index": edge_index, "W_self": W_self, "W_neigh": W_neigh, "b": b}

def reference(x, edge_index, W_self, W_neigh, b):
    # DGL SAGEConv(aggregator_type='mean'): out = fc_self(h) + fc_neigh(mean_{j in N(i)} h_j) + bias
    # The same layer is applied n_layers=3 times: relu, relu, then linear output.
    src = edge_index[0]
    dst = edge_index[1]
    n = x.shape[0]
    deg = jnp.zeros((n,), dtype=jnp.float32).at[dst].add(1.0)
    deg = jnp.maximum(deg, 1.0)

    def conv(h):
        msg = h[src]  # gather source node features per edge
        agg = jax.ops.segment_sum(msg, dst, num_segments=n) / deg[:, None]  # mean aggregation
        return h @ W_self.T + agg @ W_neigh.T + b

    h = jax.nn.relu(conv(x))
    h = jax.nn.relu(conv(h))
    return conv(h)

if __name__ == "__main__":
    import jax
    _d = setup_inputs()
    print(jax.jit(kernel)(*tuple(_d.values())))

</pallas_src>

<mosaic_0001>
#map = affine_map<(d0, d1) -> (0, 0)>
#map1 = affine_map<(d0, d1) -> (0)>
#map2 = affine_map<(d0, d1) -> (0, 0, 0)>
module attributes {stable_mosaic.version = 14 : i64} {
  func.func @body(%arg0: i32, %arg1: i32, %arg2: memref<10000x128xf32, #tpu.memory_space<hbm>>, %arg3: memref<320000xi32, #tpu.memory_space<hbm>>, %arg4: memref<320000xi32, #tpu.memory_space<hbm>>, %arg5: memref<2x10000x128xf32, #tpu.memory_space<hbm>>, %arg6: memref<10000xi32, #tpu.memory_space<vmem>>, %arg7: memref<10000xi32, #tpu.memory_space<vmem>>, %arg8: memref<80x128xf32, #tpu.memory_space<vmem>>, %arg9: memref<80x128xf32, #tpu.memory_space<vmem>>, %arg10: memref<80x128xf32, #tpu.memory_space<vmem>>, %arg11: memref<10000x128xf32, #tpu.memory_space<vmem_shared>>, %arg12: memref<!tpu.dma_semaphore, #tpu.memory_space<semaphore_mem>>, %arg13: memref<!tpu.dma_semaphore, #tpu.memory_space<semaphore_mem>>, %arg14: memref<!tpu.dma_semaphore, #tpu.memory_space<semaphore_mem>>, %arg15: memref<!tpu.dma_semaphore, #tpu.memory_space<semaphore_mem>>, %arg16: memref<!tpu.dma_semaphore, #tpu.memory_space<semaphore_mem>>, %arg17: memref<!tpu.dma_semaphore, #tpu.memory_space<semaphore_mem>>) attributes {dimension_semantics = [#tpu.dimension_semantics<core_parallel>, #tpu.dimension_semantics<subcore_parallel>], iteration_bounds = array<i64: 2, 16>, scalar_prefetch = 0 : i64, scratch_operands = 12 : i64, tpu.core_type = #tpu.core_type<sc_vector_subcore>, window_params = [{transform_indices = #map}, {transform_indices = #map1}, {transform_indices = #map1}, {transform_indices = #map2}]} {
    %mul3A = arith.constant 2 : i32
    %mul3A_0 = arith.muli %arg1, %mul3A : i32
    %add3A = arith.addi %mul3A_0, %arg0 : i32
    %mul3A_1 = arith.constant 10000 : i32
    %mul3A_2 = arith.muli %add3A, %mul3A_1 : i32
    %dma_start3A = tpu.memref_slice %arg3[%mul3A_2] : memref<320000xi32, #tpu.memory_space<hbm>> -> memref<10000xi32, #tpu.memory_space<hbm>>
    %dma_start3A_3 = tpu.memref_slice %arg3[%mul3A_2] : memref<320000xi32, #tpu.memory_space<hbm>> -> memref<10000xi32, #tpu.memory_space<hbm>>
    tpu.enqueue_dma source(%dma_start3A_3 : memref<10000xi32, #tpu.memory_space<hbm>>) target(%arg6 : memref<10000xi32, #tpu.memory_space<vmem>>) target_semaphore(%arg12 : memref<!tpu.dma_semaphore, #tpu.memory_space<semaphore_mem>>)
    %dma_start3A_4 = tpu.memref_slice %arg4[%mul3A_2] : memref<320000xi32, #tpu.memory_space<hbm>> -> memref<10000xi32, #tpu.memory_space<hbm>>
    %dma_start3A_5 = tpu.memref_slice %arg4[%mul3A_2] : memref<320000xi32, #tpu.memory_space<hbm>> -> memref<10000xi32, #tpu.memory_space<hbm>>
    tpu.enqueue_dma source(%dma_start3A_5 : memref<10000xi32, #tpu.memory_space<hbm>>) target(%arg7 : memref<10000xi32, #tpu.memory_space<vmem>>) target_semaphore(%arg13 : memref<!tpu.dma_semaphore, #tpu.memory_space<semaphore_mem>>)
    %broadcast_in_dim3A = arith.constant 0.000000e+00 : f32
    %broadcast_in_dim3A_6 = vector.broadcast %broadcast_in_dim3A : f32 to vector<16xf32>
    %scan3A = arith.constant 0 : i32
    %scan3A_7 = arith.constant 0 : i32
    %scan3A_8 = arith.constant 624 : i32
    %scan3A_9 = arith.addi %scan3A_7, %scan3A_8 : i32
    %scan3A_10 = arith.constant 1 : i32
    scf.for %scan3A_162 = %scan3A_7 to %scan3A_9 step %scan3A_10  : i32 {
      %jit3A = arith.constant 8 : i32
      %div3A = arith.divsi %scan3A_162, %jit3A : i32
      %sign3A = arith.constant 0 : i32
      %sign3A_163 = arith.cmpi sgt, %scan3A_162, %sign3A : i32
      %sign3A_164 = arith.extui %sign3A_163 : i1 to i32
      %sign3A_165 = arith.constant 0 : i32
      %sign3A_166 = arith.cmpi slt, %scan3A_162, %sign3A_165 : i32
      %sign3A_167 = arith.extui %sign3A_166 : i1 to i32
      %sign3A_168 = arith.subi %sign3A_164, %sign3A_167 : i32
      %sign3A_169 = arith.constant 0 : i32
      %sign3A_170 = arith.cmpi sgt, %jit3A, %sign3A_169 : i32
      %sign3A_171 = arith.extui %sign3A_170 : i1 to i32
      %sign3A_172 = arith.constant 0 : i32
      %sign3A_173 = arith.cmpi slt, %jit3A, %sign3A_172 : i32
      %sign3A_174 = arith.extui %sign3A_173 : i1 to i32
      %sign3A_175 = arith.subi %sign3A_171, %sign3A_174 : i32
      %ne3A = arith.cmpi ne, %sign3A_168, %sign3A_175 : i32
      %rem3A = arith.remsi %scan3A_162, %jit3A : i32
      %ne3A_176 = arith.constant 0 : i32
      %ne3A_177 = arith.cmpi ne, %rem3A, %ne3A_176 : i32
      %and3A = arith.andi %ne3A, %ne3A_177 : i1
      %sub3A = arith.constant 1 : i32
      %sub3A_178 = arith.subi %div3A, %sub3A : i32
      %select_n3A = arith.select %and3A, %sub3A_178, %div3A : i32
      %jit3A_179 = arith.constant 8 : i32
      %eq3A_180 = arith.constant 0 : i32
      %eq3A_181 = arith.cmpi eq, %jit3A_179, %eq3A_180 : i32
      %jit3A_182 = arith.constant 1 : i32
      %select_n3A_183 = arith.select %eq3A_181, %jit3A_182, %jit3A_179 : i32
      %rem3A_184 = arith.remsi %scan3A_162, %select_n3A_183 : i32
      %ne3A_185 = arith.constant 0 : i32
      %ne3A_186 = arith.cmpi ne, %rem3A_184, %ne3A_185 : i32
      %lt3A = arith.constant 0 : i32
      %lt3A_187 = arith.cmpi slt, %rem3A_184, %lt3A : i32
      %lt3A_188 = arith.constant 0 : i32
      %lt3A_189 = arith.cmpi slt, %select_n3A_183, %lt3A_188 : i32
      %ne3A_190 = arith.xori %lt3A_187, %lt3A_189 : i1
      %and3A_191 = arith.andi %ne3A_190, %ne3A_186 : i1
      %add3A_192 = arith.addi %rem3A_184, %select_n3A_183 : i32
      %select_n3A_193 = arith.select %and3A_191, %add3A_192, %rem3A_184 : i32
      %mul3A_194 = arith.constant 16 : i32
      %mul3A_195 = arith.muli %select_n3A_193, %mul3A_194 : i32
      %swap3A = arith.index_cast %select_n3A : i32 to index
      %swap3A_196 = arith.index_cast %mul3A_195 : i32 to index
      %swap3A_197 = tpu.vector_load %arg8[%swap3A, %swap3A_196] {strides = array<i32>} : memref<80x128xf32, #tpu.memory_space<vmem>>, vector<1x16xf32>,
      %swap3A_198 = vector.shape_cast %swap3A_197 : vector<1x16xf32> to vector<16xf32>
      %swap3A_199 = vector.shape_cast %broadcast_in_dim3A_6 : vector<16xf32> to vector<1x16xf32>
      tpu.vector_store %arg8[%swap3A, %swap3A_196], %swap3A_199 {strides = array<i32>} : memref<80x128xf32, #tpu.memory_space<vmem>>, vector<1x16xf32>,
    }
    %scan3A_11 = arith.constant 624 : i32
    %mul3A_12 = arith.constant 624 : i32
    %mul3A_13 = arith.muli %arg1, %mul3A_12 : i32
    %scan3A_14 = arith.constant 0 : i32
    %scan3A_15 = arith.constant 0 : i32
    %scan3A_16 = arith.constant 8 : i32
    %scan3A_17 = arith.addi %scan3A_15, %scan3A_16 : i32
    %scan3A_18 = arith.constant 1 : i32
    scf.for %scan3A_162 = %scan3A_15 to %scan3A_17 step %scan3A_18  : i32 {
      %mul3A_163 = arith.constant 78 : i32
      %mul3A_164 = arith.muli %scan3A_162, %mul3A_163 : i32
      %add3A_165 = arith.addi %mul3A_13, %mul3A_164 : i32
      %dma_start3A_166 = arith.constant 0 : i32
      %dma_start3A_167 = arith.constant 0 : i32
      %dma_start3A_168 = tpu.memref_slice %arg8[%dma_start3A_166, %dma_start3A_167] : memref<80x128xf32, #tpu.memory_space<vmem>> -> memref<78x128xf32, #tpu.memory_space<vmem>>
      %dma_start3A_169 = arith.constant 0 : i32
      %dma_start3A_170 = tpu.memref_slice %arg11[%add3A_165, %dma_start3A_169] : memref<10000x128xf32, #tpu.memory_space<vmem_shared>> -> memref<78x128xf32, #tpu.memory_space<vmem_shared>>
      %dma_start3A_171 = arith.constant 0 : i32
      %dma_start3A_172 = tpu.memref_slice %arg11[%add3A_165, %dma_start3A_171] : memref<10000x128xf32, #tpu.memory_space<vmem_shared>> -> memref<78x128xf32, #tpu.memory_space<vmem_shared>>
      %dma_start3A_173 = arith.constant 0 : i32
      %dma_start3A_174 = arith.constant 0 : i32
      %dma_start3A_175 = tpu.memref_slice %arg8[%dma_start3A_173, %dma_start3A_174] : memref<80x128xf32, #tpu.memory_space<vmem>> -> memref<78x128xf32, #tpu.memory_space<vmem>>
      tpu.enqueue_dma source(%dma_start3A_175 : memref<78x128xf32, #tpu.memory_space<vmem>>) target(%dma_start3A_172 : memref<78x128xf32, #tpu.memory_space<vmem_shared>>) target_semaphore(%arg15 : memref<!tpu.dma_semaphore, #tpu.memory_space<semaphore_mem>>)
    }
    %scan3A_19 = arith.constant 8 : i32
    %eq3A = arith.constant 15 : i32
    %eq3A_20 = arith.cmpi eq, %arg1, %eq3A : i32
    %convert_element_type3A = arith.extui %eq3A_20 : i1 to i32
    %cond3A = arith.constant 0 : i32
    %cond3A_21 = arith.cmpi ne, %convert_element_type3A, %cond3A : i32
    scf.if %cond3A_21 {
      %dma_start3A_162 = arith.constant 0 : i32
      %dma_start3A_163 = arith.constant 0 : i32
      %dma_start3A_164 = tpu.memref_slice %arg8[%dma_start3A_162, %dma_start3A_163] : memref<80x128xf32, #tpu.memory_space<vmem>> -> memref<16x128xf32, #tpu.memory_space<vmem>>
      %dma_start3A_165 = arith.constant 9984 : i32
      %dma_start3A_166 = arith.constant 0 : i32
      %dma_start3A_167 = tpu.memref_slice %arg11[%dma_start3A_165, %dma_start3A_166] : memref<10000x128xf32, #tpu.memory_space<vmem_shared>> -> memref<16x128xf32, #tpu.memory_space<vmem_shared>>
      %dma_start3A_168 = arith.constant 9984 : i32
      %dma_start3A_169 = arith.constant 0 : i32
      %dma_start3A_170 = tpu.memref_slice %arg11[%dma_start3A_168, %dma_start3A_169] : memref<10000x128xf32, #tpu.memory_space<vmem_shared>> -> memref<16x128xf32, #tpu.memory_space<vmem_shared>>
      %dma_start3A_171 = arith.constant 0 : i32
      %dma_start3A_172 = arith.constant 0 : i32
      %dma_start3A_173 = tpu.memref_slice %arg8[%dma_start3A_171, %dma_start3A_172] : memref<80x128xf32, #tpu.memory_space<vmem>> -> memref<16x128xf32, #tpu.memory_space<vmem>>
      tpu.enqueue_dma source(%dma_start3A_173 : memref<16x128xf32, #tpu.memory_space<vmem>>) target(%dma_start3A_170 : memref<16x128xf32, #tpu.memory_space<vmem_shared>>) target_semaphore(%arg16 : memref<!tpu.dma_semaphore, #tpu.memory_space<semaphore_mem>>)
    } else {
    }
    %scan3A_22 = arith.constant 0 : i32
    %scan3A_23 = arith.constant 0 : i32
    %scan3A_24 = arith.constant 8 : i32
    %scan3A_25 = arith.addi %scan3A_23, %scan3A_24 : i32
    %scan3A_26 = arith.constant 1 : i32
    scf.for %scan3A_162 = %scan3A_23 to %scan3A_25 step %scan3A_26  : i32 {
      %dma_wait3A_163 = arith.constant 0 : i32
      %dma_wait3A_164 = arith.constant 0 : i32
      %dma_wait3A_165 = tpu.memref_slice %arg8[%dma_wait3A_163, %dma_wait3A_164] : memref<80x128xf32, #tpu.memory_space<vmem>> -> memref<78x128xf32, #tpu.memory_space<vmem>>
      %dma_wait3A_166 = arith.constant 0 : i32
      %dma_wait3A_167 = arith.constant 0 : i32
      %dma_wait3A_168 = tpu.memref_slice %arg11[%dma_wait3A_166, %dma_wait3A_167] : memref<10000x128xf32, #tpu.memory_space<vmem_shared>> -> memref<78x128xf32, #tpu.memory_space<vmem_shared>>
      %dma_wait3A_169 = arith.constant 0 : i32
      %dma_wait3A_170 = arith.constant 0 : i32
      %dma_wait3A_171 = tpu.memref_slice %arg11[%dma_wait3A_169, %dma_wait3A_170] : memref<10000x128xf32, #tpu.memory_space<vmem_shared>> -> memref<78x128xf32, #tpu.memory_space<vmem_shared>>
      %dma_wait3A_172 = arith.constant 0 : i32
      %dma_wait3A_173 = arith.constant 0 : i32
      %dma_wait3A_174 = tpu.memref_slice %arg8[%dma_wait3A_172, %dma_wait3A_173] : memref<80x128xf32, #tpu.memory_space<vmem>> -> memref<78x128xf32, #tpu.memory_space<vmem>>
      tpu.wait_dma2 semaphore(%arg15 : memref<!tpu.dma_semaphore, #tpu.memory_space<semaphore_mem>>) src(%dma_wait3A_174 : memref<78x128xf32, #tpu.memory_space<vmem>>) dst(%dma_wait3A_171 : memref<78x128xf32, #tpu.memory_space<vmem_shared>>)
    }
    %scan3A_27 = arith.constant 8 : i32
    %eq3A_28 = arith.constant 15 : i32
    %eq3A_29 = arith.cmpi eq, %arg1, %eq3A_28 : i32
    %convert_element_type3A_30 = arith.extui %eq3A_29 : i1 to i32
    %cond3A_31 = arith.constant 0 : i32
    %cond3A_32 = arith.cmpi ne, %convert_element_type3A_30, %cond3A_31 : i32
    scf.if %cond3A_32 {
      %dma_wait3A_162 = arith.constant 0 : i32
      %dma_wait3A_163 = arith.constant 0 : i32
      %dma_wait3A_164 = tpu.memref_slice %arg8[%dma_wait3A_162, %dma_wait3A_163] : memref<80x128xf32, #tpu.memory_space<vmem>> -> memref<16x128xf32, #tpu.memory_space<vmem>>
      %dma_wait3A_165 = arith.constant 0 : i32
      %dma_wait3A_166 = arith.constant 0 : i32
      %dma_wait3A_167 = tpu.memref_slice %arg11[%dma_wait3A_165, %dma_wait3A_166] : memref<10000x128xf32, #tpu.memory_space<vmem_shared>> -> memref<16x128xf32, #tpu.memory_space<vmem_shared>>
      %dma_wait3A_168 = arith.constant 0 : i32
      %dma_wait3A_169 = arith.constant 0 : i32
      %dma_wait3A_170 = tpu.memref_slice %arg11[%dma_wait3A_168, %dma_wait3A_169] : memref<10000x128xf32, #tpu.memory_space<vmem_shared>> -> memref<16x128xf32, #tpu.memory_space<vmem_shared>>
      %dma_wait3A_171 = arith.constant 0 : i32
      %dma_wait3A_172 = arith.constant 0 : i32
      %dma_wait3A_173 = tpu.memref_slice %arg8[%dma_wait3A_171, %dma_wait3A_172] : memref<80x128xf32, #tpu.memory_space<vmem>> -> memref<16x128xf32, #tpu.memory_space<vmem>>
      tpu.wait_dma2 semaphore(%arg16 : memref<!tpu.dma_semaphore, #tpu.memory_space<semaphore_mem>>) src(%dma_wait3A_173 : memref<16x128xf32, #tpu.memory_space<vmem>>) dst(%dma_wait3A_170 : memref<16x128xf32, #tpu.memory_space<vmem_shared>>)
    } else {
    }
    %dma_wait3A = arith.constant 0 : i32
    %dma_wait3A_33 = tpu.memref_slice %arg3[%dma_wait3A] : memref<320000xi32, #tpu.memory_space<hbm>> -> memref<10000xi32, #tpu.memory_space<hbm>>
    %dma_wait3A_34 = arith.constant 0 : i32
    %dma_wait3A_35 = tpu.memref_slice %arg3[%dma_wait3A_34] : memref<320000xi32, #tpu.memory_space<hbm>> -> memref<10000xi32, #tpu.memory_space<hbm>>
    tpu.wait_dma2 semaphore(%arg12 : memref<!tpu.dma_semaphore, #tpu.memory_space<semaphore_mem>>) src(%dma_wait3A_35 : memref<10000xi32, #tpu.memory_space<hbm>>) dst(%arg6 : memref<10000xi32, #tpu.memory_space<vmem>>)
    %dma_wait3A_36 = arith.constant 0 : i32
    %dma_wait3A_37 = tpu.memref_slice %arg4[%dma_wait3A_36] : memref<320000xi32, #tpu.memory_space<hbm>> -> memref<10000xi32, #tpu.memory_space<hbm>>
    %dma_wait3A_38 = arith.constant 0 : i32
    %dma_wait3A_39 = tpu.memref_slice %arg4[%dma_wait3A_38] : memref<320000xi32, #tpu.memory_space<hbm>> -> memref<10000xi32, #tpu.memory_space<hbm>>
    tpu.wait_dma2 semaphore(%arg13 : memref<!tpu.dma_semaphore, #tpu.memory_space<semaphore_mem>>) src(%dma_wait3A_39 : memref<10000xi32, #tpu.memory_space<hbm>>) dst(%arg7 : memref<10000xi32, #tpu.memory_space<vmem>>)
    %barrier3A = arith.constant 0 : index
    tpu.barrier barrier_id(%barrier3A)
    %dma_start3A_40 = arith.constant 0 : i32
    %dma_start3A_41 = tpu.memref_slice %arg6[%dma_start3A_40] : memref<10000xi32, #tpu.memory_space<vmem>> -> memref<80xi32, #tpu.memory_space<vmem>>
    %dma_start3A_42 = arith.constant 0 : i32
    %dma_start3A_43 = arith.constant 0 : i32
    %dma_start3A_44 = tpu.memref_slice %arg2[%dma_start3A_42, %dma_start3A_43] : memref<10000x128xf32, #tpu.memory_space<hbm>> -> memref<10000x128xf32, #tpu.memory_space<hbm>>
    tpu.enqueue_indirect_dma source(%dma_start3A_44 : memref<10000x128xf32, #tpu.memory_space<hbm>>) target(%arg8 : memref<80x128xf32, #tpu.memory_space<vmem>>) offsets(%dma_start3A_41 : memref<80xi32, #tpu.memory_space<vmem>>) semaphore(%arg12 : memref<!tpu.dma_semaphore, #tpu.memory_space<semaphore_mem>>)
    %dma_start3A_45 = arith.constant 80 : i32
    %dma_start3A_46 = tpu.memref_slice %arg6[%dma_start3A_45] : memref<10000xi32, #tpu.memory_space<vmem>> -> memref<80xi32, #tpu.memory_space<vmem>>
    %dma_start3A_47 = arith.constant 0 : i32
    %dma_start3A_48 = arith.constant 0 : i32
    %dma_start3A_49 = tpu.memref_slice %arg2[%dma_start3A_47, %dma_start3A_48] : memref<10000x128xf32, #tpu.memory_space<hbm>> -> memref<10000x128xf32, #tpu.memory_space<hbm>>
    tpu.enqueue_indirect_dma source(%dma_start3A_49 : memref<10000x128xf32, #tpu.memory_space<hbm>>) target(%arg9 : memref<80x128xf32, #tpu.memory_space<vmem>>) offsets(%dma_start3A_46 : memref<80xi32, #tpu.memory_space<vmem>>) semaphore(%arg13 : memref<!tpu.dma_semaphore, #tpu.memory_space<semaphore_mem>>)
    %dma_start3A_50 = arith.constant 160 : i32
    %dma_start3A_51 = tpu.memref_slice %arg6[%dma_start3A_50] : memref<10000xi32, #tpu.memory_space<vmem>> -> memref<80xi32, #tpu.memory_space<vmem>>
    %dma_start3A_52 = arith.constant 0 : i32
    %dma_start3A_53 = arith.constant 0 : i32
    %dma_start3A_54 = tpu.memref_slice %arg2[%dma_start3A_52, %dma_start3A_53] : memref<10000x128xf32, #tpu.memory_space<hbm>> -> memref<10000x128xf32, #tpu.memory_space<hbm>>
    tpu.enqueue_indirect_dma source(%dma_start3A_54 : memref<10000x128xf32, #tpu.memory_space<hbm>>) target(%arg10 : memref<80x128xf32, #tpu.memory_space<vmem>>) offsets(%dma_start3A_51 : memref<80xi32, #tpu.memory_space<vmem>>) semaphore(%arg14 : memref<!tpu.dma_semaphore, #tpu.memory_space<semaphore_mem>>)
    %dma_wait3A_55 = arith.constant 0 : i32
    %dma_wait3A_56 = arith.constant 0 : i32
    %dma_wait3A_57 = tpu.memref_slice %arg2[%dma_wait3A_55, %dma_wait3A_56] : memref<10000x128xf32, #tpu.memory_space<hbm>> -> memref<80x128xf32, #tpu.memory_space<hbm>>
    %dma_wait3A_58 = arith.constant 0 : i32
    %dma_wait3A_59 = arith.constant 0 : i32
    %dma_wait3A_60 = tpu.memref_slice %arg2[%dma_wait3A_58, %dma_wait3A_59] : memref<10000x128xf32, #tpu.memory_space<hbm>> -> memref<80x128xf32, #tpu.memory_space<hbm>>
    tpu.wait_dma2 semaphore(%arg12 : memref<!tpu.dma_semaphore, #tpu.memory_space<semaphore_mem>>) src(%dma_wait3A_60 : memref<80x128xf32, #tpu.memory_space<hbm>>) dst(%arg8 : memref<80x128xf32, #tpu.memory_space<vmem>>)
    %dma_start3A_61 = arith.constant 0 : i32
    %dma_start3A_62 = tpu.memref_slice %arg7[%dma_start3A_61] : memref<10000xi32, #tpu.memory_space<vmem>> -> memref<80xi32, #tpu.memory_space<vmem>>
    %dma_start3A_63 = arith.constant 0 : i32
    %dma_start3A_64 = arith.constant 0 : i32
    %dma_start3A_65 = tpu.memref_slice %arg11[%dma_start3A_63, %dma_start3A_64] : memref<10000x128xf32, #tpu.memory_space<vmem_shared>> -> memref<10000x128xf32, #tpu.memory_space<vmem_shared>>
    tpu.enqueue_indirect_dma source(%arg8 : memref<80x128xf32, #tpu.memory_space<vmem>>) target(%dma_start3A_65 : memref<10000x128xf32, #tpu.memory_space<vmem_shared>>) offsets(%dma_start3A_62 : memref<80xi32, #tpu.memory_space<vmem>>) semaphore(%arg15 : memref<!tpu.dma_semaphore, #tpu.memory_space<semaphore_mem>>) {add = true}
    %dma_wait3A_66 = arith.constant 0 : i32
    %dma_wait3A_67 = arith.constant 0 : i32
    %dma_wait3A_68 = tpu.memref_slice %arg11[%dma_wait3A_66, %dma_wait3A_67] : memref<10000x128xf32, #tpu.memory_space<vmem_shared>> -> memref<80x128xf32, #tpu.memory_space<vmem_shared>>
    %dma_wait3A_69 = arith.constant 0 : i32
    %dma_wait3A_70 = arith.constant 0 : i32
    %dma_wait3A_71 = tpu.memref_slice %arg11[%dma_wait3A_69, %dma_wait3A_70] : memref<10000x128xf32, #tpu.memory_space<vmem_shared>> -> memref<80x128xf32, #tpu.memory_space<vmem_shared>>
    tpu.wait_dma2 semaphore(%arg15 : memref<!tpu.dma_semaphore, #tpu.memory_space<semaphore_mem>>) src(%arg8 : memref<80x128xf32, #tpu.memory_space<vmem>>) dst(%dma_wait3A_71 : memref<80x128xf32, #tpu.memory_space<vmem_shared>>)
    %dma_start3A_72 = arith.constant 240 : i32
    %dma_start3A_73 = tpu.memref_slice %arg6[%dma_start3A_72] : memref<10000xi32, #tpu.memory_space<vmem>> -> memref<80xi32, #tpu.memory_space<vmem>>
    %dma_start3A_74 = arith.constant 0 : i32
    %dma_start3A_75 = arith.constant 0 : i32
    %dma_start3A_76 = tpu.memref_slice %arg2[%dma_start3A_74, %dma_start3A_75] : memref<10000x128xf32, #tpu.memory_space<hbm>> -> memref<10000x128xf32, #tpu.memory_space<hbm>>
    tpu.enqueue_indirect_dma source(%dma_start3A_76 : memref<10000x128xf32, #tpu.memory_space<hbm>>) target(%arg8 : memref<80x128xf32, #tpu.memory_space<vmem>>) offsets(%dma_start3A_73 : memref<80xi32, #tpu.memory_space<vmem>>) semaphore(%arg12 : memref<!tpu.dma_semaphore, #tpu.memory_space<semaphore_mem>>)
    %dma_wait3A_77 = arith.constant 0 : i32
    %dma_wait3A_78 = arith.constant 0 : i32
    %dma_wait3A_79 = tpu.memref_slice %arg2[%dma_wait3A_77, %dma_wait3A_78] : memref<10000x128xf32, #tpu.memory_space<hbm>> -> memref<80x128xf32, #tpu.memory_space<hbm>>
    %dma_wait3A_80 = arith.constant 0 : i32
    %dma_wait3A_81 = arith.constant 0 : i32
    %dma_wait3A_82 = tpu.memref_slice %arg2[%dma_wait3A_80, %dma_wait3A_81] : memref<10000x128xf32, #tpu.memory_space<hbm>> -> memref<80x128xf32, #tpu.memory_space<hbm>>
    tpu.wait_dma2 semaphore(%arg13 : memref<!tpu.dma_semaphore, #tpu.memory_space<semaphore_mem>>) src(%dma_wait3A_82 : memref<80x128xf32, #tpu.memory_space<hbm>>) dst(%arg9 : memref<80x128xf32, #tpu.memory_space<vmem>>)
    %dma_start3A_83 = arith.constant 80 : i32
    %dma_start3A_84 = tpu.memref_slice %arg7[%dma_start3A_83] : memref<10000xi32, #tpu.memory_space<vmem>> -> memref<80xi32, #tpu.memory_space<vmem>>
    %dma_start3A_85 = arith.constant 0 : i32
    %dma_start3A_86 = arith.constant 0 : i32
    %dma_start3A_87 = tpu.memref_slice %arg11[%dma_start3A_85, %dma_start3A_86] : memref<10000x128xf32, #tpu.memory_space<vmem_shared>> -> memref<10000x128xf32, #tpu.memory_space<vmem_shared>>
    tpu.enqueue_indirect_dma source(%arg9 : memref<80x128xf32, #tpu.memory_space<vmem>>) target(%dma_start3A_87 : memref<10000x128xf32, #tpu.memory_space<vmem_shared>>) offsets(%dma_start3A_84 : memref<80xi32, #tpu.memory_space<vmem>>) semaphore(%arg16 : memref<!tpu.dma_semaphore, #tpu.memory_space<semaphore_mem>>) {add = true}
    %dma_wait3A_88 = arith.constant 0 : i32
    %dma_wait3A_89 = arith.constant 0 : i32
    %dma_wait3A_90 = tpu.memref_slice %arg11[%dma_wait3A_88, %dma_wait3A_89] : memref<10000x128xf32, #tpu.memory_space<vmem_shared>> -> memref<80x128xf32, #tpu.memory_space<vmem_shared>>
    %dma_wait3A_91 = arith.constant 0 : i32
    %dma_wait3A_92 = arith.constant 0 : i32
    %dma_wait3A_93 = tpu.memref_slice %arg11[%dma_wait3A_91, %dma_wait3A_92] : memref<10000x128xf32, #tpu.memory_space<vmem_shared>> -> memref<80x128xf32, #tpu.memory_space<vmem_shared>>
    tpu.wait_dma2 semaphore(%arg16 : memref<!tpu.dma_semaphore, #tpu.memory_space<semaphore_mem>>) src(%arg9 : memref<80x128xf32, #tpu.memory_space<vmem>>) dst(%dma_wait3A_93 : memref<80x128xf32, #tpu.memory_space<vmem_shared>>)
    %dma_start3A_94 = arith.constant 320 : i32
    %dma_start3A_95 = tpu.memref_slice %arg6[%dma_start3A_94] : memref<10000xi32, #tpu.memory_space<vmem>> -> memref<80xi32, #tpu.memory_space<vmem>>
    %dma_start3A_96 = arith.constant 0 : i32
    %dma_start3A_97 = arith.constant 0 : i32
    %dma_start3A_98 = tpu.memref_slice %arg2[%dma_start3A_96, %dma_start3A_97] : memref<10000x128xf32, #tpu.memory_space<hbm>> -> memref<10000x128xf32, #tpu.memory_space<hbm>>
    tpu.enqueue_indirect_dma source(%dma_start3A_98 : memref<10000x128xf32, #tpu.memory_space<hbm>>) target(%arg9 : memref<80x128xf32, #tpu.memory_space<vmem>>) offsets(%dma_start3A_95 : memref<80xi32, #tpu.memory_space<vmem>>) semaphore(%arg13 : memref<!tpu.dma_semaphore, #tpu.memory_space<semaphore_mem>>)
    %dma_wait3A_99 = arith.constant 0 : i32
    %dma_wait3A_100 = arith.constant 0 : i32
    %dma_wait3A_101 = tpu.memref_slice %arg2[%dma_wait3A_99, %dma_wait3A_100] : memref<10000x128xf32, #tpu.memory_space<hbm>> -> memref<80x128xf32, #tpu.memory_space<hbm>>
    %dma_wait3A_102 = arith.constant 0 : i32
    %dma_wait3A_103 = arith.constant 0 : i32
    %dma_wait3A_104 = tpu.memref_slice %arg2[%dma_wait3A_102, %dma_wait3A_103] : memref<10000x128xf32, #tpu.memory_space<hbm>> -> memref<80x128xf32, #tpu.memory_space<hbm>>
    tpu.wait_dma2 semaphore(%arg14 : memref<!tpu.dma_semaphore, #tpu.memory_space<semaphore_mem>>) src(%dma_wait3A_104 : memref<80x128xf32, #tpu.memory_space<hbm>>) dst(%arg10 : memref<80x128xf32, #tpu.memory_space<vmem>>)
    %dma_start3A_105 = arith.constant 160 : i32
    %dma_start3A_106 = tpu.memref_slice %arg7[%dma_start3A_105] : memref<10000xi32, #tpu.memory_space<vmem>> -> memref<80xi32, #tpu.memory_space<vmem>>
    %dma_start3A_107 = arith.constant 0 : i32
    %dma_start3A_108 = arith.constant 0 : i32
    %dma_start3A_109 = tpu.memref_slice %arg11[%dma_start3A_107, %dma_start3A_108] : memref<10000x128xf32, #tpu.memory_space<vmem_shared>> -> memref<10000x128xf32, #tpu.memory_space<vmem_shared>>
    tpu.enqueue_indirect_dma source(%arg10 : memref<80x128xf32, #tpu.memory_space<vmem>>) target(%dma_start3A_109 : memref<10000x128xf32, #tpu.memory_space<vmem_shared>>) offsets(%dma_start3A_106 : memref<80xi32, #tpu.memory_space<vmem>>) semaphore(%arg17 : memref<!tpu.dma_semaphore, #tpu.memory_space<semaphore_mem>>) {add = true}
    %scan3A_110 = arith.constant 0 : i32
    %scan3A_111 = arith.constant 1 : i32
    %scan3A_112 = arith.constant 40 : i32
    %scan3A_113 = arith.addi %scan3A_111, %scan3A_112 : i32
    %scan3A_114 = arith.constant 1 : i32
    scf.for %scan3A_162 = %scan3A_111 to %scan3A_113 step %scan3A_114  : i32 {
      %mul3A_163 = arith.constant 3 : i32
      %mul3A_164 = arith.muli %mul3A_163, %scan3A_162 : i32
      %add3A_165 = arith.constant 0 : i32
      %add3A_166 = arith.addi %mul3A_164, %add3A_165 : i32
      %dma_wait3A_167 = arith.constant 0 : i32
      %dma_wait3A_168 = arith.constant 0 : i32
      %dma_wait3A_169 = tpu.memref_slice %arg11[%dma_wait3A_167, %dma_wait3A_168] : memref<10000x128xf32, #tpu.memory_space<vmem_shared>> -> memref<80x128xf32, #tpu.memory_space<vmem_shared>>
      %dma_wait3A_170 = arith.constant 0 : i32
      %dma_wait3A_171 = arith.constant 0 : i32
      %dma_wait3A_172 = tpu.memref_slice %arg11[%dma_wait3A_170, %dma_wait3A_171] : memref<10000x128xf32, #tpu.memory_space<vmem_shared>> -> memref<80x128xf32, #tpu.memory_space<vmem_shared>>
      tpu.wait_dma2 semaphore(%arg17 : memref<!tpu.dma_semaphore, #tpu.memory_space<semaphore_mem>>) src(%arg10 : memref<80x128xf32, #tpu.memory_space<vmem>>) dst(%dma_wait3A_172 : memref<80x128xf32, #tpu.memory_space<vmem_shared>>)
      %add3A_173 = arith.constant 2 : i32
      %add3A_174 = arith.addi %add3A_166, %add3A_173 : i32
      %mul3A_175 = arith.constant 80 : i32
      %mul3A_176 = arith.muli %add3A_174, %mul3A_175 : i32
      %dma_start3A_177 = tpu.memref_slice %arg6[%mul3A_176] : memref<10000xi32, #tpu.memory_space<vmem>> -> memref<80xi32, #tpu.memory_space<vmem>>
      %dma_start3A_178 = arith.constant 0 : i32
      %dma_start3A_179 = arith.constant 0 : i32
      %dma_start3A_180 = tpu.memref_slice %arg2[%dma_start3A_178, %dma_start3A_179] : memref<10000x128xf32, #tpu.memory_space<hbm>> -> memref<10000x128xf32, #tpu.memory_space<hbm>>
      tpu.enqueue_indirect_dma source(%dma_start3A_180 : memref<10000x128xf32, #tpu.memory_space<hbm>>) target(%arg10 : memref<80x128xf32, #tpu.memory_space<vmem>>) offsets(%dma_start3A_177 : memref<80xi32, #tpu.memory_space<vmem>>) semaphore(%arg14 : memref<!tpu.dma_semaphore, #tpu.memory_space<semaphore_mem>>)
      %dma_wait3A_181 = arith.constant 0 : i32
      %dma_wait3A_182 = arith.constant 0 : i32
      %dma_wait3A_183 = tpu.memref_slice %arg2[%dma_wait3A_181, %dma_wait3A_182] : memref<10000x128xf32, #tpu.memory_space<hbm>> -> memref<80x128xf32, #tpu.memory_space<hbm>>
      %dma_wait3A_184 = arith.constant 0 : i32
      %dma_wait3A_185 = arith.constant 0 : i32
      %dma_wait3A_186 = tpu.memref_slice %arg2[%dma_wait3A_184, %dma_wait3A_185] : memref<10000x128xf32, #tpu.memory_space<hbm>> -> memref<80x128xf32, #tpu.memory_space<hbm>>
      tpu.wait_dma2 semaphore(%arg12 : memref<!tpu.dma_semaphore, #tpu.memory_space<semaphore_mem>>) src(%dma_wait3A_186 : memref<80x128xf32, #tpu.memory_space<hbm>>) dst(%arg8 : memref<80x128xf32, #tpu.memory_space<vmem>>)
      %mul3A_187 = arith.constant 80 : i32
      %mul3A_188 = arith.muli %add3A_166, %mul3A_187 : i32
      %dma_start3A_189 = tpu.memref_slice %arg7[%mul3A_188] : memref<10000xi32, #tpu.memory_space<vmem>> -> memref<80xi32, #tpu.memory_space<vmem>>
      %dma_start3A_190 = arith.constant 0 : i32
      %dma_start3A_191 = arith.constant 0 : i32
      %dma_start3A_192 = tpu.memref_slice %arg11[%dma_start3A_190, %dma_start3A_191] : memref<10000x128xf32, #tpu.memory_space<vmem_shared>> -> memref<10000x128xf32, #tpu.memory_space<vmem_shared>>
      tpu.enqueue_indirect_dma source(%arg8 : memref<80x128xf32, #tpu.memory_space<vmem>>) target(%dma_start3A_192 : memref<10000x128xf32, #tpu.memory_space<vmem_shared>>) offsets(%dma_start3A_189 : memref<80xi32, #tpu.memory_space<vmem>>) semaphore(%arg15 : memref<!tpu.dma_semaphore, #tpu.memory_space<semaphore_mem>>) {add = true}
      %add3A_193 = arith.constant 1 : i32
      %add3A_194 = arith.addi %mul3A_164, %add3A_193 : i32
      %dma_wait3A_195 = arith.constant 0 : i32
      %dma_wait3A_196 = arith.constant 0 : i32
      %dma_wait3A_197 = tpu.memref_slice %arg11[%dma_wait3A_195, %dma_wait3A_196] : memref<10000x128xf32, #tpu.memory_space<vmem_shared>> -> memref<80x128xf32, #tpu.memory_space<vmem_shared>>
      %dma_wait3A_198 = arith.constant 0 : i32
      %dma_wait3A_199 = arith.constant 0 : i32
      %dma_wait3A_200 = tpu.memref_slice %arg11[%dma_wait3A_198, %dma_wait3A_199] : memref<10000x128xf32, #tpu.memory_space<vmem_shared>> -> memref<80x128xf32, #tpu.memory_space<vmem_shared>>
      tpu.wait_dma2 semaphore(%arg15 : memref<!tpu.dma_semaphore, #tpu.memory_space<semaphore_mem>>) src(%arg8 : memref<80x128xf32, #tpu.memory_space<vmem>>) dst(%dma_wait3A_200 : memref<80x128xf32, #tpu.memory_space<vmem_shared>>)
      %add3A_201 = arith.constant 2 : i32
      %add3A_202 = arith.addi %add3A_194, %add3A_201 : i32
      %mul3A_203 = arith.constant 80 : i32
      %mul3A_204 = arith.muli %add3A_202, %mul3A_203 : i32
      %dma_start3A_205 = tpu.memref_slice %arg6[%mul3A_204] : memref<10000xi32, #tpu.memory_space<vmem>> -> memref<80xi32, #tpu.memory_space<vmem>>
      %dma_start3A_206 = arith.constant 0 : i32
      %dma_start3A_207 = arith.constant 0 : i32
      %dma_start3A_208 = tpu.memref_slice %arg2[%dma_start3A_206, %dma_start3A_207] : memref<10000x128xf32, #tpu.memory_space<hbm>> -> memref<10000x128xf32, #tpu.memory_space<hbm>>
      tpu.enqueue_indirect_dma source(%dma_start3A_208 : memref<10000x128xf32, #tpu.memory_space<hbm>>) target(%arg8 : memref<80x128xf32, #tpu.memory_space<vmem>>) offsets(%dma_start3A_205 : memref<80xi32, #tpu.memory_space<vmem>>) semaphore(%arg12 : memref<!tpu.dma_semaphore, #tpu.memory_space<semaphore_mem>>)
      %dma_wait3A_209 = arith.constant 0 : i32
      %dma_wait3A_210 = arith.constant 0 : i32
      %dma_wait3A_211 = tpu.memref_slice %arg2[%dma_wait3A_209, %dma_wait3A_210] : memref<10000x128xf32, #tpu.memory_space<hbm>> -> memref<80x128xf32, #tpu.memory_space<hbm>>
      %dma_wait3A_212 = arith.constant 0 : i32
      %dma_wait3A_213 = arith.constant 0 : i32
      %dma_wait3A_214 = tpu.memref_slice %arg2[%dma_wait3A_212, %dma_wait3A_213] : memref<10000x128xf32, #tpu.memory_space<hbm>> -> memref<80x128xf32, #tpu.memory_space<hbm>>
      tpu.wait_dma2 semaphore(%arg13 : memref<!tpu.dma_semaphore, #tpu.memory_space<semaphore_mem>>) src(%dma_wait3A_214 : memref<80x128xf32, #tpu.memory_space<hbm>>) dst(%arg9 : memref<80x128xf32, #tpu.memory_space<vmem>>)
      %mul3A_215 = arith.constant 80 : i32
      %mul3A_216 = arith.muli %add3A_194, %mul3A_215 : i32
      %dma_start3A_217 = tpu.memref_slice %arg7[%mul3A_216] : memref<10000xi32, #tpu.memory_space<vmem>> -> memref<80xi32, #tpu.memory_space<vmem>>
      %dma_start3A_218 = arith.constant 0 : i32
      %dma_start3A_219 = arith.constant 0 : i32
      %dma_start3A_220 = tpu.memref_slice %arg11[%dma_start3A_218, %dma_start3A_219] : memref<10000x128xf32, #tpu.memory_space<vmem_shared>> -> memref<10000x128xf32, #tpu.memory_space<vmem_shared>>
      tpu.enqueue_indirect_dma source(%arg9 : memref<80x128xf32, #tpu.memory_space<vmem>>) target(%dma_start3A_220 : memref<10000x128xf32, #tpu.memory_space<vmem_shared>>) offsets(%dma_start3A_217 : memref<80xi32, #tpu.memory_space<vmem>>) semaphore(%arg16 : memref<!tpu.dma_semaphore, #tpu.memory_space<semaphore_mem>>) {add = true}
      %add3A_221 = arith.constant 2 : i32
      %add3A_222 = arith.addi %mul3A_164, %add3A_221 : i32
      %dma_wait3A_223 = arith.constant 0 : i32
      %dma_wait3A_224 = arith.constant 0 : i32
      %dma_wait3A_225 = tpu.memref_slice %arg11[%dma_wait3A_223, %dma_wait3A_224] : memref<10000x128xf32, #tpu.memory_space<vmem_shared>> -> memref<80x128xf32, #tpu.memory_space<vmem_shared>>
      %dma_wait3A_226 = arith.constant 0 : i32
      %dma_wait3A_227 = arith.constant 0 : i32
      %dma_wait3A_228 = tpu.memref_slice %arg11[%dma_wait3A_226, %dma_wait3A_227] : memref<10000x128xf32, #tpu.memory_space<vmem_shared>> -> memref<80x128xf32, #tpu.memory_space<vmem_shared>>
      tpu.wait_dma2 semaphore(%arg16 : memref<!tpu.dma_semaphore, #tpu.memory_space<semaphore_mem>>) src(%arg9 : memref<80x128xf32, #tpu.memory_space<vmem>>) dst(%dma_wait3A_228 : memref<80x128xf32, #tpu.memory_space<vmem_shared>>)
      %add3A_229 = arith.constant 2 : i32
      %add3A_230 = arith.addi %add3A_222, %add3A_229 : i32
      %mul3A_231 = arith.constant 80 : i32
      %mul3A_232 = arith.muli %add3A_230, %mul3A_231 : i32
      %dma_start3A_233 = tpu.memref_slice %arg6[%mul3A_232] : memref<10000xi32, #tpu.memory_space<vmem>> -> memref<80xi32, #tpu.memory_space<vmem>>
      %dma_start3A_234 = arith.constant 0 : i32
      %dma_start3A_235 = arith.constant 0 : i32
      %dma_start3A_236 = tpu.memref_slice %arg2[%dma_start3A_234, %dma_start3A_235] : memref<10000x128xf32, #tpu.memory_space<hbm>> -> memref<10000x128xf32, #tpu.memory_space<hbm>>
      tpu.enqueue_indirect_dma source(%dma_start3A_236 : memref<10000x128xf32, #tpu.memory_space<hbm>>) target(%arg9 : memref<80x128xf32, #tpu.memory_space<vmem>>) offsets(%dma_start3A_233 : memref<80xi32, #tpu.memory_space<vmem>>) semaphore(%arg13 : memref<!tpu.dma_semaphore, #tpu.memory_space<semaphore_mem>>)
      %dma_wait3A_237 = arith.constant 0 : i32
      %dma_wait3A_238 = arith.constant 0 : i32
      %dma_wait3A_239 = tpu.memref_slice %arg2[%dma_wait3A_237, %dma_wait3A_238] : memref<10000x128xf32, #tpu.memory_space<hbm>> -> memref<80x128xf32, #tpu.memory_space<hbm>>
      %dma_wait3A_240 = arith.constant 0 : i32
      %dma_wait3A_241 = arith.constant 0 : i32
      %dma_wait3A_242 = tpu.memref_slice %arg2[%dma_wait3A_240, %dma_wait3A_241] : memref<10000x128xf32, #tpu.memory_space<hbm>> -> memref<80x128xf32, #tpu.memory_space<hbm>>
      tpu.wait_dma2 semaphore(%arg14 : memref<!tpu.dma_semaphore, #tpu.memory_space<semaphore_mem>>) src(%dma_wait3A_242 : memref<80x128xf32, #tpu.memory_space<hbm>>) dst(%arg10 : memref<80x128xf32, #tpu.memory_space<vmem>>)
      %mul3A_243 = arith.constant 80 : i32
      %mul3A_244 = arith.muli %add3A_222, %mul3A_243 : i32
      %dma_start3A_245 = tpu.memref_slice %arg7[%mul3A_244] : memref<10000xi32, #tpu.memory_space<vmem>> -> memref<80xi32, #tpu.memory_space<vmem>>
      %dma_start3A_246 = arith.constant 0 : i32
      %dma_start3A_247 = arith.constant 0 : i32
      %dma_start3A_248 = tpu.memref_slice %arg11[%dma_start3A_246, %dma_start3A_247] : memref<10000x128xf32, #tpu.memory_space<vmem_shared>> -> memref<10000x128xf32, #tpu.memory_space<vmem_shared>>
      tpu.enqueue_indirect_dma source(%arg10 : memref<80x128xf32, #tpu.memory_space<vmem>>) target(%dma_start3A_248 : memref<10000x128xf32, #tpu.memory_space<vmem_shared>>) offsets(%dma_start3A_245 : memref<80xi32, #tpu.memory_space<vmem>>) semaphore(%arg17 : memref<!tpu.dma_semaphore, #tpu.memory_space<semaphore_mem>>) {add = true}
    }
    %scan3A_115 = arith.constant 40 : i32
    %dma_wait3A_116 = arith.constant 0 : i32
    %dma_wait3A_117 = arith.constant 0 : i32
    %dma_wait3A_118 = tpu.memref_slice %arg11[%dma_wait3A_116, %dma_wait3A_117] : memref<10000x128xf32, #tpu.memory_space<vmem_shared>> -> memref<80x128xf32, #tpu.memory_space<vmem_shared>>
    %dma_wait3A_119 = arith.constant 0 : i32
    %dma_wait3A_120 = arith.constant 0 : i32
    %dma_wait3A_121 = tpu.memref_slice %arg11[%dma_wait3A_119, %dma_wait3A_120] : memref<10000x128xf32, #tpu.memory_space<vmem_shared>> -> memref<80x128xf32, #tpu.memory_space<vmem_shared>>
    tpu.wait_dma2 semaphore(%arg17 : memref<!tpu.dma_semaphore, #tpu.memory_space<semaphore_mem>>) src(%arg10 : memref<80x128xf32, #tpu.memory_space<vmem>>) dst(%dma_wait3A_121 : memref<80x128xf32, #tpu.memory_space<vmem_shared>>)
    %dma_wait3A_122 = arith.constant 0 : i32
    %dma_wait3A_123 = arith.constant 0 : i32
    %dma_wait3A_124 = tpu.memref_slice %arg2[%dma_wait3A_122, %dma_wait3A_123] : memref<10000x128xf32, #tpu.memory_space<hbm>> -> memref<80x128xf32, #tpu.memory_space<hbm>>
    %dma_wait3A_125 = arith.constant 0 : i32
    %dma_wait3A_126 = arith.constant 0 : i32
    %dma_wait3A_127 = tpu.memref_slice %arg2[%dma_wait3A_125, %dma_wait3A_126] : memref<10000x128xf32, #tpu.memory_space<hbm>> -> memref<80x128xf32, #tpu.memory_space<hbm>>
    tpu.wait_dma2 semaphore(%arg12 : memref<!tpu.dma_semaphore, #tpu.memory_space<semaphore_mem>>) src(%dma_wait3A_127 : memref<80x128xf32, #tpu.memory_space<hbm>>) dst(%arg8 : memref<80x128xf32, #tpu.memory_space<vmem>>)
    %dma_start3A_128 = arith.constant 9840 : i32
    %dma_start3A_129 = tpu.memref_slice %arg7[%dma_start3A_128] : memref<10000xi32, #tpu.memory_space<vmem>> -> memref<80xi32, #tpu.memory_space<vmem>>
    %dma_start3A_130 = arith.constant 0 : i32
    %dma_start3A_131 = arith.constant 0 : i32
    %dma_start3A_132 = tpu.memref_slice %arg11[%dma_start3A_130, %dma_start3A_131] : memref<10000x128xf32, #tpu.memory_space<vmem_shared>> -> memref<10000x128xf32, #tpu.memory_space<vmem_shared>>
    tpu.enqueue_indirect_dma source(%arg8 : memref<80x128xf32, #tpu.memory_space<vmem>>) target(%dma_start3A_132 : memref<10000x128xf32, #tpu.memory_space<vmem_shared>>) offsets(%dma_start3A_129 : memref<80xi32, #tpu.memory_space<vmem>>) semaphore(%arg15 : memref<!tpu.dma_semaphore, #tpu.memory_space<semaphore_mem>>) {add = true}
    %dma_wait3A_133 = arith.constant 0 : i32
    %dma_wait3A_134 = arith.constant 0 : i32
    %dma_wait3A_135 = tpu.memref_slice %arg2[%dma_wait3A_133, %dma_wait3A_134] : memref<10000x128xf32, #tpu.memory_space<hbm>> -> memref<80x128xf32, #tpu.memory_space<hbm>>
    %dma_wait3A_136 = arith.constant 0 : i32
    %dma_wait3A_137 = arith.constant 0 : i32
    %dma_wait3A_138 = tpu.memref_slice %arg2[%dma_wait3A_136, %dma_wait3A_137] : memref<10000x128xf32, #tpu.memory_space<hbm>> -> memref<80x128xf32, #tpu.memory_space<hbm>>
    tpu.wait_dma2 semaphore(%arg13 : memref<!tpu.dma_semaphore, #tpu.memory_space<semaphore_mem>>) src(%dma_wait3A_138 : memref<80x128xf32, #tpu.memory_space<hbm>>) dst(%arg9 : memref<80x128xf32, #tpu.memory_space<vmem>>)
    %dma_start3A_139 = arith.constant 9920 : i32
    %dma_start3A_140 = tpu.memref_slice %arg7[%dma_start3A_139] : memref<10000xi32, #tpu.memory_space<vmem>> -> memref<80xi32, #tpu.memory_space<vmem>>
    %dma_start3A_141 = arith.constant 0 : i32
    %dma_start3A_142 = arith.constant 0 : i32
    %dma_start3A_143 = tpu.memref_slice %arg11[%dma_start3A_141, %dma_start3A_142] : memref<10000x128xf32, #tpu.memory_space<vmem_shared>> -> memref<10000x128xf32, #tpu.memory_space<vmem_shared>>
    tpu.enqueue_indirect_dma source(%arg9 : memref<80x128xf32, #tpu.memory_space<vmem>>) target(%dma_start3A_143 : memref<10000x128xf32, #tpu.memory_space<vmem_shared>>) offsets(%dma_start3A_140 : memref<80xi32, #tpu.memory_space<vmem>>) semaphore(%arg16 : memref<!tpu.dma_semaphore, #tpu.memory_space<semaphore_mem>>) {add = true}
    %dma_wait3A_144 = arith.constant 0 : i32
    %dma_wait3A_145 = arith.constant 0 : i32
    %dma_wait3A_146 = tpu.memref_slice %arg11[%dma_wait3A_144, %dma_wait3A_145] : memref<10000x128xf32, #tpu.memory_space<vmem_shared>> -> memref<80x128xf32, #tpu.memory_space<vmem_shared>>
    %dma_wait3A_147 = arith.constant 0 : i32
    %dma_wait3A_148 = arith.constant 0 : i32
    %dma_wait3A_149 = tpu.memref_slice %arg11[%dma_wait3A_147, %dma_wait3A_148] : memref<10000x128xf32, #tpu.memory_space<vmem_shared>> -> memref<80x128xf32, #tpu.memory_space<vmem_shared>>
    tpu.wait_dma2 semaphore(%arg15 : memref<!tpu.dma_semaphore, #tpu.memory_space<semaphore_mem>>) src(%arg8 : memref<80x128xf32, #tpu.memory_space<vmem>>) dst(%dma_wait3A_149 : memref<80x128xf32, #tpu.memory_space<vmem_shared>>)
    %dma_wait3A_150 = arith.constant 0 : i32
    %dma_wait3A_151 = arith.constant 0 : i32
    %dma_wait3A_152 = tpu.memref_slice %arg11[%dma_wait3A_150, %dma_wait3A_151] : memref<10000x128xf32, #tpu.memory_space<vmem_shared>> -> memref<80x128xf32, #tpu.memory_space<vmem_shared>>
    %dma_wait3A_153 = arith.constant 0 : i32
    %dma_wait3A_154 = arith.constant 0 : i32
    %dma_wait3A_155 = tpu.memref_slice %arg11[%dma_wait3A_153, %dma_wait3A_154] : memref<10000x128xf32, #tpu.memory_space<vmem_shared>> -> memref<80x128xf32, #tpu.memory_space<vmem_shared>>
    tpu.wait_dma2 semaphore(%arg16 : memref<!tpu.dma_semaphore, #tpu.memory_space<semaphore_mem>>) src(%arg9 : memref<80x128xf32, #tpu.memory_space<vmem>>) dst(%dma_wait3A_155 : memref<80x128xf32, #tpu.memory_space<vmem_shared>>)
    %barrier3A_156 = arith.constant 0 : index
    tpu.barrier barrier_id(%barrier3A_156)
    "tpu.region"() ({
      %run_scoped3A = tpu.sem_alloc : memref<!tpu.dma_semaphore, #tpu.memory_space<semaphore_mem>>
      %dma_start3A_162 = arith.constant 0 : i32
      %dma_start3A_163 = tpu.memref_slice %arg5[%arg0, %mul3A_13, %dma_start3A_162] : memref<2x10000x128xf32, #tpu.memory_space<hbm>> -> memref<1x624x128xf32, #tpu.memory_space<hbm>>
      %dma_start3A_164 = tpu.memref_squeeze %dma_start3A_163 : memref<1x624x128xf32, #tpu.memory_space<hbm>> -> memref<624x128xf32, #tpu.memory_space<hbm>>
      %dma_start3A_165 = arith.constant 0 : i32
      %dma_start3A_166 = tpu.memref_slice %arg11[%mul3A_13, %dma_start3A_165] : memref<10000x128xf32, #tpu.memory_space<vmem_shared>> -> memref<624x128xf32, #tpu.memory_space<vmem_shared>>
      tpu.enqueue_dma source(%dma_start3A_166 : memref<624x128xf32, #tpu.memory_space<vmem_shared>>) target(%dma_start3A_164 : memref<624x128xf32, #tpu.memory_space<hbm>>) target_semaphore(%run_scoped3A : memref<!tpu.dma_semaphore, #tpu.memory_space<semaphore_mem>>)
      %dma_wait3A_167 = arith.constant 0 : i32
      %dma_wait3A_168 = tpu.memref_slice %arg5[%arg0, %mul3A_13, %dma_wait3A_167] : memref<2x10000x128xf32, #tpu.memory_space<hbm>> -> memref<1x624x128xf32, #tpu.memory_space<hbm>>
      %dma_wait3A_169 = tpu.memref_squeeze %dma_wait3A_168 : memref<1x624x128xf32, #tpu.memory_space<hbm>> -> memref<624x128xf32, #tpu.memory_space<hbm>>
      %dma_wait3A_170 = arith.constant 0 : i32
      %dma_wait3A_171 = tpu.memref_slice %arg11[%mul3A_13, %dma_wait3A_170] : memref<10000x128xf32, #tpu.memory_space<vmem_shared>> -> memref<624x128xf32, #tpu.memory_space<vmem_shared>>
      tpu.wait_dma2 semaphore(%run_scoped3A : memref<!tpu.dma_semaphore, #tpu.memory_space<semaphore_mem>>) src(%dma_wait3A_171 : memref<624x128xf32, #tpu.memory_space<vmem_shared>>) dst(%dma_wait3A_169 : memref<624x128xf32, #tpu.memory_space<hbm>>)
      tpu.yield
    }) : () -> ()
    %eq3A_157 = arith.constant 15 : i32
    %eq3A_158 = arith.cmpi eq, %arg1, %eq3A_157 : i32
    %convert_element_type3A_159 = arith.extui %eq3A_158 : i1 to i32
    %cond3A_160 = arith.constant 0 : i32
    %cond3A_161 = arith.cmpi ne, %convert_element_type3A_159, %cond3A_160 : i32
    scf.if %cond3A_161 {
      "tpu.region"() ({
        %run_scoped3A = tpu.sem_alloc : memref<!tpu.dma_semaphore, #tpu.memory_space<semaphore_mem>>
        %dma_start3A_162 = arith.constant 9984 : i32
        %dma_start3A_163 = arith.constant 0 : i32
        %dma_start3A_164 = tpu.memref_slice %arg5[%arg0, %dma_start3A_162, %dma_start3A_163] : memref<2x10000x128xf32, #tpu.memory_space<hbm>> -> memref<1x16x128xf32, #tpu.memory_space<hbm>>
        %dma_start3A_165 = tpu.memref_squeeze %dma_start3A_164 : memref<1x16x128xf32, #tpu.memory_space<hbm>> -> memref<16x128xf32, #tpu.memory_space<hbm>>
        %dma_start3A_166 = arith.constant 9984 : i32
        %dma_start3A_167 = arith.constant 0 : i32
        %dma_start3A_168 = tpu.memref_slice %arg11[%dma_start3A_166, %dma_start3A_167] : memref<10000x128xf32, #tpu.memory_space<vmem_shared>> -> memref<16x128xf32, #tpu.memory_space<vmem_shared>>
        tpu.enqueue_dma source(%dma_start3A_168 : memref<16x128xf32, #tpu.memory_space<vmem_shared>>) target(%dma_start3A_165 : memref<16x128xf32, #tpu.memory_space<hbm>>) target_semaphore(%run_scoped3A : memref<!tpu.dma_semaphore, #tpu.memory_space<semaphore_mem>>)
        %dma_wait3A_169 = arith.constant 9984 : i32
        %dma_wait3A_170 = arith.constant 0 : i32
        %dma_wait3A_171 = tpu.memref_slice %arg5[%arg0, %dma_wait3A_169, %dma_wait3A_170] : memref<2x10000x128xf32, #tpu.memory_space<hbm>> -> memref<1x16x128xf32, #tpu.memory_space<hbm>>
        %dma_wait3A_172 = tpu.memref_squeeze %dma_wait3A_171 : memref<1x16x128xf32, #tpu.memory_space<hbm>> -> memref<16x128xf32, #tpu.memory_space<hbm>>
        %dma_wait3A_173 = arith.constant 9984 : i32
        %dma_wait3A_174 = arith.constant 0 : i32
        %dma_wait3A_175 = tpu.memref_slice %arg11[%dma_wait3A_173, %dma_wait3A_174] : memref<10000x128xf32, #tpu.memory_space<vmem_shared>> -> memref<16x128xf32, #tpu.memory_space<vmem_shared>>
        tpu.wait_dma2 semaphore(%run_scoped3A : memref<!tpu.dma_semaphore, #tpu.memory_space<semaphore_mem>>) src(%dma_wait3A_175 : memref<16x128xf32, #tpu.memory_space<vmem_shared>>) dst(%dma_wait3A_172 : memref<16x128xf32, #tpu.memory_space<hbm>>)
        tpu.yield
      }) : () -> ()
    } else {
    }
    return
  }
}

#map = affine_map<(d0, d1) -> (0, 0)>
#map1 = affine_map<(d0, d1) -> (0)>
#map2 = affine_map<(d0, d1) -> (0, 0, 0)>
module attributes {stable_mosaic.version = 14 : i64} {
  func.func @body(%arg0: i32, %arg1: i32, %arg2: memref<10000x128xf32, #tpu.memory_space<hbm>>, %arg3: memref<320000xi32, #tpu.memory_space<hbm>>, %arg4: memref<320000xi32, #tpu.memory_space<hbm>>, %arg5: memref<2x10000x128xf32, #tpu.memory_space<hbm>>, %arg6: memref<10000xi32, #tpu.memory_space<vmem>>, %arg7: memref<10000xi32, #tpu.memory_space<vmem>>, %arg8: memref<80x128xf32, #tpu.memory_space<vmem>>, %arg9: memref<80x128xf32, #tpu.memory_space<vmem>>, %arg10: memref<80x128xf32, #tpu.memory_space<vmem>>, %arg11: memref<10000x128xf32, #tpu.memory_space<vmem_shared>>, %arg12: memref<!tpu.dma_semaphore, #tpu.memory_space<semaphore_mem>>, %arg13: memref<!tpu.dma_semaphore, #tpu.memory_space<semaphore_mem>>, %arg14: memref<!tpu.dma_semaphore, #tpu.memory_space<semaphore_mem>>, %arg15: memref<!tpu.dma_semaphore, #tpu.memory_space<semaphore_mem>>, %arg16: memref<!tpu.dma_semaphore, #tpu.memory_space<semaphore_mem>>, %arg17: memref<!tpu.dma_semaphore, #tpu.memory_space<semaphore_mem>>) attributes {dimension_semantics = [#tpu.dimension_semantics<core_parallel>, #tpu.dimension_semantics<subcore_parallel>], iteration_bounds = array<i64: 2, 16>, scalar_prefetch = 0 : i64, scratch_operands = 12 : i64, tpu.core_type = #tpu.core_type<sc_vector_subcore>, window_params = [{transform_indices = #map}, {transform_indices = #map1}, {transform_indices = #map1}, {transform_indices = #map2}]} {
    %mul3A = arith.constant 2 : i32
    %mul3A_0 = arith.muli %arg1, %mul3A : i32
    %add3A = arith.addi %mul3A_0, %arg0 : i32
    %mul3A_1 = arith.constant 10000 : i32
    %mul3A_2 = arith.muli %add3A, %mul3A_1 : i32
    %dma_start3A = tpu.memref_slice %arg3[%mul3A_2] : memref<320000xi32, #tpu.memory_space<hbm>> -> memref<10000xi32, #tpu.memory_space<hbm>>
    %dma_start3A_3 = tpu.memref_slice %arg3[%mul3A_2] : memref<320000xi32, #tpu.memory_space<hbm>> -> memref<10000xi32, #tpu.memory_space<hbm>>
    tpu.enqueue_dma source(%dma_start3A_3 : memref<10000xi32, #tpu.memory_space<hbm>>) target(%arg6 : memref<10000xi32, #tpu.memory_space<vmem>>) target_semaphore(%arg12 : memref<!tpu.dma_semaphore, #tpu.memory_space<semaphore_mem>>)
    %dma_start3A_4 = tpu.memref_slice %arg4[%mul3A_2] : memref<320000xi32, #tpu.memory_space<hbm>> -> memref<10000xi32, #tpu.memory_space<hbm>>
    %dma_start3A_5 = tpu.memref_slice %arg4[%mul3A_2] : memref<320000xi32, #tpu.memory_space<hbm>> -> memref<10000xi32, #tpu.memory_space<hbm>>
    tpu.enqueue_dma source(%dma_start3A_5 : memref<10000xi32, #tpu.memory_space<hbm>>) target(%arg7 : memref<10000xi32, #tpu.memory_space<vmem>>) target_semaphore(%arg13 : memref<!tpu.dma_semaphore, #tpu.memory_space<semaphore_mem>>)
    %broadcast_in_dim3A = arith.constant 0.000000e+00 : f32
    %broadcast_in_dim3A_6 = vector.broadcast %broadcast_in_dim3A : f32 to vector<16xf32>
    %scan3A = arith.constant 0 : i32
    %scan3A_7 = arith.constant 0 : i32
    %scan3A_8 = arith.constant 624 : i32
    %scan3A_9 = arith.addi %scan3A_7, %scan3A_8 : i32
    %scan3A_10 = arith.constant 1 : i32
    scf.for %scan3A_162 = %scan3A_7 to %scan3A_9 step %scan3A_10  : i32 {
      %jit3A = arith.constant 8 : i32
      %div3A = arith.divsi %scan3A_162, %jit3A : i32
      %sign3A = arith.constant 0 : i32
      %sign3A_163 = arith.cmpi sgt, %scan3A_162, %sign3A : i32
      %sign3A_164 = arith.extui %sign3A_163 : i1 to i32
      %sign3A_165 = arith.constant 0 : i32
      %sign3A_166 = arith.cmpi slt, %scan3A_162, %sign3A_165 : i32
      %sign3A_167 = arith.extui %sign3A_166 : i1 to i32
      %sign3A_168 = arith.subi %sign3A_164, %sign3A_167 : i32
      %sign3A_169 = arith.constant 0 : i32
      %sign3A_170 = arith.cmpi sgt, %jit3A, %sign3A_169 : i32
      %sign3A_171 = arith.extui %sign3A_170 : i1 to i32
      %sign3A_172 = arith.constant 0 : i32
      %sign3A_173 = arith.cmpi slt, %jit3A, %sign3A_172 : i32
      %sign3A_174 = arith.extui %sign3A_173 : i1 to i32
      %sign3A_175 = arith.subi %sign3A_171, %sign3A_174 : i32
      %ne3A = arith.cmpi ne, %sign3A_168, %sign3A_175 : i32
      %rem3A = arith.remsi %scan3A_162, %jit3A : i32
      %ne3A_176 = arith.constant 0 : i32
      %ne3A_177 = arith.cmpi ne, %rem3A, %ne3A_176 : i32
      %and3A = arith.andi %ne3A, %ne3A_177 : i1
      %sub3A = arith.constant 1 : i32
      %sub3A_178 = arith.subi %div3A, %sub3A : i32
      %select_n3A = arith.select %and3A, %sub3A_178, %div3A : i32
      %jit3A_179 = arith.constant 8 : i32
      %eq3A_180 = arith.constant 0 : i32
      %eq3A_181 = arith.cmpi eq, %jit3A_179, %eq3A_180 : i32
      %jit3A_182 = arith.constant 1 : i32
      %select_n3A_183 = arith.select %eq3A_181, %jit3A_182, %jit3A_179 : i32
      %rem3A_184 = arith.remsi %scan3A_162, %select_n3A_183 : i32
      %ne3A_185 = arith.constant 0 : i32
      %ne3A_186 = arith.cmpi ne, %rem3A_184, %ne3A_185 : i32
      %lt3A = arith.constant 0 : i32
      %lt3A_187 = arith.cmpi slt, %rem3A_184, %lt3A : i32
      %lt3A_188 = arith.constant 0 : i32
      %lt3A_189 = arith.cmpi slt, %select_n3A_183, %lt3A_188 : i32
      %ne3A_190 = arith.xori %lt3A_187, %lt3A_189 : i1
      %and3A_191 = arith.andi %ne3A_190, %ne3A_186 : i1
      %add3A_192 = arith.addi %rem3A_184, %select_n3A_183 : i32
      %select_n3A_193 = arith.select %and3A_191, %add3A_192, %rem3A_184 : i32
      %mul3A_194 = arith.constant 16 : i32
      %mul3A_195 = arith.muli %select_n3A_193, %mul3A_194 : i32
      %swap3A = arith.index_cast %select_n3A : i32 to index
      %swap3A_196 = arith.index_cast %mul3A_195 : i32 to index
      %swap3A_197 = tpu.vector_load %arg8[%swap3A, %swap3A_196] {strides = array<i32>} : memref<80x128xf32, #tpu.memory_space<vmem>>, vector<1x16xf32>,
      %swap3A_198 = vector.shape_cast %swap3A_197 : vector<1x16xf32> to vector<16xf32>
      %swap3A_199 = vector.shape_cast %broadcast_in_dim3A_6 : vector<16xf32> to vector<1x16xf32>
      tpu.vector_store %arg8[%swap3A, %swap3A_196], %swap3A_199 {strides = array<i32>} : memref<80x128xf32, #tpu.memory_space<vmem>>, vector<1x16xf32>,
    }
    %scan3A_11 = arith.constant 624 : i32
    %mul3A_12 = arith.constant 624 : i32
    %mul3A_13 = arith.muli %arg1, %mul3A_12 : i32
    %scan3A_14 = arith.constant 0 : i32
    %scan3A_15 = arith.constant 0 : i32
    %scan3A_16 = arith.constant 8 : i32
    %scan3A_17 = arith.addi %scan3A_15, %scan3A_16 : i32
    %scan3A_18 = arith.constant 1 : i32
    scf.for %scan3A_162 = %scan3A_15 to %scan3A_17 step %scan3A_18  : i32 {
      %mul3A_163 = arith.constant 78 : i32
      %mul3A_164 = arith.muli %scan3A_162, %mul3A_163 : i32
      %add3A_165 = arith.addi %mul3A_13, %mul3A_164 : i32
      %dma_start3A_166 = arith.constant 0 : i32
      %dma_start3A_167 = arith.constant 0 : i32
      %dma_start3A_168 = tpu.memref_slice %arg8[%dma_start3A_166, %dma_start3A_167] : memref<80x128xf32, #tpu.memory_space<vmem>> -> memref<78x128xf32, #tpu.memory_space<vmem>>
      %dma_start3A_169 = arith.constant 0 : i32
      %dma_start3A_170 = tpu.memref_slice %arg11[%add3A_165, %dma_start3A_169] : memref<10000x128xf32, #tpu.memory_space<vmem_shared>> -> memref<78x128xf32, #tpu.memory_space<vmem_shared>>
      %dma_start3A_171 = arith.constant 0 : i32
      %dma_start3A_172 = tpu.memref_slice %arg11[%add3A_165, %dma_start3A_171] : memref<10000x128xf32, #tpu.memory_space<vmem_shared>> -> memref<78x128xf32, #tpu.memory_space<vmem_shared>>
      %dma_start3A_173 = arith.constant 0 : i32
      %dma_start3A_174 = arith.constant 0 : i32
      %dma_start3A_175 = tpu.memref_slice %arg8[%dma_start3A_173, %dma_start3A_174] : memref<80x128xf32, #tpu.memory_space<vmem>> -> memref<78x128xf32, #tpu.memory_space<vmem>>
      tpu.enqueue_dma source(%dma_start3A_175 : memref<78x128xf32, #tpu.memory_space<vmem>>) target(%dma_start3A_172 : memref<78x128xf32, #tpu.memory_space<vmem_shared>>) target_semaphore(%arg15 : memref<!tpu.dma_semaphore, #tpu.memory_space<semaphore_mem>>)
    }
    %scan3A_19 = arith.constant 8 : i32
    %eq3A = arith.constant 15 : i32
    %eq3A_20 = arith.cmpi eq, %arg1, %eq3A : i32
    %convert_element_type3A = arith.extui %eq3A_20 : i1 to i32
    %cond3A = arith.constant 0 : i32
    %cond3A_21 = arith.cmpi ne, %convert_element_type3A, %cond3A : i32
    scf.if %cond3A_21 {
      %dma_start3A_162 = arith.constant 0 : i32
      %dma_start3A_163 = arith.constant 0 : i32
      %dma_start3A_164 = tpu.memref_slice %arg8[%dma_start3A_162, %dma_start3A_163] : memref<80x128xf32, #tpu.memory_space<vmem>> -> memref<16x128xf32, #tpu.memory_space<vmem>>
      %dma_start3A_165 = arith.constant 9984 : i32
      %dma_start3A_166 = arith.constant 0 : i32
      %dma_start3A_167 = tpu.memref_slice %arg11[%dma_start3A_165, %dma_start3A_166] : memref<10000x128xf32, #tpu.memory_space<vmem_shared>> -> memref<16x128xf32, #tpu.memory_space<vmem_shared>>
      %dma_start3A_168 = arith.constant 9984 : i32
      %dma_start3A_169 = arith.constant 0 : i32
      %dma_start3A_170 = tpu.memref_slice %arg11[%dma_start3A_168, %dma_start3A_169] : memref<10000x128xf32, #tpu.memory_space<vmem_shared>> -> memref<16x128xf32, #tpu.memory_space<vmem_shared>>
      %dma_start3A_171 = arith.constant 0 : i32
      %dma_start3A_172 = arith.constant 0 : i32
      %dma_start3A_173 = tpu.memref_slice %arg8[%dma_start3A_171, %dma_start3A_172] : memref<80x128xf32, #tpu.memory_space<vmem>> -> memref<16x128xf32, #tpu.memory_space<vmem>>
      tpu.enqueue_dma source(%dma_start3A_173 : memref<16x128xf32, #tpu.memory_space<vmem>>) target(%dma_start3A_170 : memref<16x128xf32, #tpu.memory_space<vmem_shared>>) target_semaphore(%arg16 : memref<!tpu.dma_semaphore, #tpu.memory_space<semaphore_mem>>)
    } else {
    }
    %scan3A_22 = arith.constant 0 : i32
    %scan3A_23 = arith.constant 0 : i32
    %scan3A_24 = arith.constant 8 : i32
    %scan3A_25 = arith.addi %scan3A_23, %scan3A_24 : i32
    %scan3A_26 = arith.constant 1 : i32
    scf.for %scan3A_162 = %scan3A_23 to %scan3A_25 step %scan3A_26  : i32 {
      %dma_wait3A_163 = arith.constant 0 : i32
      %dma_wait3A_164 = arith.constant 0 : i32
      %dma_wait3A_165 = tpu.memref_slice %arg8[%dma_wait3A_163, %dma_wait3A_164] : memref<80x128xf32, #tpu.memory_space<vmem>> -> memref<78x128xf32, #tpu.memory_space<vmem>>
      %dma_wait3A_166 = arith.constant 0 : i32
      %dma_wait3A_167 = arith.constant 0 : i32
      %dma_wait3A_168 = tpu.memref_slice %arg11[%dma_wait3A_166, %dma_wait3A_167] : memref<10000x128xf32, #tpu.memory_space<vmem_shared>> -> memref<78x128xf32, #tpu.memory_space<vmem_shared>>
      %dma_wait3A_169 = arith.constant 0 : i32
      %dma_wait3A_170 = arith.constant 0 : i32
      %dma_wait3A_171 = tpu.memref_slice %arg11[%dma_wait3A_169, %dma_wait3A_170] : memref<10000x128xf32, #tpu.memory_space<vmem_shared>> -> memref<78x128xf32, #tpu.memory_space<vmem_shared>>
      %dma_wait3A_172 = arith.constant 0 : i32
      %dma_wait3A_173 = arith.constant 0 : i32
      %dma_wait3A_174 = tpu.memref_slice %arg8[%dma_wait3A_172, %dma_wait3A_173] : memref<80x128xf32, #tpu.memory_space<vmem>> -> memref<78x128xf32, #tpu.memory_space<vmem>>
      tpu.wait_dma2 semaphore(%arg15 : memref<!tpu.dma_semaphore, #tpu.memory_space<semaphore_mem>>) src(%dma_wait3A_174 : memref<78x128xf32, #tpu.memory_space<vmem>>) dst(%dma_wait3A_171 : memref<78x128xf32, #tpu.memory_space<vmem_shared>>)
    }
    %scan3A_27 = arith.constant 8 : i32
    %eq3A_28 = arith.constant 15 : i32
    %eq3A_29 = arith.cmpi eq, %arg1, %eq3A_28 : i32
    %convert_element_type3A_30 = arith.extui %eq3A_29 : i1 to i32
    %cond3A_31 = arith.constant 0 : i32
    %cond3A_32 = arith.cmpi ne, %convert_element_type3A_30, %cond3A_31 : i32
    scf.if %cond3A_32 {
      %dma_wait3A_162 = arith.constant 0 : i32
      %dma_wait3A_163 = arith.constant 0 : i32
      %dma_wait3A_164 = tpu.memref_slice %arg8[%dma_wait3A_162, %dma_wait3A_163] : memref<80x128xf32, #tpu.memory_space<vmem>> -> memref<16x128xf32, #tpu.memory_space<vmem>>
      %dma_wait3A_165 = arith.constant 0 : i32
      %dma_wait3A_166 = arith.constant 0 : i32
      %dma_wait3A_167 = tpu.memref_slice %arg11[%dma_wait3A_165, %dma_wait3A_166] : memref<10000x128xf32, #tpu.memory_space<vmem_shared>> -> memref<16x128xf32, #tpu.memory_space<vmem_shared>>
      %dma_wait3A_168 = arith.constant 0 : i32
      %dma_wait3A_169 = arith.constant 0 : i32
      %dma_wait3A_170 = tpu.memref_slice %arg11[%dma_wait3A_168, %dma_wait3A_169] : memref<10000x128xf32, #tpu.memory_space<vmem_shared>> -> memref<16x128xf32, #tpu.memory_space<vmem_shared>>
      %dma_wait3A_171 = arith.constant 0 : i32
      %dma_wait3A_172 = arith.constant 0 : i32
      %dma_wait3A_173 = tpu.memref_slice %arg8[%dma_wait3A_171, %dma_wait3A_172] : memref<80x128xf32, #tpu.memory_space<vmem>> -> memref<16x128xf32, #tpu.memory_space<vmem>>
      tpu.wait_dma2 semaphore(%arg16 : memref<!tpu.dma_semaphore, #tpu.memory_space<semaphore_mem>>) src(%dma_wait3A_173 : memref<16x128xf32, #tpu.memory_space<vmem>>) dst(%dma_wait3A_170 : memref<16x128xf32, #tpu.memory_space<vmem_shared>>)
    } else {
    }
    %dma_wait3A = arith.constant 0 : i32
    %dma_wait3A_33 = tpu.memref_slice %arg3[%dma_wait3A] : memref<320000xi32, #tpu.memory_space<hbm>> -> memref<10000xi32, #tpu.memory_space<hbm>>
    %dma_wait3A_34 = arith.constant 0 : i32
    %dma_wait3A_35 = tpu.memref_slice %arg3[%dma_wait3A_34] : memref<320000xi32, #tpu.memory_space<hbm>> -> memref<10000xi32, #tpu.memory_space<hbm>>
    tpu.wait_dma2 semaphore(%arg12 : memref<!tpu.dma_semaphore, #tpu.memory_space<semaphore_mem>>) src(%dma_wait3A_35 : memref<10000xi32, #tpu.memory_space<hbm>>) dst(%arg6 : memref<10000xi32, #tpu.memory_space<vmem>>)
    %dma_wait3A_36 = arith.constant 0 : i32
    %dma_wait3A_37 = tpu.memref_slice %arg4[%dma_wait3A_36] : memref<320000xi32, #tpu.memory_space<hbm>> -> memref<10000xi32, #tpu.memory_space<hbm>>
    %dma_wait3A_38 = arith.constant 0 : i32
    %dma_wait3A_39 = tpu.memref_slice %arg4[%dma_wait3A_38] : memref<320000xi32, #tpu.memory_space<hbm>> -> memref<10000xi32, #tpu.memory_space<hbm>>
    tpu.wait_dma2 semaphore(%arg13 : memref<!tpu.dma_semaphore, #tpu.memory_space<semaphore_mem>>) src(%dma_wait3A_39 : memref<10000xi32, #tpu.memory_space<hbm>>) dst(%arg7 : memref<10000xi32, #tpu.memory_space<vmem>>)
    %barrier3A = arith.constant 0 : index
    tpu.barrier barrier_id(%barrier3A)
    %dma_start3A_40 = arith.constant 0 : i32
    %dma_start3A_41 = tpu.memref_slice %arg6[%dma_start3A_40] : memref<10000xi32, #tpu.memory_space<vmem>> -> memref<80xi32, #tpu.memory_space<vmem>>
    %dma_start3A_42 = arith.constant 0 : i32
    %dma_start3A_43 = arith.constant 0 : i32
    %dma_start3A_44 = tpu.memref_slice %arg2[%dma_start3A_42, %dma_start3A_43] : memref<10000x128xf32, #tpu.memory_space<hbm>> -> memref<10000x128xf32, #tpu.memory_space<hbm>>
    tpu.enqueue_indirect_dma source(%dma_start3A_44 : memref<10000x128xf32, #tpu.memory_space<hbm>>) target(%arg8 : memref<80x128xf32, #tpu.memory_space<vmem>>) offsets(%dma_start3A_41 : memref<80xi32, #tpu.memory_space<vmem>>) semaphore(%arg12 : memref<!tpu.dma_semaphore, #tpu.memory_space<semaphore_mem>>)
    %dma_start3A_45 = arith.constant 80 : i32
    %dma_start3A_46 = tpu.memref_slice %arg6[%dma_start3A_45] : memref<10000xi32, #tpu.memory_space<vmem>> -> memref<80xi32, #tpu.memory_space<vmem>>
    %dma_start3A_47 = arith.constant 0 : i32
    %dma_start3A_48 = arith.constant 0 : i32
    %dma_start3A_49 = tpu.memref_slice %arg2[%dma_start3A_47, %dma_start3A_48] : memref<10000x128xf32, #tpu.memory_space<hbm>> -> memref<10000x128xf32, #tpu.memory_space<hbm>>
    tpu.enqueue_indirect_dma source(%dma_start3A_49 : memref<10000x128xf32, #tpu.memory_space<hbm>>) target(%arg9 : memref<80x128xf32, #tpu.memory_space<vmem>>) offsets(%dma_start3A_46 : memref<80xi32, #tpu.memory_space<vmem>>) semaphore(%arg13 : memref<!tpu.dma_semaphore, #tpu.memory_space<semaphore_mem>>)
    %dma_start3A_50 = arith.constant 160 : i32
    %dma_start3A_51 = tpu.memref_slice %arg6[%dma_start3A_50] : memref<10000xi32, #tpu.memory_space<vmem>> -> memref<80xi32, #tpu.memory_space<vmem>>
    %dma_start3A_52 = arith.constant 0 : i32
    %dma_start3A_53 = arith.constant 0 : i32
    %dma_start3A_54 = tpu.memref_slice %arg2[%dma_start3A_52, %dma_start3A_53] : memref<10000x128xf32, #tpu.memory_space<hbm>> -> memref<10000x128xf32, #tpu.memory_space<hbm>>
    tpu.enqueue_indirect_dma source(%dma_start3A_54 : memref<10000x128xf32, #tpu.memory_space<hbm>>) target(%arg10 : memref<80x128xf32, #tpu.memory_space<vmem>>) offsets(%dma_start3A_51 : memref<80xi32, #tpu.memory_space<vmem>>) semaphore(%arg14 : memref<!tpu.dma_semaphore, #tpu.memory_space<semaphore_mem>>)
    %dma_wait3A_55 = arith.constant 0 : i32
    %dma_wait3A_56 = arith.constant 0 : i32
    %dma_wait3A_57 = tpu.memref_slice %arg2[%dma_wait3A_55, %dma_wait3A_56] : memref<10000x128xf32, #tpu.memory_space<hbm>> -> memref<80x128xf32, #tpu.memory_space<hbm>>
    %dma_wait3A_58 = arith.constant 0 : i32
    %dma_wait3A_59 = arith.constant 0 : i32
    %dma_wait3A_60 = tpu.memref_slice %arg2[%dma_wait3A_58, %dma_wait3A_59] : memref<10000x128xf32, #tpu.memory_space<hbm>> -> memref<80x128xf32, #tpu.memory_space<hbm>>
    tpu.wait_dma2 semaphore(%arg12 : memref<!tpu.dma_semaphore, #tpu.memory_space<semaphore_mem>>) src(%dma_wait3A_60 : memref<80x128xf32, #tpu.memory_space<hbm>>) dst(%arg8 : memref<80x128xf32, #tpu.memory_space<vmem>>)
    %dma_start3A_61 = arith.constant 0 : i32
    %dma_start3A_62 = tpu.memref_slice %arg7[%dma_start3A_61] : memref<10000xi32, #tpu.memory_space<vmem>> -> memref<80xi32, #tpu.memory_space<vmem>>
    %dma_start3A_63 = arith.constant 0 : i32
    %dma_start3A_64 = arith.constant 0 : i32
    %dma_start3A_65 = tpu.memref_slice %arg11[%dma_start3A_63, %dma_start3A_64] : memref<10000x128xf32, #tpu.memory_space<vmem_shared>> -> memref<10000x128xf32, #tpu.memory_space<vmem_shared>>
    tpu.enqueue_indirect_dma source(%arg8 : memref<80x128xf32, #tpu.memory_space<vmem>>) target(%dma_start3A_65 : memref<10000x128xf32, #tpu.memory_space<vmem_shared>>) offsets(%dma_start3A_62 : memref<80xi32, #tpu.memory_space<vmem>>) semaphore(%arg15 : memref<!tpu.dma_semaphore, #tpu.memory_space<semaphore_mem>>) {add = true}
    %dma_wait3A_66 = arith.constant 0 : i32
    %dma_wait3A_67 = arith.constant 0 : i32
    %dma_wait3A_68 = tpu.memref_slice %arg11[%dma_wait3A_66, %dma_wait3A_67] : memref<10000x128xf32, #tpu.memory_space<vmem_shared>> -> memref<80x128xf32, #tpu.memory_space<vmem_shared>>
    %dma_wait3A_69 = arith.constant 0 : i32
    %dma_wait3A_70 = arith.constant 0 : i32
    %dma_wait3A_71 = tpu.memref_slice %arg11[%dma_wait3A_69, %dma_wait3A_70] : memref<10000x128xf32, #tpu.memory_space<vmem_shared>> -> memref<80x128xf32, #tpu.memory_space<vmem_shared>>
    tpu.wait_dma2 semaphore(%arg15 : memref<!tpu.dma_semaphore, #tpu.memory_space<semaphore_mem>>) src(%arg8 : memref<80x128xf32, #tpu.memory_space<vmem>>) dst(%dma_wait3A_71 : memref<80x128xf32, #tpu.memory_space<vmem_shared>>)
    %dma_start3A_72 = arith.constant 240 : i32
    %dma_start3A_73 = tpu.memref_slice %arg6[%dma_start3A_72] : memref<10000xi32, #tpu.memory_space<vmem>> -> memref<80xi32, #tpu.memory_space<vmem>>
    %dma_start3A_74 = arith.constant 0 : i32
    %dma_start3A_75 = arith.constant 0 : i32
    %dma_start3A_76 = tpu.memref_slice %arg2[%dma_start3A_74, %dma_start3A_75] : memref<10000x128xf32, #tpu.memory_space<hbm>> -> memref<10000x128xf32, #tpu.memory_space<hbm>>
    tpu.enqueue_indirect_dma source(%dma_start3A_76 : memref<10000x128xf32, #tpu.memory_space<hbm>>) target(%arg8 : memref<80x128xf32, #tpu.memory_space<vmem>>) offsets(%dma_start3A_73 : memref<80xi32, #tpu.memory_space<vmem>>) semaphore(%arg12 : memref<!tpu.dma_semaphore, #tpu.memory_space<semaphore_mem>>)
    %dma_wait3A_77 = arith.constant 0 : i32
    %dma_wait3A_78 = arith.constant 0 : i32
    %dma_wait3A_79 = tpu.memref_slice %arg2[%dma_wait3A_77, %dma_wait3A_78] : memref<10000x128xf32, #tpu.memory_space<hbm>> -> memref<80x128xf32, #tpu.memory_space<hbm>>
    %dma_wait3A_80 = arith.constant 0 : i32
    %dma_wait3A_81 = arith.constant 0 : i32
    %dma_wait3A_82 = tpu.memref_slice %arg2[%dma_wait3A_80, %dma_wait3A_81] : memref<10000x128xf32, #tpu.memory_space<hbm>> -> memref<80x128xf32, #tpu.memory_space<hbm>>
    tpu.wait_dma2 semaphore(%arg13 : memref<!tpu.dma_semaphore, #tpu.memory_space<semaphore_mem>>) src(%dma_wait3A_82 : memref<80x128xf32, #tpu.memory_space<hbm>>) dst(%arg9 : memref<80x128xf32, #tpu.memory_space<vmem>>)
    %dma_start3A_83 = arith.constant 80 : i32
    %dma_start3A_84 = tpu.memref_slice %arg7[%dma_start3A_83] : memref<10000xi32, #tpu.memory_space<vmem>> -> memref<80xi32, #tpu.memory_space<vmem>>
    %dma_start3A_85 = arith.constant 0 : i32
    %dma_start3A_86 = arith.constant 0 : i32
    %dma_start3A_87 = tpu.memref_slice %arg11[%dma_start3A_85, %dma_start3A_86] : memref<10000x128xf32, #tpu.memory_space<vmem_shared>> -> memref<10000x128xf32, #tpu.memory_space<vmem_shared>>
    tpu.enqueue_indirect_dma source(%arg9 : memref<80x128xf32, #tpu.memory_space<vmem>>) target(%dma_start3A_87 : memref<10000x128xf32, #tpu.memory_space<vmem_shared>>) offsets(%dma_start3A_84 : memref<80xi32, #tpu.memory_space<vmem>>) semaphore(%arg16 : memref<!tpu.dma_semaphore, #tpu.memory_space<semaphore_mem>>) {add = true}
    %dma_wait3A_88 = arith.constant 0 : i32
    %dma_wait3A_89 = arith.constant 0 : i32
    %dma_wait3A_90 = tpu.memref_slice %arg11[%dma_wait3A_88, %dma_wait3A_89] : memref<10000x128xf32, #tpu.memory_space<vmem_shared>> -> memref<80x128xf32, #tpu.memory_space<vmem_shared>>
    %dma_wait3A_91 = arith.constant 0 : i32
    %dma_wait3A_92 = arith.constant 0 : i32
    %dma_wait3A_93 = tpu.memref_slice %arg11[%dma_wait3A_91, %dma_wait3A_92] : memref<10000x128xf32, #tpu.memory_space<vmem_shared>> -> memref<80x128xf32, #tpu.memory_space<vmem_shared>>
    tpu.wait_dma2 semaphore(%arg16 : memref<!tpu.dma_semaphore, #tpu.memory_space<semaphore_mem>>) src(%arg9 : memref<80x128xf32, #tpu.memory_space<vmem>>) dst(%dma_wait3A_93 : memref<80x128xf32, #tpu.memory_space<vmem_shared>>)
    %dma_start3A_94 = arith.constant 320 : i32
    %dma_start3A_95 = tpu.memref_slice %arg6[%dma_start3A_94] : memref<10000xi32, #tpu.memory_space<vmem>> -> memref<80xi32, #tpu.memory_space<vmem>>
    %dma_start3A_96 = arith.constant 0 : i32
    %dma_start3A_97 = arith.constant 0 : i32
    %dma_start3A_98 = tpu.memref_slice %arg2[%dma_start3A_96, %dma_start3A_97] : memref<10000x128xf32, #tpu.memory_space<hbm>> -> memref<10000x128xf32, #tpu.memory_space<hbm>>
    tpu.enqueue_indirect_dma source(%dma_start3A_98 : memref<10000x128xf32, #tpu.memory_space<hbm>>) target(%arg9 : memref<80x128xf32, #tpu.memory_space<vmem>>) offsets(%dma_start3A_95 : memref<80xi32, #tpu.memory_space<vmem>>) semaphore(%arg13 : memref<!tpu.dma_semaphore, #tpu.memory_space<semaphore_mem>>)
    %dma_wait3A_99 = arith.constant 0 : i32
    %dma_wait3A_100 = arith.constant 0 : i32
    %dma_wait3A_101 = tpu.memref_slice %arg2[%dma_wait3A_99, %dma_wait3A_100] : memref<10000x128xf32, #tpu.memory_space<hbm>> -> memref<80x128xf32, #tpu.memory_space<hbm>>
    %dma_wait3A_102 = arith.constant 0 : i32
    %dma_wait3A_103 = arith.constant 0 : i32
    %dma_wait3A_104 = tpu.memref_slice %arg2[%dma_wait3A_102, %dma_wait3A_103] : memref<10000x128xf32, #tpu.memory_space<hbm>> -> memref<80x128xf32, #tpu.memory_space<hbm>>
    tpu.wait_dma2 semaphore(%arg14 : memref<!tpu.dma_semaphore, #tpu.memory_space<semaphore_mem>>) src(%dma_wait3A_104 : memref<80x128xf32, #tpu.memory_space<hbm>>) dst(%arg10 : memref<80x128xf32, #tpu.memory_space<vmem>>)
    %dma_start3A_105 = arith.constant 160 : i32
    %dma_start3A_106 = tpu.memref_slice %arg7[%dma_start3A_105] : memref<10000xi32, #tpu.memory_space<vmem>> -> memref<80xi32, #tpu.memory_space<vmem>>
    %dma_start3A_107 = arith.constant 0 : i32
    %dma_start3A_108 = arith.constant 0 : i32
    %dma_start3A_109 = tpu.memref_slice %arg11[%dma_start3A_107, %dma_start3A_108] : memref<10000x128xf32, #tpu.memory_space<vmem_shared>> -> memref<10000x128xf32, #tpu.memory_space<vmem_shared>>
    tpu.enqueue_indirect_dma source(%arg10 : memref<80x128xf32, #tpu.memory_space<vmem>>) target(%dma_start3A_109 : memref<10000x128xf32, #tpu.memory_space<vmem_shared>>) offsets(%dma_start3A_106 : memref<80xi32, #tpu.memory_space<vmem>>) semaphore(%arg17 : memref<!tpu.dma_semaphore, #tpu.memory_space<semaphore_mem>>) {add = true}
    %scan3A_110 = arith.constant 0 : i32
    %scan3A_111 = arith.constant 1 : i32
    %scan3A_112 = arith.constant 40 : i32
    %scan3A_113 = arith.addi %scan3A_111, %scan3A_112 : i32
    %scan3A_114 = arith.constant 1 : i32
    scf.for %scan3A_162 = %scan3A_111 to %scan3A_113 step %scan3A_114  : i32 {
      %mul3A_163 = arith.constant 3 : i32
      %mul3A_164 = arith.muli %mul3A_163, %scan3A_162 : i32
      %add3A_165 = arith.constant 0 : i32
      %add3A_166 = arith.addi %mul3A_164, %add3A_165 : i32
      %dma_wait3A_167 = arith.constant 0 : i32
      %dma_wait3A_168 = arith.constant 0 : i32
      %dma_wait3A_169 = tpu.memref_slice %arg11[%dma_wait3A_167, %dma_wait3A_168] : memref<10000x128xf32, #tpu.memory_space<vmem_shared>> -> memref<80x128xf32, #tpu.memory_space<vmem_shared>>
      %dma_wait3A_170 = arith.constant 0 : i32
      %dma_wait3A_171 = arith.constant 0 : i32
      %dma_wait3A_172 = tpu.memref_slice %arg11[%dma_wait3A_170, %dma_wait3A_171] : memref<10000x128xf32, #tpu.memory_space<vmem_shared>> -> memref<80x128xf32, #tpu.memory_space<vmem_shared>>
      tpu.wait_dma2 semaphore(%arg17 : memref<!tpu.dma_semaphore, #tpu.memory_space<semaphore_mem>>) src(%arg10 : memref<80x128xf32, #tpu.memory_space<vmem>>) dst(%dma_wait3A_172 : memref<80x128xf32, #tpu.memory_space<vmem_shared>>)
      %add3A_173 = arith.constant 2 : i32
      %add3A_174 = arith.addi %add3A_166, %add3A_173 : i32
      %mul3A_175 = arith.constant 80 : i32
      %mul3A_176 = arith.muli %add3A_174, %mul3A_175 : i32
      %dma_start3A_177 = tpu.memref_slice %arg6[%mul3A_176] : memref<10000xi32, #tpu.memory_space<vmem>> -> memref<80xi32, #tpu.memory_space<vmem>>
      %dma_start3A_178 = arith.constant 0 : i32
      %dma_start3A_179 = arith.constant 0 : i32
      %dma_start3A_180 = tpu.memref_slice %arg2[%dma_start3A_178, %dma_start3A_179] : memref<10000x128xf32, #tpu.memory_space<hbm>> -> memref<10000x128xf32, #tpu.memory_space<hbm>>
      tpu.enqueue_indirect_dma source(%dma_start3A_180 : memref<10000x128xf32, #tpu.memory_space<hbm>>) target(%arg10 : memref<80x128xf32, #tpu.memory_space<vmem>>) offsets(%dma_start3A_177 : memref<80xi32, #tpu.memory_space<vmem>>) semaphore(%arg14 : memref<!tpu.dma_semaphore, #tpu.memory_space<semaphore_mem>>)
      %dma_wait3A_181 = arith.constant 0 : i32
      %dma_wait3A_182 = arith.constant 0 : i32
      %dma_wait3A_183 = tpu.memref_slice %arg2[%dma_wait3A_181, %dma_wait3A_182] : memref<10000x128xf32, #tpu.memory_space<hbm>> -> memref<80x128xf32, #tpu.memory_space<hbm>>
      %dma_wait3A_184 = arith.constant 0 : i32
      %dma_wait3A_185 = arith.constant 0 : i32
      %dma_wait3A_186 = tpu.memref_slice %arg2[%dma_wait3A_184, %dma_wait3A_185] : memref<10000x128xf32, #tpu.memory_space<hbm>> -> memref<80x128xf32, #tpu.memory_space<hbm>>
      tpu.wait_dma2 semaphore(%arg12 : memref<!tpu.dma_semaphore, #tpu.memory_space<semaphore_mem>>) src(%dma_wait3A_186 : memref<80x128xf32, #tpu.memory_space<hbm>>) dst(%arg8 : memref<80x128xf32, #tpu.memory_space<vmem>>)
      %mul3A_187 = arith.constant 80 : i32
      %mul3A_188 = arith.muli %add3A_166, %mul3A_187 : i32
      %dma_start3A_189 = tpu.memref_slice %arg7[%mul3A_188] : memref<10000xi32, #tpu.memory_space<vmem>> -> memref<80xi32, #tpu.memory_space<vmem>>
      %dma_start3A_190 = arith.constant 0 : i32
      %dma_start3A_191 = arith.constant 0 : i32
      %dma_start3A_192 = tpu.memref_slice %arg11[%dma_start3A_190, %dma_start3A_191] : memref<10000x128xf32, #tpu.memory_space<vmem_shared>> -> memref<10000x128xf32, #tpu.memory_space<vmem_shared>>
      tpu.enqueue_indirect_dma source(%arg8 : memref<80x128xf32, #tpu.memory_space<vmem>>) target(%dma_start3A_192 : memref<10000x128xf32, #tpu.memory_space<vmem_shared>>) offsets(%dma_start3A_189 : memref<80xi32, #tpu.memory_space<vmem>>) semaphore(%arg15 : memref<!tpu.dma_semaphore, #tpu.memory_space<semaphore_mem>>) {add = true}
      %add3A_193 = arith.constant 1 : i32
      %add3A_194 = arith.addi %mul3A_164, %add3A_193 : i32
      %dma_wait3A_195 = arith.constant 0 : i32
      %dma_wait3A_196 = arith.constant 0 : i32
      %dma_wait3A_197 = tpu.memref_slice %arg11[%dma_wait3A_195, %dma_wait3A_196] : memref<10000x128xf32, #tpu.memory_space<vmem_shared>> -> memref<80x128xf32, #tpu.memory_space<vmem_shared>>
      %dma_wait3A_198 = arith.constant 0 : i32
      %dma_wait3A_199 = arith.constant 0 : i32
      %dma_wait3A_200 = tpu.memref_slice %arg11[%dma_wait3A_198, %dma_wait3A_199] : memref<10000x128xf32, #tpu.memory_space<vmem_shared>> -> memref<80x128xf32, #tpu.memory_space<vmem_shared>>
      tpu.wait_dma2 semaphore(%arg15 : memref<!tpu.dma_semaphore, #tpu.memory_space<semaphore_mem>>) src(%arg8 : memref<80x128xf32, #tpu.memory_space<vmem>>) dst(%dma_wait3A_200 : memref<80x128xf32, #tpu.memory_space<vmem_shared>>)
      %add3A_201 = arith.constant 2 : i32
      %add3A_202 = arith.addi %add3A_194, %add3A_201 : i32
      %mul3A_203 = arith.constant 80 : i32
      %mul3A_204 = arith.muli %add3A_202, %mul3A_203 : i32
      %dma_start3A_205 = tpu.memref_slice %arg6[%mul3A_204] : memref<10000xi32, #tpu.memory_space<vmem>> -> memref<80xi32, #tpu.memory_space<vmem>>
      %dma_start3A_206 = arith.constant 0 : i32
      %dma_start3A_207 = arith.constant 0 : i32
      %dma_start3A_208 = tpu.memref_slice %arg2[%dma_start3A_206, %dma_start3A_207] : memref<10000x128xf32, #tpu.memory_space<hbm>> -> memref<10000x128xf32, #tpu.memory_space<hbm>>
      tpu.enqueue_indirect_dma source(%dma_start3A_208 : memref<10000x128xf32, #tpu.memory_space<hbm>>) target(%arg8 : memref<80x128xf32, #tpu.memory_space<vmem>>) offsets(%dma_start3A_205 : memref<80xi32, #tpu.memory_space<vmem>>) semaphore(%arg12 : memref<!tpu.dma_semaphore, #tpu.memory_space<semaphore_mem>>)
      %dma_wait3A_209 = arith.constant 0 : i32
      %dma_wait3A_210 = arith.constant 0 : i32
      %dma_wait3A_211 = tpu.memref_slice %arg2[%dma_wait3A_209, %dma_wait3A_210] : memref<10000x128xf32, #tpu.memory_space<hbm>> -> memref<80x128xf32, #tpu.memory_space<hbm>>
      %dma_wait3A_212 = arith.constant 0 : i32
      %dma_wait3A_213 = arith.constant 0 : i32
      %dma_wait3A_214 = tpu.memref_slice %arg2[%dma_wait3A_212, %dma_wait3A_213] : memref<10000x128xf32, #tpu.memory_space<hbm>> -> memref<80x128xf32, #tpu.memory_space<hbm>>
      tpu.wait_dma2 semaphore(%arg13 : memref<!tpu.dma_semaphore, #tpu.memory_space<semaphore_mem>>) src(%dma_wait3A_214 : memref<80x128xf32, #tpu.memory_space<hbm>>) dst(%arg9 : memref<80x128xf32, #tpu.memory_space<vmem>>)
      %mul3A_215 = arith.constant 80 : i32
      %mul3A_216 = arith.muli %add3A_194, %mul3A_215 : i32
      %dma_start3A_217 = tpu.memref_slice %arg7[%mul3A_216] : memref<10000xi32, #tpu.memory_space<vmem>> -> memref<80xi32, #tpu.memory_space<vmem>>
      %dma_start3A_218 = arith.constant 0 : i32
      %dma_start3A_219 = arith.constant 0 : i32
      %dma_start3A_220 = tpu.memref_slice %arg11[%dma_start3A_218, %dma_start3A_219] : memref<10000x128xf32, #tpu.memory_space<vmem_shared>> -> memref<10000x128xf32, #tpu.memory_space<vmem_shared>>
      tpu.enqueue_indirect_dma source(%arg9 : memref<80x128xf32, #tpu.memory_space<vmem>>) target(%dma_start3A_220 : memref<10000x128xf32, #tpu.memory_space<vmem_shared>>) offsets(%dma_start3A_217 : memref<80xi32, #tpu.memory_space<vmem>>) semaphore(%arg16 : memref<!tpu.dma_semaphore, #tpu.memory_space<semaphore_mem>>) {add = true}
      %add3A_221 = arith.constant 2 : i32
      %add3A_222 = arith.addi %mul3A_164, %add3A_221 : i32
      %dma_wait3A_223 = arith.constant 0 : i32
      %dma_wait3A_224 = arith.constant 0 : i32
      %dma_wait3A_225 = tpu.memref_slice %arg11[%dma_wait3A_223, %dma_wait3A_224] : memref<10000x128xf32, #tpu.memory_space<vmem_shared>> -> memref<80x128xf32, #tpu.memory_space<vmem_shared>>
      %dma_wait3A_226 = arith.constant 0 : i32
      %dma_wait3A_227 = arith.constant 0 : i32
      %dma_wait3A_228 = tpu.memref_slice %arg11[%dma_wait3A_226, %dma_wait3A_227] : memref<10000x128xf32, #tpu.memory_space<vmem_shared>> -> memref<80x128xf32, #tpu.memory_space<vmem_shared>>
      tpu.wait_dma2 semaphore(%arg16 : memref<!tpu.dma_semaphore, #tpu.memory_space<semaphore_mem>>) src(%arg9 : memref<80x128xf32, #tpu.memory_space<vmem>>) dst(%dma_wait3A_228 : memref<80x128xf32, #tpu.memory_space<vmem_shared>>)
      %add3A_229 = arith.constant 2 : i32
      %add3A_230 = arith.addi %add3A_222, %add3A_229 : i32
      %mul3A_231 = arith.constant 80 : i32
      %mul3A_232 = arith.muli %add3A_230, %mul3A_231 : i32
      %dma_start3A_233 = tpu.memref_slice %arg6[%mul3A_232] : memref<10000xi32, #tpu.memory_space<vmem>> -> memref<80xi32, #tpu.memory_space<vmem>>
      %dma_start3A_234 = arith.constant 0 : i32
      %dma_start3A_235 = arith.constant 0 : i32
      %dma_start3A_236 = tpu.memref_slice %arg2[%dma_start3A_234, %dma_start3A_235] : memref<10000x128xf32, #tpu.memory_space<hbm>> -> memref<10000x128xf32, #tpu.memory_space<hbm>>
      tpu.enqueue_indirect_dma source(%dma_start3A_236 : memref<10000x128xf32, #tpu.memory_space<hbm>>) target(%arg9 : memref<80x128xf32, #tpu.memory_space<vmem>>) offsets(%dma_start3A_233 : memref<80xi32, #tpu.memory_space<vmem>>) semaphore(%arg13 : memref<!tpu.dma_semaphore, #tpu.memory_space<semaphore_mem>>)
      %dma_wait3A_237 = arith.constant 0 : i32
      %dma_wait3A_238 = arith.constant 0 : i32
      %dma_wait3A_239 = tpu.memref_slice %arg2[%dma_wait3A_237, %dma_wait3A_238] : memref<10000x128xf32, #tpu.memory_space<hbm>> -> memref<80x128xf32, #tpu.memory_space<hbm>>
      %dma_wait3A_240 = arith.constant 0 : i32
      %dma_wait3A_241 = arith.constant 0 : i32
      %dma_wait3A_242 = tpu.memref_slice %arg2[%dma_wait3A_240, %dma_wait3A_241] : memref<10000x128xf32, #tpu.memory_space<hbm>> -> memref<80x128xf32, #tpu.memory_space<hbm>>
      tpu.wait_dma2 semaphore(%arg14 : memref<!tpu.dma_semaphore, #tpu.memory_space<semaphore_mem>>) src(%dma_wait3A_242 : memref<80x128xf32, #tpu.memory_space<hbm>>) dst(%arg10 : memref<80x128xf32, #tpu.memory_space<vmem>>)
      %mul3A_243 = arith.constant 80 : i32
      %mul3A_244 = arith.muli %add3A_222, %mul3A_243 : i32
      %dma_start3A_245 = tpu.memref_slice %arg7[%mul3A_244] : memref<10000xi32, #tpu.memory_space<vmem>> -> memref<80xi32, #tpu.memory_space<vmem>>
      %dma_start3A_246 = arith.constant 0 : i32
      %dma_start3A_247 = arith.constant 0 : i32
      %dma_start3A_248 = tpu.memref_slice %arg11[%dma_start3A_246, %dma_start3A_247] : memref<10000x128xf32, #tpu.memory_space<vmem_shared>> -> memref<10000x128xf32, #tpu.memory_space<vmem_shared>>
      tpu.enqueue_indirect_dma source(%arg10 : memref<80x128xf32, #tpu.memory_space<vmem>>) target(%dma_start3A_248 : memref<10000x128xf32, #tpu.memory_space<vmem_shared>>) offsets(%dma_start3A_245 : memref<80xi32, #tpu.memory_space<vmem>>) semaphore(%arg17 : memref<!tpu.dma_semaphore, #tpu.memory_space<semaphore_mem>>) {add = true}
    }
    %scan3A_115 = arith.constant 40 : i32
    %dma_wait3A_116 = arith.constant 0 : i32
    %dma_wait3A_117 = arith.constant 0 : i32
    %dma_wait3A_118 = tpu.memref_slice %arg11[%dma_wait3A_116, %dma_wait3A_117] : memref<10000x128xf32, #tpu.memory_space<vmem_shared>> -> memref<80x128xf32, #tpu.memory_space<vmem_shared>>
    %dma_wait3A_119 = arith.constant 0 : i32
    %dma_wait3A_120 = arith.constant 0 : i32
    %dma_wait3A_121 = tpu.memref_slice %arg11[%dma_wait3A_119, %dma_wait3A_120] : memref<10000x128xf32, #tpu.memory_space<vmem_shared>> -> memref<80x128xf32, #tpu.memory_space<vmem_shared>>
    tpu.wait_dma2 semaphore(%arg17 : memref<!tpu.dma_semaphore, #tpu.memory_space<semaphore_mem>>) src(%arg10 : memref<80x128xf32, #tpu.memory_space<vmem>>) dst(%dma_wait3A_121 : memref<80x128xf32, #tpu.memory_space<vmem_shared>>)
    %dma_wait3A_122 = arith.constant 0 : i32
    %dma_wait3A_123 = arith.constant 0 : i32
    %dma_wait3A_124 = tpu.memref_slice %arg2[%dma_wait3A_122, %dma_wait3A_123] : memref<10000x128xf32, #tpu.memory_space<hbm>> -> memref<80x128xf32, #tpu.memory_space<hbm>>
    %dma_wait3A_125 = arith.constant 0 : i32
    %dma_wait3A_126 = arith.constant 0 : i32
    %dma_wait3A_127 = tpu.memref_slice %arg2[%dma_wait3A_125, %dma_wait3A_126] : memref<10000x128xf32, #tpu.memory_space<hbm>> -> memref<80x128xf32, #tpu.memory_space<hbm>>
    tpu.wait_dma2 semaphore(%arg12 : memref<!tpu.dma_semaphore, #tpu.memory_space<semaphore_mem>>) src(%dma_wait3A_127 : memref<80x128xf32, #tpu.memory_space<hbm>>) dst(%arg8 : memref<80x128xf32, #tpu.memory_space<vmem>>)
    %dma_start3A_128 = arith.constant 9840 : i32
    %dma_start3A_129 = tpu.memref_slice %arg7[%dma_start3A_128] : memref<10000xi32, #tpu.memory_space<vmem>> -> memref<80xi32, #tpu.memory_space<vmem>>
    %dma_start3A_130 = arith.constant 0 : i32
    %dma_start3A_131 = arith.constant 0 : i32
    %dma_start3A_132 = tpu.memref_slice %arg11[%dma_start3A_130, %dma_start3A_131] : memref<10000x128xf32, #tpu.memory_space<vmem_shared>> -> memref<10000x128xf32, #tpu.memory_space<vmem_shared>>
    tpu.enqueue_indirect_dma source(%arg8 : memref<80x128xf32, #tpu.memory_space<vmem>>) target(%dma_start3A_132 : memref<10000x128xf32, #tpu.memory_space<vmem_shared>>) offsets(%dma_start3A_129 : memref<80xi32, #tpu.memory_space<vmem>>) semaphore(%arg15 : memref<!tpu.dma_semaphore, #tpu.memory_space<semaphore_mem>>) {add = true}
    %dma_wait3A_133 = arith.constant 0 : i32
    %dma_wait3A_134 = arith.constant 0 : i32
    %dma_wait3A_135 = tpu.memref_slice %arg2[%dma_wait3A_133, %dma_wait3A_134] : memref<10000x128xf32, #tpu.memory_space<hbm>> -> memref<80x128xf32, #tpu.memory_space<hbm>>
    %dma_wait3A_136 = arith.constant 0 : i32
    %dma_wait3A_137 = arith.constant 0 : i32
    %dma_wait3A_138 = tpu.memref_slice %arg2[%dma_wait3A_136, %dma_wait3A_137] : memref<10000x128xf32, #tpu.memory_space<hbm>> -> memref<80x128xf32, #tpu.memory_space<hbm>>
    tpu.wait_dma2 semaphore(%arg13 : memref<!tpu.dma_semaphore, #tpu.memory_space<semaphore_mem>>) src(%dma_wait3A_138 : memref<80x128xf32, #tpu.memory_space<hbm>>) dst(%arg9 : memref<80x128xf32, #tpu.memory_space<vmem>>)
    %dma_start3A_139 = arith.constant 9920 : i32
    %dma_start3A_140 = tpu.memref_slice %arg7[%dma_start3A_139] : memref<10000xi32, #tpu.memory_space<vmem>> -> memref<80xi32, #tpu.memory_space<vmem>>
    %dma_start3A_141 = arith.constant 0 : i32
    %dma_start3A_142 = arith.constant 0 : i32
    %dma_start3A_143 = tpu.memref_slice %arg11[%dma_start3A_141, %dma_start3A_142] : memref<10000x128xf32, #tpu.memory_space<vmem_shared>> -> memref<10000x128xf32, #tpu.memory_space<vmem_shared>>
    tpu.enqueue_indirect_dma source(%arg9 : memref<80x128xf32, #tpu.memory_space<vmem>>) target(%dma_start3A_143 : memref<10000x128xf32, #tpu.memory_space<vmem_shared>>) offsets(%dma_start3A_140 : memref<80xi32, #tpu.memory_space<vmem>>) semaphore(%arg16 : memref<!tpu.dma_semaphore, #tpu.memory_space<semaphore_mem>>) {add = true}
    %dma_wait3A_144 = arith.constant 0 : i32
    %dma_wait3A_145 = arith.constant 0 : i32
    %dma_wait3A_146 = tpu.memref_slice %arg11[%dma_wait3A_144, %dma_wait3A_145] : memref<10000x128xf32, #tpu.memory_space<vmem_shared>> -> memref<80x128xf32, #tpu.memory_space<vmem_shared>>
    %dma_wait3A_147 = arith.constant 0 : i32
    %dma_wait3A_148 = arith.constant 0 : i32
    %dma_wait3A_149 = tpu.memref_slice %arg11[%dma_wait3A_147, %dma_wait3A_148] : memref<10000x128xf32, #tpu.memory_space<vmem_shared>> -> memref<80x128xf32, #tpu.memory_space<vmem_shared>>
    tpu.wait_dma2 semaphore(%arg15 : memref<!tpu.dma_semaphore, #tpu.memory_space<semaphore_mem>>) src(%arg8 : memref<80x128xf32, #tpu.memory_space<vmem>>) dst(%dma_wait3A_149 : memref<80x128xf32, #tpu.memory_space<vmem_shared>>)
    %dma_wait3A_150 = arith.constant 0 : i32
    %dma_wait3A_151 = arith.constant 0 : i32
    %dma_wait3A_152 = tpu.memref_slice %arg11[%dma_wait3A_150, %dma_wait3A_151] : memref<10000x128xf32, #tpu.memory_space<vmem_shared>> -> memref<80x128xf32, #tpu.memory_space<vmem_shared>>
    %dma_wait3A_153 = arith.constant 0 : i32
    %dma_wait3A_154 = arith.constant 0 : i32
    %dma_wait3A_155 = tpu.memref_slice %arg11[%dma_wait3A_153, %dma_wait3A_154] : memref<10000x128xf32, #tpu.memory_space<vmem_shared>> -> memref<80x128xf32, #tpu.memory_space<vmem_shared>>
    tpu.wait_dma2 semaphore(%arg16 : memref<!tpu.dma_semaphore, #tpu.memory_space<semaphore_mem>>) src(%arg9 : memref<80x128xf32, #tpu.memory_space<vmem>>) dst(%dma_wait3A_155 : memref<80x128xf32, #tpu.memory_space<vmem_shared>>)
    %barrier3A_156 = arith.constant 0 : index
    tpu.barrier barrier_id(%barrier3A_156)
    "tpu.region"() ({
      %run_scoped3A = tpu.sem_alloc : memref<!tpu.dma_semaphore, #tpu.memory_space<semaphore_mem>>
      %dma_start3A_162 = arith.constant 0 : i32
      %dma_start3A_163 = tpu.memref_slice %arg5[%arg0, %mul3A_13, %dma_start3A_162] : memref<2x10000x128xf32, #tpu.memory_space<hbm>> -> memref<1x624x128xf32, #tpu.memory_space<hbm>>
      %dma_start3A_164 = tpu.memref_squeeze %dma_start3A_163 : memref<1x624x128xf32, #tpu.memory_space<hbm>> -> memref<624x128xf32, #tpu.memory_space<hbm>>
      %dma_start3A_165 = arith.constant 0 : i32
      %dma_start3A_166 = tpu.memref_slice %arg11[%mul3A_13, %dma_start3A_165] : memref<10000x128xf32, #tpu.memory_space<vmem_shared>> -> memref<624x128xf32, #tpu.memory_space<vmem_shared>>
      tpu.enqueue_dma source(%dma_start3A_166 : memref<624x128xf32, #tpu.memory_space<vmem_shared>>) target(%dma_start3A_164 : memref<624x128xf32, #tpu.memory_space<hbm>>) target_semaphore(%run_scoped3A : memref<!tpu.dma_semaphore, #tpu.memory_space<semaphore_mem>>)
      %dma_wait3A_167 = arith.constant 0 : i32
      %dma_wait3A_168 = tpu.memref_slice %arg5[%arg0, %mul3A_13, %dma_wait3A_167] : memref<2x10000x128xf32, #tpu.memory_space<hbm>> -> memref<1x624x128xf32, #tpu.memory_space<hbm>>
      %dma_wait3A_169 = tpu.memref_squeeze %dma_wait3A_168 : memref<1x624x128xf32, #tpu.memory_space<hbm>> -> memref<624x128xf32, #tpu.memory_space<hbm>>
      %dma_wait3A_170 = arith.constant 0 : i32
      %dma_wait3A_171 = tpu.memref_slice %arg11[%mul3A_13, %dma_wait3A_170] : memref<10000x128xf32, #tpu.memory_space<vmem_shared>> -> memref<624x128xf32, #tpu.memory_space<vmem_shared>>
      tpu.wait_dma2 semaphore(%run_scoped3A : memref<!tpu.dma_semaphore, #tpu.memory_space<semaphore_mem>>) src(%dma_wait3A_171 : memref<624x128xf32, #tpu.memory_space<vmem_shared>>) dst(%dma_wait3A_169 : memref<624x128xf32, #tpu.memory_space<hbm>>)
      tpu.yield
    }) : () -> ()
    %eq3A_157 = arith.constant 15 : i32
    %eq3A_158 = arith.cmpi eq, %arg1, %eq3A_157 : i32
    %convert_element_type3A_159 = arith.extui %eq3A_158 : i1 to i32
    %cond3A_160 = arith.constant 0 : i32
    %cond3A_161 = arith.cmpi ne, %convert_element_type3A_159, %cond3A_160 : i32
    scf.if %cond3A_161 {
      "tpu.region"() ({
        %run_scoped3A = tpu.sem_alloc : memref<!tpu.dma_semaphore, #tpu.memory_space<semaphore_mem>>
        %dma_start3A_162 = arith.constant 9984 : i32
        %dma_start3A_163 = arith.constant 0 : i32
        %dma_start3A_164 = tpu.memref_slice %arg5[%arg0, %dma_start3A_162, %dma_start3A_163] : memref<2x10000x128xf32, #tpu.memory_space<hbm>> -> memref<1x16x128xf32, #tpu.memory_space<hbm>>
        %dma_start3A_165 = tpu.memref_squeeze %dma_start3A_164 : memref<1x16x128xf32, #tpu.memory_space<hbm>> -> memref<16x128xf32, #tpu.memory_space<hbm>>
        %dma_start3A_166 = arith.constant 9984 : i32
        %dma_start3A_167 = arith.constant 0 : i32
        %dma_start3A_168 = tpu.memref_slice %arg11[%dma_start3A_166, %dma_start3A_167] : memref<10000x128xf32, #tpu.memory_space<vmem_shared>> -> memref<16x128xf32, #tpu.memory_space<vmem_shared>>
        tpu.enqueue_dma source(%dma_start3A_168 : memref<16x128xf32, #tpu.memory_space<vmem_shared>>) target(%dma_start3A_165 : memref<16x128xf32, #tpu.memory_space<hbm>>) target_semaphore(%run_scoped3A : memref<!tpu.dma_semaphore, #tpu.memory_space<semaphore_mem>>)
        %dma_wait3A_169 = arith.constant 9984 : i32
        %dma_wait3A_170 = arith.constant 0 : i32
        %dma_wait3A_171 = tpu.memref_slice %arg5[%arg0, %dma_wait3A_169, %dma_wait3A_170] : memref<2x10000x128xf32, #tpu.memory_space<hbm>> -> memref<1x16x128xf32, #tpu.memory_space<hbm>>
        %dma_wait3A_172 = tpu.memref_squeeze %dma_wait3A_171 : memref<1x16x128xf32, #tpu.memory_space<hbm>> -> memref<16x128xf32, #tpu.memory_space<hbm>>
        %dma_wait3A_173 = arith.constant 9984 : i32
        %dma_wait3A_174 = arith.constant 0 : i32
        %dma_wait3A_175 = tpu.memref_slice %arg11[%dma_wait3A_173, %dma_wait3A_174] : memref<10000x128xf32, #tpu.memory_space<vmem_shared>> -> memref<16x128xf32, #tpu.memory_space<vmem_shared>>
        tpu.wait_dma2 semaphore(%run_scoped3A : memref<!tpu.dma_semaphore, #tpu.memory_space<semaphore_mem>>) src(%dma_wait3A_175 : memref<16x128xf32, #tpu.memory_space<vmem_shared>>) dst(%dma_wait3A_172 : memref<16x128xf32, #tpu.memory_space<hbm>>)
        tpu.yield
      }) : () -> ()
    } else {
    }
    return
  }
}

#map = affine_map<(d0, d1) -> (0, 0)>
#map1 = affine_map<(d0, d1) -> (0)>
#map2 = affine_map<(d0, d1) -> (0, 0, 0)>
module attributes {stable_mosaic.version = 14 : i64} {
  func.func @body(%arg0: i32, %arg1: i32, %arg2: memref<10000x128xf32, #tpu.memory_space<hbm>>, %arg3: memref<320000xi32, #tpu.memory_space<hbm>>, %arg4: memref<320000xi32, #tpu.memory_space<hbm>>, %arg5: memref<2x10000x128xf32, #tpu.memory_space<hbm>>, %arg6: memref<2x10000x128xf32, #tpu.memory_space<hbm>>, %arg7: memref<10000xi32, #tpu.memory_space<vmem>>, %arg8: memref<10000xi32, #tpu.memory_space<vmem>>, %arg9: memref<80x128xf32, #tpu.memory_space<vmem>>, %arg10: memref<80x128xf32, #tpu.memory_space<vmem>>, %arg11: memref<80x128xf32, #tpu.memory_space<vmem>>, %arg12: memref<10000x128xf32, #tpu.memory_space<vmem_shared>>, %arg13: memref<!tpu.dma_semaphore, #tpu.memory_space<semaphore_mem>>, %arg14: memref<!tpu.dma_semaphore, #tpu.memory_space<semaphore_mem>>, %arg15: memref<!tpu.dma_semaphore, #tpu.memory_space<semaphore_mem>>, %arg16: memref<!tpu.dma_semaphore, #tpu.memory_space<semaphore_mem>>, %arg17: memref<!tpu.dma_semaphore, #tpu.memory_space<semaphore_mem>>, %arg18: memref<!tpu.dma_semaphore, #tpu.memory_space<semaphore_mem>>) attributes {dimension_semantics = [#tpu.dimension_semantics<core_parallel>, #tpu.dimension_semantics<subcore_parallel>], iteration_bounds = array<i64: 2, 16>, scalar_prefetch = 0 : i64, scratch_operands = 12 : i64, tpu.core_type = #tpu.core_type<sc_vector_subcore>, window_params = [{transform_indices = #map}, {transform_indices = #map1}, {transform_indices = #map1}, {transform_indices = #map2}, {transform_indices = #map2}]} {
    %mul3A = arith.constant 2 : i32
    %mul3A_0 = arith.muli %arg1, %mul3A : i32
    %add3A = arith.addi %mul3A_0, %arg0 : i32
    %mul3A_1 = arith.constant 10000 : i32
    %mul3A_2 = arith.muli %add3A, %mul3A_1 : i32
    %dma_start3A = tpu.memref_slice %arg3[%mul3A_2] : memref<320000xi32, #tpu.memory_space<hbm>> -> memref<10000xi32, #tpu.memory_space<hbm>>
    %dma_start3A_3 = tpu.memref_slice %arg3[%mul3A_2] : memref<320000xi32, #tpu.memory_space<hbm>> -> memref<10000xi32, #tpu.memory_space<hbm>>
    tpu.enqueue_dma source(%dma_start3A_3 : memref<10000xi32, #tpu.memory_space<hbm>>) target(%arg7 : memref<10000xi32, #tpu.memory_space<vmem>>) target_semaphore(%arg13 : memref<!tpu.dma_semaphore, #tpu.memory_space<semaphore_mem>>)
    %dma_start3A_4 = tpu.memref_slice %arg4[%mul3A_2] : memref<320000xi32, #tpu.memory_space<hbm>> -> memref<10000xi32, #tpu.memory_space<hbm>>
    %dma_start3A_5 = tpu.memref_slice %arg4[%mul3A_2] : memref<320000xi32, #tpu.memory_space<hbm>> -> memref<10000xi32, #tpu.memory_space<hbm>>
    tpu.enqueue_dma source(%dma_start3A_5 : memref<10000xi32, #tpu.memory_space<hbm>>) target(%arg8 : memref<10000xi32, #tpu.memory_space<vmem>>) target_semaphore(%arg14 : memref<!tpu.dma_semaphore, #tpu.memory_space<semaphore_mem>>)
    %broadcast_in_dim3A = arith.constant 0.000000e+00 : f32
    %broadcast_in_dim3A_6 = vector.broadcast %broadcast_in_dim3A : f32 to vector<16xf32>
    %scan3A = arith.constant 0 : i32
    %scan3A_7 = arith.constant 0 : i32
    %scan3A_8 = arith.constant 624 : i32
    %scan3A_9 = arith.addi %scan3A_7, %scan3A_8 : i32
    %scan3A_10 = arith.constant 1 : i32
    scf.for %scan3A_225 = %scan3A_7 to %scan3A_9 step %scan3A_10  : i32 {
      %jit3A = arith.constant 8 : i32
      %div3A = arith.divsi %scan3A_225, %jit3A : i32
      %sign3A = arith.constant 0 : i32
      %sign3A_226 = arith.cmpi sgt, %scan3A_225, %sign3A : i32
      %sign3A_227 = arith.extui %sign3A_226 : i1 to i32
      %sign3A_228 = arith.constant 0 : i32
      %sign3A_229 = arith.cmpi slt, %scan3A_225, %sign3A_228 : i32
      %sign3A_230 = arith.extui %sign3A_229 : i1 to i32
      %sign3A_231 = arith.subi %sign3A_227, %sign3A_230 : i32
      %sign3A_232 = arith.constant 0 : i32
      %sign3A_233 = arith.cmpi sgt, %jit3A, %sign3A_232 : i32
      %sign3A_234 = arith.extui %sign3A_233 : i1 to i32
      %sign3A_235 = arith.constant 0 : i32
      %sign3A_236 = arith.cmpi slt, %jit3A, %sign3A_235 : i32
      %sign3A_237 = arith.extui %sign3A_236 : i1 to i32
      %sign3A_238 = arith.subi %sign3A_234, %sign3A_237 : i32
      %ne3A = arith.cmpi ne, %sign3A_231, %sign3A_238 : i32
      %rem3A = arith.remsi %scan3A_225, %jit3A : i32
      %ne3A_239 = arith.constant 0 : i32
      %ne3A_240 = arith.cmpi ne, %rem3A, %ne3A_239 : i32
      %and3A = arith.andi %ne3A, %ne3A_240 : i1
      %sub3A = arith.constant 1 : i32
      %sub3A_241 = arith.subi %div3A, %sub3A : i32
      %select_n3A = arith.select %and3A, %sub3A_241, %div3A : i32
      %jit3A_242 = arith.constant 8 : i32
      %eq3A_243 = arith.constant 0 : i32
      %eq3A_244 = arith.cmpi eq, %jit3A_242, %eq3A_243 : i32
      %jit3A_245 = arith.constant 1 : i32
      %select_n3A_246 = arith.select %eq3A_244, %jit3A_245, %jit3A_242 : i32
      %rem3A_247 = arith.remsi %scan3A_225, %select_n3A_246 : i32
      %ne3A_248 = arith.constant 0 : i32
      %ne3A_249 = arith.cmpi ne, %rem3A_247, %ne3A_248 : i32
      %lt3A = arith.constant 0 : i32
      %lt3A_250 = arith.cmpi slt, %rem3A_247, %lt3A : i32
      %lt3A_251 = arith.constant 0 : i32
      %lt3A_252 = arith.cmpi slt, %select_n3A_246, %lt3A_251 : i32
      %ne3A_253 = arith.xori %lt3A_250, %lt3A_252 : i1
      %and3A_254 = arith.andi %ne3A_253, %ne3A_249 : i1
      %add3A_255 = arith.addi %rem3A_247, %select_n3A_246 : i32
      %select_n3A_256 = arith.select %and3A_254, %add3A_255, %rem3A_247 : i32
      %mul3A_257 = arith.constant 16 : i32
      %mul3A_258 = arith.muli %select_n3A_256, %mul3A_257 : i32
      %swap3A = arith.index_cast %select_n3A : i32 to index
      %swap3A_259 = arith.index_cast %mul3A_258 : i32 to index
      %swap3A_260 = tpu.vector_load %arg9[%swap3A, %swap3A_259] {strides = array<i32>} : memref<80x128xf32, #tpu.memory_space<vmem>>, vector<1x16xf32>,
      %swap3A_261 = vector.shape_cast %swap3A_260 : vector<1x16xf32> to vector<16xf32>
      %swap3A_262 = vector.shape_cast %broadcast_in_dim3A_6 : vector<16xf32> to vector<1x16xf32>
      tpu.vector_store %arg9[%swap3A, %swap3A_259], %swap3A_262 {strides = array<i32>} : memref<80x128xf32, #tpu.memory_space<vmem>>, vector<1x16xf32>,
    }
    %scan3A_11 = arith.constant 624 : i32
    %mul3A_12 = arith.constant 624 : i32
    %mul3A_13 = arith.muli %arg1, %mul3A_12 : i32
    %scan3A_14 = arith.constant 0 : i32
    %scan3A_15 = arith.constant 0 : i32
    %scan3A_16 = arith.constant 8 : i32
    %scan3A_17 = arith.addi %scan3A_15, %scan3A_16 : i32
    %scan3A_18 = arith.constant 1 : i32
    scf.for %scan3A_225 = %scan3A_15 to %scan3A_17 step %scan3A_18  : i32 {
      %mul3A_226 = arith.constant 78 : i32
      %mul3A_227 = arith.muli %scan3A_225, %mul3A_226 : i32
      %add3A_228 = arith.addi %mul3A_13, %mul3A_227 : i32
      %dma_start3A_229 = arith.constant 0 : i32
      %dma_start3A_230 = arith.constant 0 : i32
      %dma_start3A_231 = tpu.memref_slice %arg9[%dma_start3A_229, %dma_start3A_230] : memref<80x128xf32, #tpu.memory_space<vmem>> -> memref<78x128xf32, #tpu.memory_space<vmem>>
      %dma_start3A_232 = arith.constant 0 : i32
      %dma_start3A_233 = tpu.memref_slice %arg12[%add3A_228, %dma_start3A_232] : memref<10000x128xf32, #tpu.memory_space<vmem_shared>> -> memref<78x128xf32, #tpu.memory_space<vmem_shared>>
      %dma_start3A_234 = arith.constant 0 : i32
      %dma_start3A_235 = tpu.memref_slice %arg12[%add3A_228, %dma_start3A_234] : memref<10000x128xf32, #tpu.memory_space<vmem_shared>> -> memref<78x128xf32, #tpu.memory_space<vmem_shared>>
      %dma_start3A_236 = arith.constant 0 : i32
      %dma_start3A_237 = arith.constant 0 : i32
      %dma_start3A_238 = tpu.memref_slice %arg9[%dma_start3A_236, %dma_start3A_237] : memref<80x128xf32, #tpu.memory_space<vmem>> -> memref<78x128xf32, #tpu.memory_space<vmem>>
      tpu.enqueue_dma source(%dma_start3A_238 : memref<78x128xf32, #tpu.memory_space<vmem>>) target(%dma_start3A_235 : memref<78x128xf32, #tpu.memory_space<vmem_shared>>) target_semaphore(%arg16 : memref<!tpu.dma_semaphore, #tpu.memory_space<semaphore_mem>>)
    }
    %scan3A_19 = arith.constant 8 : i32
    %eq3A = arith.constant 15 : i32
    %eq3A_20 = arith.cmpi eq, %arg1, %eq3A : i32
    %convert_element_type3A = arith.extui %eq3A_20 : i1 to i32
    %cond3A = arith.constant 0 : i32
    %cond3A_21 = arith.cmpi ne, %convert_element_type3A, %cond3A : i32
    scf.if %cond3A_21 {
      %dma_start3A_225 = arith.constant 0 : i32
      %dma_start3A_226 = arith.constant 0 : i32
      %dma_start3A_227 = tpu.memref_slice %arg9[%dma_start3A_225, %dma_start3A_226] : memref<80x128xf32, #tpu.memory_space<vmem>> -> memref<16x128xf32, #tpu.memory_space<vmem>>
      %dma_start3A_228 = arith.constant 9984 : i32
      %dma_start3A_229 = arith.constant 0 : i32
      %dma_start3A_230 = tpu.memref_slice %arg12[%dma_start3A_228, %dma_start3A_229] : memref<10000x128xf32, #tpu.memory_space<vmem_shared>> -> memref<16x128xf32, #tpu.memory_space<vmem_shared>>
      %dma_start3A_231 = arith.constant 9984 : i32
      %dma_start3A_232 = arith.constant 0 : i32
      %dma_start3A_233 = tpu.memref_slice %arg12[%dma_start3A_231, %dma_start3A_232] : memref<10000x128xf32, #tpu.memory_space<vmem_shared>> -> memref<16x128xf32, #tpu.memory_space<vmem_shared>>
      %dma_start3A_234 = arith.constant 0 : i32
      %dma_start3A_235 = arith.constant 0 : i32
      %dma_start3A_236 = tpu.memref_slice %arg9[%dma_start3A_234, %dma_start3A_235] : memref<80x128xf32, #tpu.memory_space<vmem>> -> memref<16x128xf32, #tpu.memory_space<vmem>>
      tpu.enqueue_dma source(%dma_start3A_236 : memref<16x128xf32, #tpu.memory_space<vmem>>) target(%dma_start3A_233 : memref<16x128xf32, #tpu.memory_space<vmem_shared>>) target_semaphore(%arg17 : memref<!tpu.dma_semaphore, #tpu.memory_space<semaphore_mem>>)
    } else {
    }
    %scan3A_22 = arith.constant 0 : i32
    %scan3A_23 = arith.constant 0 : i32
    %scan3A_24 = arith.constant 8 : i32
    %scan3A_25 = arith.addi %scan3A_23, %scan3A_24 : i32
    %scan3A_26 = arith.constant 1 : i32
    scf.for %scan3A_225 = %scan3A_23 to %scan3A_25 step %scan3A_26  : i32 {
      %dma_wait3A_226 = arith.constant 0 : i32
      %dma_wait3A_227 = arith.constant 0 : i32
      %dma_wait3A_228 = tpu.memref_slice %arg9[%dma_wait3A_226, %dma_wait3A_227] : memref<80x128xf32, #tpu.memory_space<vmem>> -> memref<78x128xf32, #tpu.memory_space<vmem>>
      %dma_wait3A_229 = arith.constant 0 : i32
      %dma_wait3A_230 = arith.constant 0 : i32
      %dma_wait3A_231 = tpu.memref_slice %arg12[%dma_wait3A_229, %dma_wait3A_230] : memref<10000x128xf32, #tpu.memory_space<vmem_shared>> -> memref<78x128xf32, #tpu.memory_space<vmem_shared>>
      %dma_wait3A_232 = arith.constant 0 : i32
      %dma_wait3A_233 = arith.constant 0 : i32
      %dma_wait3A_234 = tpu.memref_slice %arg12[%dma_wait3A_232, %dma_wait3A_233] : memref<10000x128xf32, #tpu.memory_space<vmem_shared>> -> memref<78x128xf32, #tpu.memory_space<vmem_shared>>
      %dma_wait3A_235 = arith.constant 0 : i32
      %dma_wait3A_236 = arith.constant 0 : i32
      %dma_wait3A_237 = tpu.memref_slice %arg9[%dma_wait3A_235, %dma_wait3A_236] : memref<80x128xf32, #tpu.memory_space<vmem>> -> memref<78x128xf32, #tpu.memory_space<vmem>>
      tpu.wait_dma2 semaphore(%arg16 : memref<!tpu.dma_semaphore, #tpu.memory_space<semaphore_mem>>) src(%dma_wait3A_237 : memref<78x128xf32, #tpu.memory_space<vmem>>) dst(%dma_wait3A_234 : memref<78x128xf32, #tpu.memory_space<vmem_shared>>)
    }
    %scan3A_27 = arith.constant 8 : i32
    %eq3A_28 = arith.constant 15 : i32
    %eq3A_29 = arith.cmpi eq, %arg1, %eq3A_28 : i32
    %convert_element_type3A_30 = arith.extui %eq3A_29 : i1 to i32
    %cond3A_31 = arith.constant 0 : i32
    %cond3A_32 = arith.cmpi ne, %convert_element_type3A_30, %cond3A_31 : i32
    scf.if %cond3A_32 {
      %dma_wait3A_225 = arith.constant 0 : i32
      %dma_wait3A_226 = arith.constant 0 : i32
      %dma_wait3A_227 = tpu.memref_slice %arg9[%dma_wait3A_225, %dma_wait3A_226] : memref<80x128xf32, #tpu.memory_space<vmem>> -> memref<16x128xf32, #tpu.memory_space<vmem>>
      %dma_wait3A_228 = arith.constant 0 : i32
      %dma_wait3A_229 = arith.constant 0 : i32
      %dma_wait3A_230 = tpu.memref_slice %arg12[%dma_wait3A_228, %dma_wait3A_229] : memref<10000x128xf32, #tpu.memory_space<vmem_shared>> -> memref<16x128xf32, #tpu.memory_space<vmem_shared>>
      %dma_wait3A_231 = arith.constant 0 : i32
      %dma_wait3A_232 = arith.constant 0 : i32
      %dma_wait3A_233 = tpu.memref_slice %arg12[%dma_wait3A_231, %dma_wait3A_232] : memref<10000x128xf32, #tpu.memory_space<vmem_shared>> -> memref<16x128xf32, #tpu.memory_space<vmem_shared>>
      %dma_wait3A_234 = arith.constant 0 : i32
      %dma_wait3A_235 = arith.constant 0 : i32
      %dma_wait3A_236 = tpu.memref_slice %arg9[%dma_wait3A_234, %dma_wait3A_235] : memref<80x128xf32, #tpu.memory_space<vmem>> -> memref<16x128xf32, #tpu.memory_space<vmem>>
      tpu.wait_dma2 semaphore(%arg17 : memref<!tpu.dma_semaphore, #tpu.memory_space<semaphore_mem>>) src(%dma_wait3A_236 : memref<16x128xf32, #tpu.memory_space<vmem>>) dst(%dma_wait3A_233 : memref<16x128xf32, #tpu.memory_space<vmem_shared>>)
    } else {
    }
    %dma_wait3A = arith.constant 0 : i32
    %dma_wait3A_33 = tpu.memref_slice %arg3[%dma_wait3A] : memref<320000xi32, #tpu.memory_space<hbm>> -> memref<10000xi32, #tpu.memory_space<hbm>>
    %dma_wait3A_34 = arith.constant 0 : i32
    %dma_wait3A_35 = tpu.memref_slice %arg3[%dma_wait3A_34] : memref<320000xi32, #tpu.memory_space<hbm>> -> memref<10000xi32, #tpu.memory_space<hbm>>
    tpu.wait_dma2 semaphore(%arg13 : memref<!tpu.dma_semaphore, #tpu.memory_space<semaphore_mem>>) src(%dma_wait3A_35 : memref<10000xi32, #tpu.memory_space<hbm>>) dst(%arg7 : memref<10000xi32, #tpu.memory_space<vmem>>)
    %dma_wait3A_36 = arith.constant 0 : i32
    %dma_wait3A_37 = tpu.memref_slice %arg4[%dma_wait3A_36] : memref<320000xi32, #tpu.memory_space<hbm>> -> memref<10000xi32, #tpu.memory_space<hbm>>
    %dma_wait3A_38 = arith.constant 0 : i32
    %dma_wait3A_39 = tpu.memref_slice %arg4[%dma_wait3A_38] : memref<320000xi32, #tpu.memory_space<hbm>> -> memref<10000xi32, #tpu.memory_space<hbm>>
    tpu.wait_dma2 semaphore(%arg14 : memref<!tpu.dma_semaphore, #tpu.memory_space<semaphore_mem>>) src(%dma_wait3A_39 : memref<10000xi32, #tpu.memory_space<hbm>>) dst(%arg8 : memref<10000xi32, #tpu.memory_space<vmem>>)
    %barrier3A = arith.constant 0 : index
    tpu.barrier barrier_id(%barrier3A)
    %dma_start3A_40 = arith.constant 0 : i32
    %dma_start3A_41 = tpu.memref_slice %arg7[%dma_start3A_40] : memref<10000xi32, #tpu.memory_space<vmem>> -> memref<80xi32, #tpu.memory_space<vmem>>
    %dma_start3A_42 = arith.constant 0 : i32
    %dma_start3A_43 = arith.constant 0 : i32
    %dma_start3A_44 = tpu.memref_slice %arg2[%dma_start3A_42, %dma_start3A_43] : memref<10000x128xf32, #tpu.memory_space<hbm>> -> memref<10000x128xf32, #tpu.memory_space<hbm>>
    tpu.enqueue_indirect_dma source(%dma_start3A_44 : memref<10000x128xf32, #tpu.memory_space<hbm>>) target(%arg9 : memref<80x128xf32, #tpu.memory_space<vmem>>) offsets(%dma_start3A_41 : memref<80xi32, #tpu.memory_space<vmem>>) semaphore(%arg13 : memref<!tpu.dma_semaphore, #tpu.memory_space<semaphore_mem>>)
    %dma_start3A_45 = arith.constant 80 : i32
    %dma_start3A_46 = tpu.memref_slice %arg7[%dma_start3A_45] : memref<10000xi32, #tpu.memory_space<vmem>> -> memref<80xi32, #tpu.memory_space<vmem>>
    %dma_start3A_47 = arith.constant 0 : i32
    %dma_start3A_48 = arith.constant 0 : i32
    %dma_start3A_49 = tpu.memref_slice %arg2[%dma_start3A_47, %dma_start3A_48] : memref<10000x128xf32, #tpu.memory_space<hbm>> -> memref<10000x128xf32, #tpu.memory_space<hbm>>
    tpu.enqueue_indirect_dma source(%dma_start3A_49 : memref<10000x128xf32, #tpu.memory_space<hbm>>) target(%arg10 : memref<80x128xf32, #tpu.memory_space<vmem>>) offsets(%dma_start3A_46 : memref<80xi32, #tpu.memory_space<vmem>>) semaphore(%arg14 : memref<!tpu.dma_semaphore, #tpu.memory_space<semaphore_mem>>)
    %dma_start3A_50 = arith.constant 160 : i32
    %dma_start3A_51 = tpu.memref_slice %arg7[%dma_start3A_50] : memref<10000xi32, #tpu.memory_space<vmem>> -> memref<80xi32, #tpu.memory_space<vmem>>
    %dma_start3A_52 = arith.constant 0 : i32
    %dma_start3A_53 = arith.constant 0 : i32
    %dma_start3A_54 = tpu.memref_slice %arg2[%dma_start3A_52, %dma_start3A_53] : memref<10000x128xf32, #tpu.memory_space<hbm>> -> memref<10000x128xf32, #tpu.memory_space<hbm>>
    tpu.enqueue_indirect_dma source(%dma_start3A_54 : memref<10000x128xf32, #tpu.memory_space<hbm>>) target(%arg11 : memref<80x128xf32, #tpu.memory_space<vmem>>) offsets(%dma_start3A_51 : memref<80xi32, #tpu.memory_space<vmem>>) semaphore(%arg15 : memref<!tpu.dma_semaphore, #tpu.memory_space<semaphore_mem>>)
    %dma_wait3A_55 = arith.constant 0 : i32
    %dma_wait3A_56 = arith.constant 0 : i32
    %dma_wait3A_57 = tpu.memref_slice %arg2[%dma_wait3A_55, %dma_wait3A_56] : memref<10000x128xf32, #tpu.memory_space<hbm>> -> memref<80x128xf32, #tpu.memory_space<hbm>>
    %dma_wait3A_58 = arith.constant 0 : i32
    %dma_wait3A_59 = arith.constant 0 : i32
    %dma_wait3A_60 = tpu.memref_slice %arg2[%dma_wait3A_58, %dma_wait3A_59] : memref<10000x128xf32, #tpu.memory_space<hbm>> -> memref<80x128xf32, #tpu.memory_space<hbm>>
    tpu.wait_dma2 semaphore(%arg13 : memref<!tpu.dma_semaphore, #tpu.memory_space<semaphore_mem>>) src(%dma_wait3A_60 : memref<80x128xf32, #tpu.memory_space<hbm>>) dst(%arg9 : memref<80x128xf32, #tpu.memory_space<vmem>>)
    %dma_start3A_61 = arith.constant 0 : i32
    %dma_start3A_62 = tpu.memref_slice %arg8[%dma_start3A_61] : memref<10000xi32, #tpu.memory_space<vmem>> -> memref<80xi32, #tpu.memory_space<vmem>>
    %dma_start3A_63 = arith.constant 0 : i32
    %dma_start3A_64 = arith.constant 0 : i32
    %dma_start3A_65 = tpu.memref_slice %arg12[%dma_start3A_63, %dma_start3A_64] : memref<10000x128xf32, #tpu.memory_space<vmem_shared>> -> memref<10000x128xf32, #tpu.memory_space<vmem_shared>>
    tpu.enqueue_indirect_dma source(%arg9 : memref<80x128xf32, #tpu.memory_space<vmem>>) target(%dma_start3A_65 : memref<10000x128xf32, #tpu.memory_space<vmem_shared>>) offsets(%dma_start3A_62 : memref<80xi32, #tpu.memory_space<vmem>>) semaphore(%arg16 : memref<!tpu.dma_semaphore, #tpu.memory_space<semaphore_mem>>) {add = true}
    %dma_wait3A_66 = arith.constant 0 : i32
    %dma_wait3A_67 = arith.constant 0 : i32
    %dma_wait3A_68 = tpu.memref_slice %arg12[%dma_wait3A_66, %dma_wait3A_67] : memref<10000x128xf32, #tpu.memory_space<vmem_shared>> -> memref<80x128xf32, #tpu.memory_space<vmem_shared>>
    %dma_wait3A_69 = arith.constant 0 : i32
    %dma_wait3A_70 = arith.constant 0 : i32
    %dma_wait3A_71 = tpu.memref_slice %arg12[%dma_wait3A_69, %dma_wait3A_70] : memref<10000x128xf32, #tpu.memory_space<vmem_shared>> -> memref<80x128xf32, #tpu.memory_space<vmem_shared>>
    tpu.wait_dma2 semaphore(%arg16 : memref<!tpu.dma_semaphore, #tpu.memory_space<semaphore_mem>>) src(%arg9 : memref<80x128xf32, #tpu.memory_space<vmem>>) dst(%dma_wait3A_71 : memref<80x128xf32, #tpu.memory_space<vmem_shared>>)
    %dma_start3A_72 = arith.constant 240 : i32
    %dma_start3A_73 = tpu.memref_slice %arg7[%dma_start3A_72] : memref<10000xi32, #tpu.memory_space<vmem>> -> memref<80xi32, #tpu.memory_space<vmem>>
    %dma_start3A_74 = arith.constant 0 : i32
    %dma_start3A_75 = arith.constant 0 : i32
    %dma_start3A_76 = tpu.memref_slice %arg2[%dma_start3A_74, %dma_start3A_75] : memref<10000x128xf32, #tpu.memory_space<hbm>> -> memref<10000x128xf32, #tpu.memory_space<hbm>>
    tpu.enqueue_indirect_dma source(%dma_start3A_76 : memref<10000x128xf32, #tpu.memory_space<hbm>>) target(%arg9 : memref<80x128xf32, #tpu.memory_space<vmem>>) offsets(%dma_start3A_73 : memref<80xi32, #tpu.memory_space<vmem>>) semaphore(%arg13 : memref<!tpu.dma_semaphore, #tpu.memory_space<semaphore_mem>>)
    %dma_wait3A_77 = arith.constant 0 : i32
    %dma_wait3A_78 = arith.constant 0 : i32
    %dma_wait3A_79 = tpu.memref_slice %arg2[%dma_wait3A_77, %dma_wait3A_78] : memref<10000x128xf32, #tpu.memory_space<hbm>> -> memref<80x128xf32, #tpu.memory_space<hbm>>
    %dma_wait3A_80 = arith.constant 0 : i32
    %dma_wait3A_81 = arith.constant 0 : i32
    %dma_wait3A_82 = tpu.memref_slice %arg2[%dma_wait3A_80, %dma_wait3A_81] : memref<10000x128xf32, #tpu.memory_space<hbm>> -> memref<80x128xf32, #tpu.memory_space<hbm>>
    tpu.wait_dma2 semaphore(%arg14 : memref<!tpu.dma_semaphore, #tpu.memory_space<semaphore_mem>>) src(%dma_wait3A_82 : memref<80x128xf32, #tpu.memory_space<hbm>>) dst(%arg10 : memref<80x128xf32, #tpu.memory_space<vmem>>)
    %dma_start3A_83 = arith.constant 80 : i32
    %dma_start3A_84 = tpu.memref_slice %arg8[%dma_start3A_83] : memref<10000xi32, #tpu.memory_space<vmem>> -> memref<80xi32, #tpu.memory_space<vmem>>
    %dma_start3A_85 = arith.constant 0 : i32
    %dma_start3A_86 = arith.constant 0 : i32
    %dma_start3A_87 = tpu.memref_slice %arg12[%dma_start3A_85, %dma_start3A_86] : memref<10000x128xf32, #tpu.memory_space<vmem_shared>> -> memref<10000x128xf32, #tpu.memory_space<vmem_shared>>
    tpu.enqueue_indirect_dma source(%arg10 : memref<80x128xf32, #tpu.memory_space<vmem>>) target(%dma_start3A_87 : memref<10000x128xf32, #tpu.memory_space<vmem_shared>>) offsets(%dma_start3A_84 : memref<80xi32, #tpu.memory_space<vmem>>) semaphore(%arg17 : memref<!tpu.dma_semaphore, #tpu.memory_space<semaphore_mem>>) {add = true}
    %dma_wait3A_88 = arith.constant 0 : i32
    %dma_wait3A_89 = arith.constant 0 : i32
    %dma_wait3A_90 = tpu.memref_slice %arg12[%dma_wait3A_88, %dma_wait3A_89] : memref<10000x128xf32, #tpu.memory_space<vmem_shared>> -> memref<80x128xf32, #tpu.memory_space<vmem_shared>>
    %dma_wait3A_91 = arith.constant 0 : i32
    %dma_wait3A_92 = arith.constant 0 : i32
    %dma_wait3A_93 = tpu.memref_slice %arg12[%dma_wait3A_91, %dma_wait3A_92] : memref<10000x128xf32, #tpu.memory_space<vmem_shared>> -> memref<80x128xf32, #tpu.memory_space<vmem_shared>>
    tpu.wait_dma2 semaphore(%arg17 : memref<!tpu.dma_semaphore, #tpu.memory_space<semaphore_mem>>) src(%arg10 : memref<80x128xf32, #tpu.memory_space<vmem>>) dst(%dma_wait3A_93 : memref<80x128xf32, #tpu.memory_space<vmem_shared>>)
    %dma_start3A_94 = arith.constant 320 : i32
    %dma_start3A_95 = tpu.memref_slice %arg7[%dma_start3A_94] : memref<10000xi32, #tpu.memory_space<vmem>> -> memref<80xi32, #tpu.memory_space<vmem>>
    %dma_start3A_96 = arith.constant 0 : i32
    %dma_start3A_97 = arith.constant 0 : i32
    %dma_start3A_98 = tpu.memref_slice %arg2[%dma_start3A_96, %dma_start3A_97] : memref<10000x128xf32, #tpu.memory_space<hbm>> -> memref<10000x128xf32, #tpu.memory_space<hbm>>
    tpu.enqueue_indirect_dma source(%dma_start3A_98 : memref<10000x128xf32, #tpu.memory_space<hbm>>) target(%arg10 : memref<80x128xf32, #tpu.memory_space<vmem>>) offsets(%dma_start3A_95 : memref<80xi32, #tpu.memory_space<vmem>>) semaphore(%arg14 : memref<!tpu.dma_semaphore, #tpu.memory_space<semaphore_mem>>)
    %dma_wait3A_99 = arith.constant 0 : i32
    %dma_wait3A_100 = arith.constant 0 : i32
    %dma_wait3A_101 = tpu.memref_slice %arg2[%dma_wait3A_99, %dma_wait3A_100] : memref<10000x128xf32, #tpu.memory_space<hbm>> -> memref<80x128xf32, #tpu.memory_space<hbm>>
    %dma_wait3A_102 = arith.constant 0 : i32
    %dma_wait3A_103 = arith.constant 0 : i32
    %dma_wait3A_104 = tpu.memref_slice %arg2[%dma_wait3A_102, %dma_wait3A_103] : memref<10000x128xf32, #tpu.memory_space<hbm>> -> memref<80x128xf32, #tpu.memory_space<hbm>>
    tpu.wait_dma2 semaphore(%arg15 : memref<!tpu.dma_semaphore, #tpu.memory_space<semaphore_mem>>) src(%dma_wait3A_104 : memref<80x128xf32, #tpu.memory_space<hbm>>) dst(%arg11 : memref<80x128xf32, #tpu.memory_space<vmem>>)
    %dma_start3A_105 = arith.constant 160 : i32
    %dma_start3A_106 = tpu.memref_slice %arg8[%dma_start3A_105] : memref<10000xi32, #tpu.memory_space<vmem>> -> memref<80xi32, #tpu.memory_space<vmem>>
    %dma_start3A_107 = arith.constant 0 : i32
    %dma_start3A_108 = arith.constant 0 : i32
    %dma_start3A_109 = tpu.memref_slice %arg12[%dma_start3A_107, %dma_start3A_108] : memref<10000x128xf32, #tpu.memory_space<vmem_shared>> -> memref<10000x128xf32, #tpu.memory_space<vmem_shared>>
    tpu.enqueue_indirect_dma source(%arg11 : memref<80x128xf32, #tpu.memory_space<vmem>>) target(%dma_start3A_109 : memref<10000x128xf32, #tpu.memory_space<vmem_shared>>) offsets(%dma_start3A_106 : memref<80xi32, #tpu.memory_space<vmem>>) semaphore(%arg18 : memref<!tpu.dma_semaphore, #tpu.memory_space<semaphore_mem>>) {add = true}
    %scan3A_110 = arith.constant 0 : i32
    %scan3A_111 = arith.constant 1 : i32
    %scan3A_112 = arith.constant 40 : i32
    %scan3A_113 = arith.addi %scan3A_111, %scan3A_112 : i32
    %scan3A_114 = arith.constant 1 : i32
    scf.for %scan3A_225 = %scan3A_111 to %scan3A_113 step %scan3A_114  : i32 {
      %mul3A_226 = arith.constant 3 : i32
      %mul3A_227 = arith.muli %mul3A_226, %scan3A_225 : i32
      %add3A_228 = arith.constant 0 : i32
      %add3A_229 = arith.addi %mul3A_227, %add3A_228 : i32
      %dma_wait3A_230 = arith.constant 0 : i32
      %dma_wait3A_231 = arith.constant 0 : i32
      %dma_wait3A_232 = tpu.memref_slice %arg12[%dma_wait3A_230, %dma_wait3A_231] : memref<10000x128xf32, #tpu.memory_space<vmem_shared>> -> memref<80x128xf32, #tpu.memory_space<vmem_shared>>
      %dma_wait3A_233 = arith.constant 0 : i32
      %dma_wait3A_234 = arith.constant 0 : i32
      %dma_wait3A_235 = tpu.memref_slice %arg12[%dma_wait3A_233, %dma_wait3A_234] : memref<10000x128xf32, #tpu.memory_space<vmem_shared>> -> memref<80x128xf32, #tpu.memory_space<vmem_shared>>
      tpu.wait_dma2 semaphore(%arg18 : memref<!tpu.dma_semaphore, #tpu.memory_space<semaphore_mem>>) src(%arg11 : memref<80x128xf32, #tpu.memory_space<vmem>>) dst(%dma_wait3A_235 : memref<80x128xf32, #tpu.memory_space<vmem_shared>>)
      %add3A_236 = arith.constant 2 : i32
      %add3A_237 = arith.addi %add3A_229, %add3A_236 : i32
      %mul3A_238 = arith.constant 80 : i32
      %mul3A_239 = arith.muli %add3A_237, %mul3A_238 : i32
      %dma_start3A_240 = tpu.memref_slice %arg7[%mul3A_239] : memref<10000xi32, #tpu.memory_space<vmem>> -> memref<80xi32, #tpu.memory_space<vmem>>
      %dma_start3A_241 = arith.constant 0 : i32
      %dma_start3A_242 = arith.constant 0 : i32
      %dma_start3A_243 = tpu.memref_slice %arg2[%dma_start3A_241, %dma_start3A_242] : memref<10000x128xf32, #tpu.memory_space<hbm>> -> memref<10000x128xf32, #tpu.memory_space<hbm>>
      tpu.enqueue_indirect_dma source(%dma_start3A_243 : memref<10000x128xf32, #tpu.memory_space<hbm>>) target(%arg11 : memref<80x128xf32, #tpu.memory_space<vmem>>) offsets(%dma_start3A_240 : memref<80xi32, #tpu.memory_space<vmem>>) semaphore(%arg15 : memref<!tpu.dma_semaphore, #tpu.memory_space<semaphore_mem>>)
      %dma_wait3A_244 = arith.constant 0 : i32
      %dma_wait3A_245 = arith.constant 0 : i32
      %dma_wait3A_246 = tpu.memref_slice %arg2[%dma_wait3A_244, %dma_wait3A_245] : memref<10000x128xf32, #tpu.memory_space<hbm>> -> memref<80x128xf32, #tpu.memory_space<hbm>>
      %dma_wait3A_247 = arith.constant 0 : i32
      %dma_wait3A_248 = arith.constant 0 : i32
      %dma_wait3A_249 = tpu.memref_slice %arg2[%dma_wait3A_247, %dma_wait3A_248] : memref<10000x128xf32, #tpu.memory_space<hbm>> -> memref<80x128xf32, #tpu.memory_space<hbm>>
      tpu.wait_dma2 semaphore(%arg13 : memref<!tpu.dma_semaphore, #tpu.memory_space<semaphore_mem>>) src(%dma_wait3A_249 : memref<80x128xf32, #tpu.memory_space<hbm>>) dst(%arg9 : memref<80x128xf32, #tpu.memory_space<vmem>>)
      %mul3A_250 = arith.constant 80 : i32
      %mul3A_251 = arith.muli %add3A_229, %mul3A_250 : i32
      %dma_start3A_252 = tpu.memref_slice %arg8[%mul3A_251] : memref<10000xi32, #tpu.memory_space<vmem>> -> memref<80xi32, #tpu.memory_space<vmem>>
      %dma_start3A_253 = arith.constant 0 : i32
      %dma_start3A_254 = arith.constant 0 : i32
      %dma_start3A_255 = tpu.memref_slice %arg12[%dma_start3A_253, %dma_start3A_254] : memref<10000x128xf32, #tpu.memory_space<vmem_shared>> -> memref<10000x128xf32, #tpu.memory_space<vmem_shared>>
      tpu.enqueue_indirect_dma source(%arg9 : memref<80x128xf32, #tpu.memory_space<vmem>>) target(%dma_start3A_255 : memref<10000x128xf32, #tpu.memory_space<vmem_shared>>) offsets(%dma_start3A_252 : memref<80xi32, #tpu.memory_space<vmem>>) semaphore(%arg16 : memref<!tpu.dma_semaphore, #tpu.memory_space<semaphore_mem>>) {add = true}
      %add3A_256 = arith.constant 1 : i32
      %add3A_257 = arith.addi %mul3A_227, %add3A_256 : i32
      %dma_wait3A_258 = arith.constant 0 : i32
      %dma_wait3A_259 = arith.constant 0 : i32
      %dma_wait3A_260 = tpu.memref_slice %arg12[%dma_wait3A_258, %dma_wait3A_259] : memref<10000x128xf32, #tpu.memory_space<vmem_shared>> -> memref<80x128xf32, #tpu.memory_space<vmem_shared>>
      %dma_wait3A_261 = arith.constant 0 : i32
      %dma_wait3A_262 = arith.constant 0 : i32
      %dma_wait3A_263 = tpu.memref_slice %arg12[%dma_wait3A_261, %dma_wait3A_262] : memref<10000x128xf32, #tpu.memory_space<vmem_shared>> -> memref<80x128xf32, #tpu.memory_space<vmem_shared>>
      tpu.wait_dma2 semaphore(%arg16 : memref<!tpu.dma_semaphore, #tpu.memory_space<semaphore_mem>>) src(%arg9 : memref<80x128xf32, #tpu.memory_space<vmem>>) dst(%dma_wait3A_263 : memref<80x128xf32, #tpu.memory_space<vmem_shared>>)
      %add3A_264 = arith.constant 2 : i32
      %add3A_265 = arith.addi %add3A_257, %add3A_264 : i32
      %mul3A_266 = arith.constant 80 : i32
      %mul3A_267 = arith.muli %add3A_265, %mul3A_266 : i32
      %dma_start3A_268 = tpu.memref_slice %arg7[%mul3A_267] : memref<10000xi32, #tpu.memory_space<vmem>> -> memref<80xi32, #tpu.memory_space<vmem>>
      %dma_start3A_269 = arith.constant 0 : i32
      %dma_start3A_270 = arith.constant 0 : i32
      %dma_start3A_271 = tpu.memref_slice %arg2[%dma_start3A_269, %dma_start3A_270] : memref<10000x128xf32, #tpu.memory_space<hbm>> -> memref<10000x128xf32, #tpu.memory_space<hbm>>
      tpu.enqueue_indirect_dma source(%dma_start3A_271 : memref<10000x128xf32, #tpu.memory_space<hbm>>) target(%arg9 : memref<80x128xf32, #tpu.memory_space<vmem>>) offsets(%dma_start3A_268 : memref<80xi32, #tpu.memory_space<vmem>>) semaphore(%arg13 : memref<!tpu.dma_semaphore, #tpu.memory_space<semaphore_mem>>)
      %dma_wait3A_272 = arith.constant 0 : i32
      %dma_wait3A_273 = arith.constant 0 : i32
      %dma_wait3A_274 = tpu.memref_slice %arg2[%dma_wait3A_272, %dma_wait3A_273] : memref<10000x128xf32, #tpu.memory_space<hbm>> -> memref<80x128xf32, #tpu.memory_space<hbm>>
      %dma_wait3A_275 = arith.constant 0 : i32
      %dma_wait3A_276 = arith.constant 0 : i32
      %dma_wait3A_277 = tpu.memref_slice %arg2[%dma_wait3A_275, %dma_wait3A_276] : memref<10000x128xf32, #tpu.memory_space<hbm>> -> memref<80x128xf32, #tpu.memory_space<hbm>>
      tpu.wait_dma2 semaphore(%arg14 : memref<!tpu.dma_semaphore, #tpu.memory_space<semaphore_mem>>) src(%dma_wait3A_277 : memref<80x128xf32, #tpu.memory_space<hbm>>) dst(%arg10 : memref<80x128xf32, #tpu.memory_space<vmem>>)
      %mul3A_278 = arith.constant 80 : i32
      %mul3A_279 = arith.muli %add3A_257, %mul3A_278 : i32
      %dma_start3A_280 = tpu.memref_slice %arg8[%mul3A_279] : memref<10000xi32, #tpu.memory_space<vmem>> -> memref<80xi32, #tpu.memory_space<vmem>>
      %dma_start3A_281 = arith.constant 0 : i32
      %dma_start3A_282 = arith.constant 0 : i32
      %dma_start3A_283 = tpu.memref_slice %arg12[%dma_start3A_281, %dma_start3A_282] : memref<10000x128xf32, #tpu.memory_space<vmem_shared>> -> memref<10000x128xf32, #tpu.memory_space<vmem_shared>>
      tpu.enqueue_indirect_dma source(%arg10 : memref<80x128xf32, #tpu.memory_space<vmem>>) target(%dma_start3A_283 : memref<10000x128xf32, #tpu.memory_space<vmem_shared>>) offsets(%dma_start3A_280 : memref<80xi32, #tpu.memory_space<vmem>>) semaphore(%arg17 : memref<!tpu.dma_semaphore, #tpu.memory_space<semaphore_mem>>) {add = true}
      %add3A_284 = arith.constant 2 : i32
      %add3A_285 = arith.addi %mul3A_227, %add3A_284 : i32
      %dma_wait3A_286 = arith.constant 0 : i32
      %dma_wait3A_287 = arith.constant 0 : i32
      %dma_wait3A_288 = tpu.memref_slice %arg12[%dma_wait3A_286, %dma_wait3A_287] : memref<10000x128xf32, #tpu.memory_space<vmem_shared>> -> memref<80x128xf32, #tpu.memory_space<vmem_shared>>
      %dma_wait3A_289 = arith.constant 0 : i32
      %dma_wait3A_290 = arith.constant 0 : i32
      %dma_wait3A_291 = tpu.memref_slice %arg12[%dma_wait3A_289, %dma_wait3A_290] : memref<10000x128xf32, #tpu.memory_space<vmem_shared>> -> memref<80x128xf32, #tpu.memory_space<vmem_shared>>
      tpu.wait_dma2 semaphore(%arg17 : memref<!tpu.dma_semaphore, #tpu.memory_space<semaphore_mem>>) src(%arg10 : memref<80x128xf32, #tpu.memory_space<vmem>>) dst(%dma_wait3A_291 : memref<80x128xf32, #tpu.memory_space<vmem_shared>>)
      %add3A_292 = arith.constant 2 : i32
      %add3A_293 = arith.addi %add3A_285, %add3A_292 : i32
      %mul3A_294 = arith.constant 80 : i32
      %mul3A_295 = arith.muli %add3A_293, %mul3A_294 : i32
      %dma_start3A_296 = tpu.memref_slice %arg7[%mul3A_295] : memref<10000xi32, #tpu.memory_space<vmem>> -> memref<80xi32, #tpu.memory_space<vmem>>
      %dma_start3A_297 = arith.constant 0 : i32
      %dma_start3A_298 = arith.constant 0 : i32
      %dma_start3A_299 = tpu.memref_slice %arg2[%dma_start3A_297, %dma_start3A_298] : memref<10000x128xf32, #tpu.memory_space<hbm>> -> memref<10000x128xf32, #tpu.memory_space<hbm>>
      tpu.enqueue_indirect_dma source(%dma_start3A_299 : memref<10000x128xf32, #tpu.memory_space<hbm>>) target(%arg10 : memref<80x128xf32, #tpu.memory_space<vmem>>) offsets(%dma_start3A_296 : memref<80xi32, #tpu.memory_space<vmem>>) semaphore(%arg14 : memref<!tpu.dma_semaphore, #tpu.memory_space<semaphore_mem>>)
      %dma_wait3A_300 = arith.constant 0 : i32
      %dma_wait3A_301 = arith.constant 0 : i32
      %dma_wait3A_302 = tpu.memref_slice %arg2[%dma_wait3A_300, %dma_wait3A_301] : memref<10000x128xf32, #tpu.memory_space<hbm>> -> memref<80x128xf32, #tpu.memory_space<hbm>>
      %dma_wait3A_303 = arith.constant 0 : i32
      %dma_wait3A_304 = arith.constant 0 : i32
      %dma_wait3A_305 = tpu.memref_slice %arg2[%dma_wait3A_303, %dma_wait3A_304] : memref<10000x128xf32, #tpu.memory_space<hbm>> -> memref<80x128xf32, #tpu.memory_space<hbm>>
      tpu.wait_dma2 semaphore(%arg15 : memref<!tpu.dma_semaphore, #tpu.memory_space<semaphore_mem>>) src(%dma_wait3A_305 : memref<80x128xf32, #tpu.memory_space<hbm>>) dst(%arg11 : memref<80x128xf32, #tpu.memory_space<vmem>>)
      %mul3A_306 = arith.constant 80 : i32
      %mul3A_307 = arith.muli %add3A_285, %mul3A_306 : i32
      %dma_start3A_308 = tpu.memref_slice %arg8[%mul3A_307] : memref<10000xi32, #tpu.memory_space<vmem>> -> memref<80xi32, #tpu.memory_space<vmem>>
      %dma_start3A_309 = arith.constant 0 : i32
      %dma_start3A_310 = arith.constant 0 : i32
      %dma_start3A_311 = tpu.memref_slice %arg12[%dma_start3A_309, %dma_start3A_310] : memref<10000x128xf32, #tpu.memory_space<vmem_shared>> -> memref<10000x128xf32, #tpu.memory_space<vmem_shared>>
      tpu.enqueue_indirect_dma source(%arg11 : memref<80x128xf32, #tpu.memory_space<vmem>>) target(%dma_start3A_311 : memref<10000x128xf32, #tpu.memory_space<vmem_shared>>) offsets(%dma_start3A_308 : memref<80xi32, #tpu.memory_space<vmem>>) semaphore(%arg18 : memref<!tpu.dma_semaphore, #tpu.memory_space<semaphore_mem>>) {add = true}
    }
    %scan3A_115 = arith.constant 40 : i32
    %dma_wait3A_116 = arith.constant 0 : i32
    %dma_wait3A_117 = arith.constant 0 : i32
    %dma_wait3A_118 = tpu.memref_slice %arg12[%dma_wait3A_116, %dma_wait3A_117] : memref<10000x128xf32, #tpu.memory_space<vmem_shared>> -> memref<80x128xf32, #tpu.memory_space<vmem_shared>>
    %dma_wait3A_119 = arith.constant 0 : i32
    %dma_wait3A_120 = arith.constant 0 : i32
    %dma_wait3A_121 = tpu.memref_slice %arg12[%dma_wait3A_119, %dma_wait3A_120] : memref<10000x128xf32, #tpu.memory_space<vmem_shared>> -> memref<80x128xf32, #tpu.memory_space<vmem_shared>>
    tpu.wait_dma2 semaphore(%arg18 : memref<!tpu.dma_semaphore, #tpu.memory_space<semaphore_mem>>) src(%arg11 : memref<80x128xf32, #tpu.memory_space<vmem>>) dst(%dma_wait3A_121 : memref<80x128xf32, #tpu.memory_space<vmem_shared>>)
    %dma_wait3A_122 = arith.constant 0 : i32
    %dma_wait3A_123 = arith.constant 0 : i32
    %dma_wait3A_124 = tpu.memref_slice %arg2[%dma_wait3A_122, %dma_wait3A_123] : memref<10000x128xf32, #tpu.memory_space<hbm>> -> memref<80x128xf32, #tpu.memory_space<hbm>>
    %dma_wait3A_125 = arith.constant 0 : i32
    %dma_wait3A_126 = arith.constant 0 : i32
    %dma_wait3A_127 = tpu.memref_slice %arg2[%dma_wait3A_125, %dma_wait3A_126] : memref<10000x128xf32, #tpu.memory_space<hbm>> -> memref<80x128xf32, #tpu.memory_space<hbm>>
    tpu.wait_dma2 semaphore(%arg13 : memref<!tpu.dma_semaphore, #tpu.memory_space<semaphore_mem>>) src(%dma_wait3A_127 : memref<80x128xf32, #tpu.memory_space<hbm>>) dst(%arg9 : memref<80x128xf32, #tpu.memory_space<vmem>>)
    %dma_start3A_128 = arith.constant 9840 : i32
    %dma_start3A_129 = tpu.memref_slice %arg8[%dma_start3A_128] : memref<10000xi32, #tpu.memory_space<vmem>> -> memref<80xi32, #tpu.memory_space<vmem>>
    %dma_start3A_130 = arith.constant 0 : i32
    %dma_start3A_131 = arith.constant 0 : i32
    %dma_start3A_132 = tpu.memref_slice %arg12[%dma_start3A_130, %dma_start3A_131] : memref<10000x128xf32, #tpu.memory_space<vmem_shared>> -> memref<10000x128xf32, #tpu.memory_space<vmem_shared>>
    tpu.enqueue_indirect_dma source(%arg9 : memref<80x128xf32, #tpu.memory_space<vmem>>) target(%dma_start3A_132 : memref<10000x128xf32, #tpu.memory_space<vmem_shared>>) offsets(%dma_start3A_129 : memref<80xi32, #tpu.memory_space<vmem>>) semaphore(%arg16 : memref<!tpu.dma_semaphore, #tpu.memory_space<semaphore_mem>>) {add = true}
    %dma_wait3A_133 = arith.constant 0 : i32
    %dma_wait3A_134 = arith.constant 0 : i32
    %dma_wait3A_135 = tpu.memref_slice %arg2[%dma_wait3A_133, %dma_wait3A_134] : memref<10000x128xf32, #tpu.memory_space<hbm>> -> memref<80x128xf32, #tpu.memory_space<hbm>>
    %dma_wait3A_136 = arith.constant 0 : i32
    %dma_wait3A_137 = arith.constant 0 : i32
    %dma_wait3A_138 = tpu.memref_slice %arg2[%dma_wait3A_136, %dma_wait3A_137] : memref<10000x128xf32, #tpu.memory_space<hbm>> -> memref<80x128xf32, #tpu.memory_space<hbm>>
    tpu.wait_dma2 semaphore(%arg14 : memref<!tpu.dma_semaphore, #tpu.memory_space<semaphore_mem>>) src(%dma_wait3A_138 : memref<80x128xf32, #tpu.memory_space<hbm>>) dst(%arg10 : memref<80x128xf32, #tpu.memory_space<vmem>>)
    %dma_start3A_139 = arith.constant 9920 : i32
    %dma_start3A_140 = tpu.memref_slice %arg8[%dma_start3A_139] : memref<10000xi32, #tpu.memory_space<vmem>> -> memref<80xi32, #tpu.memory_space<vmem>>
    %dma_start3A_141 = arith.constant 0 : i32
    %dma_start3A_142 = arith.constant 0 : i32
    %dma_start3A_143 = tpu.memref_slice %arg12[%dma_start3A_141, %dma_start3A_142] : memref<10000x128xf32, #tpu.memory_space<vmem_shared>> -> memref<10000x128xf32, #tpu.memory_space<vmem_shared>>
    tpu.enqueue_indirect_dma source(%arg10 : memref<80x128xf32, #tpu.memory_space<vmem>>) target(%dma_start3A_143 : memref<10000x128xf32, #tpu.memory_space<vmem_shared>>) offsets(%dma_start3A_140 : memref<80xi32, #tpu.memory_space<vmem>>) semaphore(%arg17 : memref<!tpu.dma_semaphore, #tpu.memory_space<semaphore_mem>>) {add = true}
    %dma_wait3A_144 = arith.constant 0 : i32
    %dma_wait3A_145 = arith.constant 0 : i32
    %dma_wait3A_146 = tpu.memref_slice %arg12[%dma_wait3A_144, %dma_wait3A_145] : memref<10000x128xf32, #tpu.memory_space<vmem_shared>> -> memref<80x128xf32, #tpu.memory_space<vmem_shared>>
    %dma_wait3A_147 = arith.constant 0 : i32
    %dma_wait3A_148 = arith.constant 0 : i32
    %dma_wait3A_149 = tpu.memref_slice %arg12[%dma_wait3A_147, %dma_wait3A_148] : memref<10000x128xf32, #tpu.memory_space<vmem_shared>> -> memref<80x128xf32, #tpu.memory_space<vmem_shared>>
    tpu.wait_dma2 semaphore(%arg16 : memref<!tpu.dma_semaphore, #tpu.memory_space<semaphore_mem>>) src(%arg9 : memref<80x128xf32, #tpu.memory_space<vmem>>) dst(%dma_wait3A_149 : memref<80x128xf32, #tpu.memory_space<vmem_shared>>)
    %dma_wait3A_150 = arith.constant 0 : i32
    %dma_wait3A_151 = arith.constant 0 : i32
    %dma_wait3A_152 = tpu.memref_slice %arg12[%dma_wait3A_150, %dma_wait3A_151] : memref<10000x128xf32, #tpu.memory_space<vmem_shared>> -> memref<80x128xf32, #tpu.memory_space<vmem_shared>>
    %dma_wait3A_153 = arith.constant 0 : i32
    %dma_wait3A_154 = arith.constant 0 : i32
    %dma_wait3A_155 = tpu.memref_slice %arg12[%dma_wait3A_153, %dma_wait3A_154] : memref<10000x128xf32, #tpu.memory_space<vmem_shared>> -> memref<80x128xf32, #tpu.memory_space<vmem_shared>>
    tpu.wait_dma2 semaphore(%arg17 : memref<!tpu.dma_semaphore, #tpu.memory_space<semaphore_mem>>) src(%arg10 : memref<80x128xf32, #tpu.memory_space<vmem>>) dst(%dma_wait3A_155 : memref<80x128xf32, #tpu.memory_space<vmem_shared>>)
    %barrier3A_156 = arith.constant 0 : index
    tpu.barrier barrier_id(%barrier3A_156)
    "tpu.region"() ({
      %run_scoped3A = tpu.sem_alloc : memref<!tpu.dma_semaphore, #tpu.memory_space<semaphore_mem>>
      %dma_start3A_225 = arith.constant 0 : i32
      %dma_start3A_226 = tpu.memref_slice %arg5[%arg0, %mul3A_13, %dma_start3A_225] : memref<2x10000x128xf32, #tpu.memory_space<hbm>> -> memref<1x624x128xf32, #tpu.memory_space<hbm>>
      %dma_start3A_227 = tpu.memref_squeeze %dma_start3A_226 : memref<1x624x128xf32, #tpu.memory_space<hbm>> -> memref<624x128xf32, #tpu.memory_space<hbm>>
      %dma_start3A_228 = arith.constant 0 : i32
      %dma_start3A_229 = tpu.memref_slice %arg12[%mul3A_13, %dma_start3A_228] : memref<10000x128xf32, #tpu.memory_space<vmem_shared>> -> memref<624x128xf32, #tpu.memory_space<vmem_shared>>
      tpu.enqueue_dma source(%dma_start3A_229 : memref<624x128xf32, #tpu.memory_space<vmem_shared>>) target(%dma_start3A_227 : memref<624x128xf32, #tpu.memory_space<hbm>>) target_semaphore(%run_scoped3A : memref<!tpu.dma_semaphore, #tpu.memory_space<semaphore_mem>>)
      %dma_wait3A_230 = arith.constant 0 : i32
      %dma_wait3A_231 = tpu.memref_slice %arg5[%arg0, %mul3A_13, %dma_wait3A_230] : memref<2x10000x128xf32, #tpu.memory_space<hbm>> -> memref<1x624x128xf32, #tpu.memory_space<hbm>>
      %dma_wait3A_232 = tpu.memref_squeeze %dma_wait3A_231 : memref<1x624x128xf32, #tpu.memory_space<hbm>> -> memref<624x128xf32, #tpu.memory_space<hbm>>
      %dma_wait3A_233 = arith.constant 0 : i32
      %dma_wait3A_234 = tpu.memref_slice %arg12[%mul3A_13, %dma_wait3A_233] : memref<10000x128xf32, #tpu.memory_space<vmem_shared>> -> memref<624x128xf32, #tpu.memory_space<vmem_shared>>
      tpu.wait_dma2 semaphore(%run_scoped3A : memref<!tpu.dma_semaphore, #tpu.memory_space<semaphore_mem>>) src(%dma_wait3A_234 : memref<624x128xf32, #tpu.memory_space<vmem_shared>>) dst(%dma_wait3A_232 : memref<624x128xf32, #tpu.memory_space<hbm>>)
      tpu.yield
    }) : () -> ()
    %eq3A_157 = arith.constant 15 : i32
    %eq3A_158 = arith.cmpi eq, %arg1, %eq3A_157 : i32
    %convert_element_type3A_159 = arith.extui %eq3A_158 : i1 to i32
    %cond3A_160 = arith.constant 0 : i32
    %cond3A_161 = arith.cmpi ne, %convert_element_type3A_159, %cond3A_160 : i32
    scf.if %cond3A_161 {
      "tpu.region"() ({
        %run_scoped3A = tpu.sem_alloc : memref<!tpu.dma_semaphore, #tpu.memory_space<semaphore_mem>>
        %dma_start3A_225 = arith.constant 9984 : i32
        %dma_start3A_226 = arith.constant 0 : i32
        %dma_start3A_227 = tpu.memref_slice %arg5[%arg0, %dma_start3A_225, %dma_start3A_226] : memref<2x10000x128xf32, #tpu.memory_space<hbm>> -> memref<1x16x128xf32, #tpu.memory_space<hbm>>
        %dma_start3A_228 = tpu.memref_squeeze %dma_start3A_227 : memref<1x16x128xf32, #tpu.memory_space<hbm>> -> memref<16x128xf32, #tpu.memory_space<hbm>>
        %dma_start3A_229 = arith.constant 9984 : i32
        %dma_start3A_230 = arith.constant 0 : i32
        %dma_start3A_231 = tpu.memref_slice %arg12[%dma_start3A_229, %dma_start3A_230] : memref<10000x128xf32, #tpu.memory_space<vmem_shared>> -> memref<16x128xf32, #tpu.memory_space<vmem_shared>>
        tpu.enqueue_dma source(%dma_start3A_231 : memref<16x128xf32, #tpu.memory_space<vmem_shared>>) target(%dma_start3A_228 : memref<16x128xf32, #tpu.memory_space<hbm>>) target_semaphore(%run_scoped3A : memref<!tpu.dma_semaphore, #tpu.memory_space<semaphore_mem>>)
        %dma_wait3A_232 = arith.constant 9984 : i32
        %dma_wait3A_233 = arith.constant 0 : i32
        %dma_wait3A_234 = tpu.memref_slice %arg5[%arg0, %dma_wait3A_232, %dma_wait3A_233] : memref<2x10000x128xf32, #tpu.memory_space<hbm>> -> memref<1x16x128xf32, #tpu.memory_space<hbm>>
        %dma_wait3A_235 = tpu.memref_squeeze %dma_wait3A_234 : memref<1x16x128xf32, #tpu.memory_space<hbm>> -> memref<16x128xf32, #tpu.memory_space<hbm>>
        %dma_wait3A_236 = arith.constant 9984 : i32
        %dma_wait3A_237 = arith.constant 0 : i32
        %dma_wait3A_238 = tpu.memref_slice %arg12[%dma_wait3A_236, %dma_wait3A_237] : memref<10000x128xf32, #tpu.memory_space<vmem_shared>> -> memref<16x128xf32, #tpu.memory_space<vmem_shared>>
        tpu.wait_dma2 semaphore(%run_scoped3A : memref<!tpu.dma_semaphore, #tpu.memory_space<semaphore_mem>>) src(%dma_wait3A_238 : memref<16x128xf32, #tpu.memory_space<vmem_shared>>) dst(%dma_wait3A_235 : memref<16x128xf32, #tpu.memory_space<hbm>>)
        tpu.yield
      }) : () -> ()
    } else {
    }
    %broadcast_in_dim3A_162 = arith.constant 0.000000e+00 : f32
    %broadcast_in_dim3A_163 = vector.broadcast %broadcast_in_dim3A_162 : f32 to vector<16xf32>
    %scan3A_164 = arith.constant 0 : i32
    %scan3A_165 = arith.constant 0 : i32
    %scan3A_166 = arith.constant 624 : i32
    %scan3A_167 = arith.addi %scan3A_165, %scan3A_166 : i32
    %scan3A_168 = arith.constant 1 : i32
    scf.for %scan3A_225 = %scan3A_165 to %scan3A_167 step %scan3A_168  : i32 {
      %jit3A = arith.constant 8 : i32
      %div3A = arith.divsi %scan3A_225, %jit3A : i32
      %sign3A = arith.constant 0 : i32
      %sign3A_226 = arith.cmpi sgt, %scan3A_225, %sign3A : i32
      %sign3A_227 = arith.extui %sign3A_226 : i1 to i32
      %sign3A_228 = arith.constant 0 : i32
      %sign3A_229 = arith.cmpi slt, %scan3A_225, %sign3A_228 : i32
      %sign3A_230 = arith.extui %sign3A_229 : i1 to i32
      %sign3A_231 = arith.subi %sign3A_227, %sign3A_230 : i32
      %sign3A_232 = arith.constant 0 : i32
      %sign3A_233 = arith.cmpi sgt, %jit3A, %sign3A_232 : i32
      %sign3A_234 = arith.extui %sign3A_233 : i1 to i32
      %sign3A_235 = arith.constant 0 : i32
      %sign3A_236 = arith.cmpi slt, %jit3A, %sign3A_235 : i32
      %sign3A_237 = arith.extui %sign3A_236 : i1 to i32
      %sign3A_238 = arith.subi %sign3A_234, %sign3A_237 : i32
      %ne3A = arith.cmpi ne, %sign3A_231, %sign3A_238 : i32
      %rem3A = arith.remsi %scan3A_225, %jit3A : i32
      %ne3A_239 = arith.constant 0 : i32
      %ne3A_240 = arith.cmpi ne, %rem3A, %ne3A_239 : i32
      %and3A = arith.andi %ne3A, %ne3A_240 : i1
      %sub3A = arith.constant 1 : i32
      %sub3A_241 = arith.subi %div3A, %sub3A : i32
      %select_n3A = arith.select %and3A, %sub3A_241, %div3A : i32
      %jit3A_242 = arith.constant 8 : i32
      %eq3A_243 = arith.constant 0 : i32
      %eq3A_244 = arith.cmpi eq, %jit3A_242, %eq3A_243 : i32
      %jit3A_245 = arith.constant 1 : i32
      %select_n3A_246 = arith.select %eq3A_244, %jit3A_245, %jit3A_242 : i32
      %rem3A_247 = arith.remsi %scan3A_225, %select_n3A_246 : i32
      %ne3A_248 = arith.constant 0 : i32
      %ne3A_249 = arith.cmpi ne, %rem3A_247, %ne3A_248 : i32
      %lt3A = arith.constant 0 : i32
      %lt3A_250 = arith.cmpi slt, %rem3A_247, %lt3A : i32
      %lt3A_251 = arith.constant 0 : i32
      %lt3A_252 = arith.cmpi slt, %select_n3A_246, %lt3A_251 : i32
      %ne3A_253 = arith.xori %lt3A_250, %lt3A_252 : i1
      %and3A_254 = arith.andi %ne3A_253, %ne3A_249 : i1
      %add3A_255 = arith.addi %rem3A_247, %select_n3A_246 : i32
      %select_n3A_256 = arith.select %and3A_254, %add3A_255, %rem3A_247 : i32
      %mul3A_257 = arith.constant 16 : i32
      %mul3A_258 = arith.muli %select_n3A_256, %mul3A_257 : i32
      %swap3A = arith.index_cast %select_n3A : i32 to index
      %swap3A_259 = arith.index_cast %mul3A_258 : i32 to index
      %swap3A_260 = tpu.vector_load %arg9[%swap3A, %swap3A_259] {strides = array<i32>} : memref<80x128xf32, #tpu.memory_space<vmem>>, vector<1x16xf32>,
      %swap3A_261 = vector.shape_cast %swap3A_260 : vector<1x16xf32> to vector<16xf32>
      %swap3A_262 = vector.shape_cast %broadcast_in_dim3A_163 : vector<16xf32> to vector<1x16xf32>
      tpu.vector_store %arg9[%swap3A, %swap3A_259], %swap3A_262 {strides = array<i32>} : memref<80x128xf32, #tpu.memory_space<vmem>>, vector<1x16xf32>,
    }
    %scan3A_169 = arith.constant 624 : i32
    %broadcast_in_dim3A_170 = arith.constant 1.000000e+00 : f32
    %broadcast_in_dim3A_171 = vector.broadcast %broadcast_in_dim3A_170 : f32 to vector<16xf32>
    %scan3A_172 = arith.constant 0 : i32
    %scan3A_173 = arith.constant 0 : i32
    %scan3A_174 = arith.constant 640 : i32
    %scan3A_175 = arith.addi %scan3A_173, %scan3A_174 : i32
    %scan3A_176 = arith.constant 1 : i32
    scf.for %scan3A_225 = %scan3A_173 to %scan3A_175 step %scan3A_176  : i32 {
      %jit3A = arith.constant 8 : i32
      %div3A = arith.divsi %scan3A_225, %jit3A : i32
      %sign3A = arith.constant 0 : i32
      %sign3A_226 = arith.cmpi sgt, %scan3A_225, %sign3A : i32
      %sign3A_227 = arith.extui %sign3A_226 : i1 to i32
      %sign3A_228 = arith.constant 0 : i32
      %sign3A_229 = arith.cmpi slt, %scan3A_225, %sign3A_228 : i32
      %sign3A_230 = arith.extui %sign3A_229 : i1 to i32
      %sign3A_231 = arith.subi %sign3A_227, %sign3A_230 : i32
      %sign3A_232 = arith.constant 0 : i32
      %sign3A_233 = arith.cmpi sgt, %jit3A, %sign3A_232 : i32
      %sign3A_234 = arith.extui %sign3A_233 : i1 to i32
      %sign3A_235 = arith.constant 0 : i32
      %sign3A_236 = arith.cmpi slt, %jit3A, %sign3A_235 : i32
      %sign3A_237 = arith.extui %sign3A_236 : i1 to i32
      %sign3A_238 = arith.subi %sign3A_234, %sign3A_237 : i32
      %ne3A = arith.cmpi ne, %sign3A_231, %sign3A_238 : i32
      %rem3A = arith.remsi %scan3A_225, %jit3A : i32
      %ne3A_239 = arith.constant 0 : i32
      %ne3A_240 = arith.cmpi ne, %rem3A, %ne3A_239 : i32
      %and3A = arith.andi %ne3A, %ne3A_240 : i1
      %sub3A = arith.constant 1 : i32
      %sub3A_241 = arith.subi %div3A, %sub3A : i32
      %select_n3A = arith.select %and3A, %sub3A_241, %div3A : i32
      %jit3A_242 = arith.constant 8 : i32
      %eq3A_243 = arith.constant 0 : i32
      %eq3A_244 = arith.cmpi eq, %jit3A_242, %eq3A_243 : i32
      %jit3A_245 = arith.constant 1 : i32
      %select_n3A_246 = arith.select %eq3A_244, %jit3A_245, %jit3A_242 : i32
      %rem3A_247 = arith.remsi %scan3A_225, %select_n3A_246 : i32
      %ne3A_248 = arith.constant 0 : i32
      %ne3A_249 = arith.cmpi ne, %rem3A_247, %ne3A_248 : i32
      %lt3A = arith.constant 0 : i32
      %lt3A_250 = arith.cmpi slt, %rem3A_247, %lt3A : i32
      %lt3A_251 = arith.constant 0 : i32
      %lt3A_252 = arith.cmpi slt, %select_n3A_246, %lt3A_251 : i32
      %ne3A_253 = arith.xori %lt3A_250, %lt3A_252 : i1
      %and3A_254 = arith.andi %ne3A_253, %ne3A_249 : i1
      %add3A_255 = arith.addi %rem3A_247, %select_n3A_246 : i32
      %select_n3A_256 = arith.select %and3A_254, %add3A_255, %rem3A_247 : i32
      %mul3A_257 = arith.constant 16 : i32
      %mul3A_258 = arith.muli %select_n3A_256, %mul3A_257 : i32
      %swap3A = arith.index_cast %select_n3A : i32 to index
      %swap3A_259 = arith.index_cast %mul3A_258 : i32 to index
      %swap3A_260 = tpu.vector_load %arg10[%swap3A, %swap3A_259] {strides = array<i32>} : memref<80x128xf32, #tpu.memory_space<vmem>>, vector<1x16xf32>,
      %swap3A_261 = vector.shape_cast %swap3A_260 : vector<1x16xf32> to vector<16xf32>
      %swap3A_262 = vector.shape_cast %broadcast_in_dim3A_171 : vector<16xf32> to vector<1x16xf32>
      tpu.vector_store %arg10[%swap3A, %swap3A_259], %swap3A_262 {strides = array<i32>} : memref<80x128xf32, #tpu.memory_space<vmem>>, vector<1x16xf32>,
    }
    %scan3A_177 = arith.constant 640 : i32
    %scan3A_178 = arith.constant 0 : i32
    %scan3A_179 = arith.constant 0 : i32
    %scan3A_180 = arith.constant 8 : i32
    %scan3A_181 = arith.addi %scan3A_179, %scan3A_180 : i32
    %scan3A_182 = arith.constant 1 : i32
    scf.for %scan3A_225 = %scan3A_179 to %scan3A_181 step %scan3A_182  : i32 {
      %mul3A_226 = arith.constant 78 : i32
      %mul3A_227 = arith.muli %scan3A_225, %mul3A_226 : i32
      %add3A_228 = arith.addi %mul3A_13, %mul3A_227 : i32
      %dma_start3A_229 = arith.constant 0 : i32
      %dma_start3A_230 = arith.constant 0 : i32
      %dma_start3A_231 = tpu.memref_slice %arg9[%dma_start3A_229, %dma_start3A_230] : memref<80x128xf32, #tpu.memory_space<vmem>> -> memref<78x128xf32, #tpu.memory_space<vmem>>
      %dma_start3A_232 = arith.constant 0 : i32
      %dma_start3A_233 = tpu.memref_slice %arg12[%add3A_228, %dma_start3A_232] : memref<10000x128xf32, #tpu.memory_space<vmem_shared>> -> memref<78x128xf32, #tpu.memory_space<vmem_shared>>
      %dma_start3A_234 = arith.constant 0 : i32
      %dma_start3A_235 = tpu.memref_slice %arg12[%add3A_228, %dma_start3A_234] : memref<10000x128xf32, #tpu.memory_space<vmem_shared>> -> memref<78x128xf32, #tpu.memory_space<vmem_shared>>
      %dma_start3A_236 = arith.constant 0 : i32
      %dma_start3A_237 = arith.constant 0 : i32
      %dma_start3A_238 = tpu.memref_slice %arg9[%dma_start3A_236, %dma_start3A_237] : memref<80x128xf32, #tpu.memory_space<vmem>> -> memref<78x128xf32, #tpu.memory_space<vmem>>
      tpu.enqueue_dma source(%dma_start3A_238 : memref<78x128xf32, #tpu.memory_space<vmem>>) target(%dma_start3A_235 : memref<78x128xf32, #tpu.memory_space<vmem_shared>>) target_semaphore(%arg16 : memref<!tpu.dma_semaphore, #tpu.memory_space<semaphore_mem>>)
    }
    %scan3A_183 = arith.constant 8 : i32
    %eq3A_184 = arith.constant 15 : i32
    %eq3A_185 = arith.cmpi eq, %arg1, %eq3A_184 : i32
    %convert_element_type3A_186 = arith.extui %eq3A_185 : i1 to i32
    %cond3A_187 = arith.constant 0 : i32
    %cond3A_188 = arith.cmpi ne, %convert_element_type3A_186, %cond3A_187 : i32
    scf.if %cond3A_188 {
      %dma_start3A_225 = arith.constant 0 : i32
      %dma_start3A_226 = arith.constant 0 : i32
      %dma_start3A_227 = tpu.memref_slice %arg9[%dma_start3A_225, %dma_start3A_226] : memref<80x128xf32, #tpu.memory_space<vmem>> -> memref<16x128xf32, #tpu.memory_space<vmem>>
      %dma_start3A_228 = arith.constant 9984 : i32
      %dma_start3A_229 = arith.constant 0 : i32
      %dma_start3A_230 = tpu.memref_slice %arg12[%dma_start3A_228, %dma_start3A_229] : memref<10000x128xf32, #tpu.memory_space<vmem_shared>> -> memref<16x128xf32, #tpu.memory_space<vmem_shared>>
      %dma_start3A_231 = arith.constant 9984 : i32
      %dma_start3A_232 = arith.constant 0 : i32
      %dma_start3A_233 = tpu.memref_slice %arg12[%dma_start3A_231, %dma_start3A_232] : memref<10000x128xf32, #tpu.memory_space<vmem_shared>> -> memref<16x128xf32, #tpu.memory_space<vmem_shared>>
      %dma_start3A_234 = arith.constant 0 : i32
      %dma_start3A_235 = arith.constant 0 : i32
      %dma_start3A_236 = tpu.memref_slice %arg9[%dma_start3A_234, %dma_start3A_235] : memref<80x128xf32, #tpu.memory_space<vmem>> -> memref<16x128xf32, #tpu.memory_space<vmem>>
      tpu.enqueue_dma source(%dma_start3A_236 : memref<16x128xf32, #tpu.memory_space<vmem>>) target(%dma_start3A_233 : memref<16x128xf32, #tpu.memory_space<vmem_shared>>) target_semaphore(%arg17 : memref<!tpu.dma_semaphore, #tpu.memory_space<semaphore_mem>>)
    } else {
    }
    %scan3A_189 = arith.constant 0 : i32
    %scan3A_190 = arith.constant 0 : i32
    %scan3A_191 = arith.constant 8 : i32
    %scan3A_192 = arith.addi %scan3A_190, %scan3A_191 : i32
    %scan3A_193 = arith.constant 1 : i32
    scf.for %scan3A_225 = %scan3A_190 to %scan3A_192 step %scan3A_193  : i32 {
      %dma_wait3A_226 = arith.constant 0 : i32
      %dma_wait3A_227 = arith.constant 0 : i32
      %dma_wait3A_228 = tpu.memref_slice %arg9[%dma_wait3A_226, %dma_wait3A_227] : memref<80x128xf32, #tpu.memory_space<vmem>> -> memref<78x128xf32, #tpu.memory_space<vmem>>
      %dma_wait3A_229 = arith.constant 0 : i32
      %dma_wait3A_230 = arith.constant 0 : i32
      %dma_wait3A_231 = tpu.memref_slice %arg12[%dma_wait3A_229, %dma_wait3A_230] : memref<10000x128xf32, #tpu.memory_space<vmem_shared>> -> memref<78x128xf32, #tpu.memory_space<vmem_shared>>
      %dma_wait3A_232 = arith.constant 0 : i32
      %dma_wait3A_233 = arith.constant 0 : i32
      %dma_wait3A_234 = tpu.memref_slice %arg12[%dma_wait3A_232, %dma_wait3A_233] : memref<10000x128xf32, #tpu.memory_space<vmem_shared>> -> memref<78x128xf32, #tpu.memory_space<vmem_shared>>
      %dma_wait3A_235 = arith.constant 0 : i32
      %dma_wait3A_236 = arith.constant 0 : i32
      %dma_wait3A_237 = tpu.memref_slice %arg9[%dma_wait3A_235, %dma_wait3A_236] : memref<80x128xf32, #tpu.memory_space<vmem>> -> memref<78x128xf32, #tpu.memory_space<vmem>>
      tpu.wait_dma2 semaphore(%arg16 : memref<!tpu.dma_semaphore, #tpu.memory_space<semaphore_mem>>) src(%dma_wait3A_237 : memref<78x128xf32, #tpu.memory_space<vmem>>) dst(%dma_wait3A_234 : memref<78x128xf32, #tpu.memory_space<vmem_shared>>)
    }
    %scan3A_194 = arith.constant 8 : i32
    %eq3A_195 = arith.constant 15 : i32
    %eq3A_196 = arith.cmpi eq, %arg1, %eq3A_195 : i32
    %convert_element_type3A_197 = arith.extui %eq3A_196 : i1 to i32
    %cond3A_198 = arith.constant 0 : i32
    %cond3A_199 = arith.cmpi ne, %convert_element_type3A_197, %cond3A_198 : i32
    scf.if %cond3A_199 {
      %dma_wait3A_225 = arith.constant 0 : i32
      %dma_wait3A_226 = arith.constant 0 : i32
      %dma_wait3A_227 = tpu.memref_slice %arg9[%dma_wait3A_225, %dma_wait3A_226] : memref<80x128xf32, #tpu.memory_space<vmem>> -> memref<16x128xf32, #tpu.memory_space<vmem>>
      %dma_wait3A_228 = arith.constant 0 : i32
      %dma_wait3A_229 = arith.constant 0 : i32
      %dma_wait3A_230 = tpu.memref_slice %arg12[%dma_wait3A_228, %dma_wait3A_229] : memref<10000x128xf32, #tpu.memory_space<vmem_shared>> -> memref<16x128xf32, #tpu.memory_space<vmem_shared>>
      %dma_wait3A_231 = arith.constant 0 : i32
      %dma_wait3A_232 = arith.constant 0 : i32
      %dma_wait3A_233 = tpu.memref_slice %arg12[%dma_wait3A_231, %dma_wait3A_232] : memref<10000x128xf32, #tpu.memory_space<vmem_shared>> -> memref<16x128xf32, #tpu.memory_space<vmem_shared>>
      %dma_wait3A_234 = arith.constant 0 : i32
      %dma_wait3A_235 = arith.constant 0 : i32
      %dma_wait3A_236 = tpu.memref_slice %arg9[%dma_wait3A_234, %dma_wait3A_235] : memref<80x128xf32, #tpu.memory_space<vmem>> -> memref<16x128xf32, #tpu.memory_space<vmem>>
      tpu.wait_dma2 semaphore(%arg17 : memref<!tpu.dma_semaphore, #tpu.memory_space<semaphore_mem>>) src(%dma_wait3A_236 : memref<16x128xf32, #tpu.memory_space<vmem>>) dst(%dma_wait3A_233 : memref<16x128xf32, #tpu.memory_space<vmem_shared>>)
    } else {
    }
    %barrier3A_200 = arith.constant 0 : index
    tpu.barrier barrier_id(%barrier3A_200)
    %scan3A_201 = arith.constant 0 : i32
    %scan3A_202 = arith.constant 0 : i32
    %scan3A_203 = arith.constant 8 : i32
    %scan3A_204 = arith.addi %scan3A_202, %scan3A_203 : i32
    %scan3A_205 = arith.constant 1 : i32
    scf.for %scan3A_225 = %scan3A_202 to %scan3A_204 step %scan3A_205  : i32 {
      %mul3A_226 = arith.constant 80 : i32
      %mul3A_227 = arith.muli %scan3A_225, %mul3A_226 : i32
      %dma_start3A_228 = tpu.memref_slice %arg8[%mul3A_227] : memref<10000xi32, #tpu.memory_space<vmem>> -> memref<80xi32, #tpu.memory_space<vmem>>
      %dma_start3A_229 = arith.constant 0 : i32
      %dma_start3A_230 = arith.constant 0 : i32
      %dma_start3A_231 = tpu.memref_slice %arg12[%dma_start3A_229, %dma_start3A_230] : memref<10000x128xf32, #tpu.memory_space<vmem_shared>> -> memref<10000x128xf32, #tpu.memory_space<vmem_shared>>
      tpu.enqueue_indirect_dma source(%arg10 : memref<80x128xf32, #tpu.memory_space<vmem>>) target(%dma_start3A_231 : memref<10000x128xf32, #tpu.memory_space<vmem_shared>>) offsets(%dma_start3A_228 : memref<80xi32, #tpu.memory_space<vmem>>) semaphore(%arg18 : memref<!tpu.dma_semaphore, #tpu.memory_space<semaphore_mem>>) {add = true}
    }
    %scan3A_206 = arith.constant 8 : i32
    %scan3A_207 = arith.constant 0 : i32
    %scan3A_208 = arith.constant 0 : i32
    %scan3A_209 = arith.constant 117 : i32
    %scan3A_210 = arith.addi %scan3A_208, %scan3A_209 : i32
    %scan3A_211 = arith.constant 1 : i32
    scf.for %scan3A_225 = %scan3A_208 to %scan3A_210 step %scan3A_211  : i32 {
      %dma_wait3A_226 = arith.constant 0 : i32
      %dma_wait3A_227 = arith.constant 0 : i32
      %dma_wait3A_228 = tpu.memref_slice %arg12[%dma_wait3A_226, %dma_wait3A_227] : memref<10000x128xf32, #tpu.memory_space<vmem_shared>> -> memref<80x128xf32, #tpu.memory_space<vmem_shared>>
      %dma_wait3A_229 = arith.constant 0 : i32
      %dma_wait3A_230 = arith.constant 0 : i32
      %dma_wait3A_231 = tpu.memref_slice %arg12[%dma_wait3A_229, %dma_wait3A_230] : memref<10000x128xf32, #tpu.memory_space<vmem_shared>> -> memref<80x128xf32, #tpu.memory_space<vmem_shared>>
      tpu.wait_dma2 semaphore(%arg18 : memref<!tpu.dma_semaphore, #tpu.memory_space<semaphore_mem>>) src(%arg10 : memref<80x128xf32, #tpu.memory_space<vmem>>) dst(%dma_wait3A_231 : memref<80x128xf32, #tpu.memory_space<vmem_shared>>)
      %add3A_232 = arith.constant 8 : i32
      %add3A_233 = arith.addi %scan3A_225, %add3A_232 : i32
      %mul3A_234 = arith.constant 80 : i32
      %mul3A_235 = arith.muli %add3A_233, %mul3A_234 : i32
      %dma_start3A_236 = tpu.memref_slice %arg8[%mul3A_235] : memref<10000xi32, #tpu.memory_space<vmem>> -> memref<80xi32, #tpu.memory_space<vmem>>
      %dma_start3A_237 = arith.constant 0 : i32
      %dma_start3A_238 = arith.constant 0 : i32
      %dma_start3A_239 = tpu.memref_slice %arg12[%dma_start3A_237, %dma_start3A_238] : memref<10000x128xf32, #tpu.memory_space<vmem_shared>> -> memref<10000x128xf32, #tpu.memory_space<vmem_shared>>
      tpu.enqueue_indirect_dma source(%arg10 : memref<80x128xf32, #tpu.memory_space<vmem>>) target(%dma_start3A_239 : memref<10000x128xf32, #tpu.memory_space<vmem_shared>>) offsets(%dma_start3A_236 : memref<80xi32, #tpu.memory_space<vmem>>) semaphore(%arg18 : memref<!tpu.dma_semaphore, #tpu.memory_space<semaphore_mem>>) {add = true}
    }
    %scan3A_212 = arith.constant 117 : i32
    %scan3A_213 = arith.constant 0 : i32
    %scan3A_214 = arith.constant 0 : i32
    %scan3A_215 = arith.constant 8 : i32
    %scan3A_216 = arith.addi %scan3A_214, %scan3A_215 : i32
    %scan3A_217 = arith.constant 1 : i32
    scf.for %scan3A_225 = %scan3A_214 to %scan3A_216 step %scan3A_217  : i32 {
      %dma_wait3A_226 = arith.constant 0 : i32
      %dma_wait3A_227 = arith.constant 0 : i32
      %dma_wait3A_228 = tpu.memref_slice %arg12[%dma_wait3A_226, %dma_wait3A_227] : memref<10000x128xf32, #tpu.memory_space<vmem_shared>> -> memref<80x128xf32, #tpu.memory_space<vmem_shared>>
      %dma_wait3A_229 = arith.constant 0 : i32
      %dma_wait3A_230 = arith.constant 0 : i32
      %dma_wait3A_231 = tpu.memref_slice %arg12[%dma_wait3A_229, %dma_wait3A_230] : memref<10000x128xf32, #tpu.memory_space<vmem_shared>> -> memref<80x128xf32, #tpu.memory_space<vmem_shared>>
      tpu.wait_dma2 semaphore(%arg18 : memref<!tpu.dma_semaphore, #tpu.memory_space<semaphore_mem>>) src(%arg10 : memref<80x128xf32, #tpu.memory_space<vmem>>) dst(%dma_wait3A_231 : memref<80x128xf32, #tpu.memory_space<vmem_shared>>)
    }
    %scan3A_218 = arith.constant 8 : i32
    %barrier3A_219 = arith.constant 0 : index
    tpu.barrier barrier_id(%barrier3A_219)
    "tpu.region"() ({
      %run_scoped3A = tpu.sem_alloc : memref<!tpu.dma_semaphore, #tpu.memory_space<semaphore_mem>>
      %dma_start3A_225 = arith.constant 0 : i32
      %dma_start3A_226 = tpu.memref_slice %arg6[%arg0, %mul3A_13, %dma_start3A_225] : memref<2x10000x128xf32, #tpu.memory_space<hbm>> -> memref<1x624x128xf32, #tpu.memory_space<hbm>>
      %dma_start3A_227 = tpu.memref_squeeze %dma_start3A_226 : memref<1x624x128xf32, #tpu.memory_space<hbm>> -> memref<624x128xf32, #tpu.memory_space<hbm>>
      %dma_start3A_228 = arith.constant 0 : i32
      %dma_start3A_229 = tpu.memref_slice %arg12[%mul3A_13, %dma_start3A_228] : memref<10000x128xf32, #tpu.memory_space<vmem_shared>> -> memref<624x128xf32, #tpu.memory_space<vmem_shared>>
      tpu.enqueue_dma source(%dma_start3A_229 : memref<624x128xf32, #tpu.memory_space<vmem_shared>>) target(%dma_start3A_227 : memref<624x128xf32, #tpu.memory_space<hbm>>) target_semaphore(%run_scoped3A : memref<!tpu.dma_semaphore, #tpu.memory_space<semaphore_mem>>)
      %dma_wait3A_230 = arith.constant 0 : i32
      %dma_wait3A_231 = tpu.memref_slice %arg6[%arg0, %mul3A_13, %dma_wait3A_230] : memref<2x10000x128xf32, #tpu.memory_space<hbm>> -> memref<1x624x128xf32, #tpu.memory_space<hbm>>
      %dma_wait3A_232 = tpu.memref_squeeze %dma_wait3A_231 : memref<1x624x128xf32, #tpu.memory_space<hbm>> -> memref<624x128xf32, #tpu.memory_space<hbm>>
      %dma_wait3A_233 = arith.constant 0 : i32
      %dma_wait3A_234 = tpu.memref_slice %arg12[%mul3A_13, %dma_wait3A_233] : memref<10000x128xf32, #tpu.memory_space<vmem_shared>> -> memref<624x128xf32, #tpu.memory_space<vmem_shared>>
      tpu.wait_dma2 semaphore(%run_scoped3A : memref<!tpu.dma_semaphore, #tpu.memory_space<semaphore_mem>>) src(%dma_wait3A_234 : memref<624x128xf32, #tpu.memory_space<vmem_shared>>) dst(%dma_wait3A_232 : memref<624x128xf32, #tpu.memory_space<hbm>>)
      tpu.yield
    }) : () -> ()
    %eq3A_220 = arith.constant 15 : i32
    %eq3A_221 = arith.cmpi eq, %arg1, %eq3A_220 : i32
    %convert_element_type3A_222 = arith.extui %eq3A_221 : i1 to i32
    %cond3A_223 = arith.constant 0 : i32
    %cond3A_224 = arith.cmpi ne, %convert_element_type3A_222, %cond3A_223 : i32
    scf.if %cond3A_224 {
      "tpu.region"() ({
        %run_scoped3A = tpu.sem_alloc : memref<!tpu.dma_semaphore, #tpu.memory_space<semaphore_mem>>
        %dma_start3A_225 = arith.constant 9984 : i32
        %dma_start3A_226 = arith.constant 0 : i32
        %dma_start3A_227 = tpu.memref_slice %arg6[%arg0, %dma_start3A_225, %dma_start3A_226] : memref<2x10000x128xf32, #tpu.memory_space<hbm>> -> memref<1x16x128xf32, #tpu.memory_space<hbm>>
        %dma_start3A_228 = tpu.memref_squeeze %dma_start3A_227 : memref<1x16x128xf32, #tpu.memory_space<hbm>> -> memref<16x128xf32, #tpu.memory_space<hbm>>
        %dma_start3A_229 = arith.constant 9984 : i32
        %dma_start3A_230 = arith.constant 0 : i32
        %dma_start3A_231 = tpu.memref_slice %arg12[%dma_start3A_229, %dma_start3A_230] : memref<10000x128xf32, #tpu.memory_space<vmem_shared>> -> memref<16x128xf32, #tpu.memory_space<vmem_shared>>
        tpu.enqueue_dma source(%dma_start3A_231 : memref<16x128xf32, #tpu.memory_space<vmem_shared>>) target(%dma_start3A_228 : memref<16x128xf32, #tpu.memory_space<hbm>>) target_semaphore(%run_scoped3A : memref<!tpu.dma_semaphore, #tpu.memory_space<semaphore_mem>>)
        %dma_wait3A_232 = arith.constant 9984 : i32
        %dma_wait3A_233 = arith.constant 0 : i32
        %dma_wait3A_234 = tpu.memref_slice %arg6[%arg0, %dma_wait3A_232, %dma_wait3A_233] : memref<2x10000x128xf32, #tpu.memory_space<hbm>> -> memref<1x16x128xf32, #tpu.memory_space<hbm>>
        %dma_wait3A_235 = tpu.memref_squeeze %dma_wait3A_234 : memref<1x16x128xf32, #tpu.memory_space<hbm>> -> memref<16x128xf32, #tpu.memory_space<hbm>>
        %dma_wait3A_236 = arith.constant 9984 : i32
        %dma_wait3A_237 = arith.constant 0 : i32
        %dma_wait3A_238 = tpu.memref_slice %arg12[%dma_wait3A_236, %dma_wait3A_237] : memref<10000x128xf32, #tpu.memory_space<vmem_shared>> -> memref<16x128xf32, #tpu.memory_space<vmem_shared>>
        tpu.wait_dma2 semaphore(%run_scoped3A : memref<!tpu.dma_semaphore, #tpu.memory_space<semaphore_mem>>) src(%dma_wait3A_238 : memref<16x128xf32, #tpu.memory_space<vmem_shared>>) dst(%dma_wait3A_235 : memref<16x128xf32, #tpu.memory_space<hbm>>)
        tpu.yield
      }) : () -> ()
    } else {
    }
    return
  }
}

module attributes {stable_mosaic.version = 14 : i64} {
  func.func @body(%arg0: i32, %arg1: memref<2000x128xf32, #tpu.memory_space<vmem>>, %arg2: memref<2x2000x128xf32, #tpu.memory_space<vmem>>, %arg3: memref<2000x1xf32, #tpu.memory_space<vmem>>, %arg4: memref<128x128xf32, #tpu.memory_space<vmem>>, %arg5: memref<128x128xf32, #tpu.memory_space<vmem>>, %arg6: memref<1x128xf32, #tpu.memory_space<vmem>>, %arg7: memref<2000x128xf32, #tpu.memory_space<vmem>>) attributes {dimension_semantics = [#tpu.dimension_semantics<arbitrary>], iteration_bounds = array<i64: 5>, scalar_prefetch = 0 : i64, scratch_operands = 0 : i64, tpu.core_type = #tpu.core_type<tc>, window_params = [{transform_indices = @transform_0, window_bounds = array<i64: 2000, 128>}, {transform_indices = @transform_1, window_bounds = array<i64: 2, 2000, 128>}, {transform_indices = @transform_2, window_bounds = array<i64: 2000, 1>}, {pipeline_mode = #tpu.pipeline_mode<synchronous>, transform_indices = @transform_3, window_bounds = array<i64: 128, 128>}, {pipeline_mode = #tpu.pipeline_mode<synchronous>, transform_indices = @transform_4, window_bounds = array<i64: 128, 128>}, {pipeline_mode = #tpu.pipeline_mode<synchronous>, transform_indices = @transform_5, window_bounds = array<i64: 1, 128>}, {transform_indices = @transform_6, window_bounds = array<i64: 2000, 128>}]} {
    %get3A = arith.constant 0 : index
    %get3A_0 = arith.constant 0 : index
    %get3A_1 = arith.constant 0 : index
    %get3A_2 = vector.load %arg2[%get3A, %get3A_0, %get3A_1] : memref<2x2000x128xf32, #tpu.memory_space<vmem>>, vector<1x2000x128xf32>
    %get3A_3 = vector.shape_cast %get3A_2 : vector<1x2000x128xf32> to vector<2000x128xf32>
    %get3A_4 = arith.constant 1 : index
    %get3A_5 = arith.constant 0 : index
    %get3A_6 = arith.constant 0 : index
    %get3A_7 = vector.load %arg2[%get3A_4, %get3A_5, %get3A_6] : memref<2x2000x128xf32, #tpu.memory_space<vmem>>, vector<1x2000x128xf32>
    %get3A_8 = vector.shape_cast %get3A_7 : vector<1x2000x128xf32> to vector<2000x128xf32>
    %add3A = arith.addf %get3A_3, %get3A_8 : vector<2000x128xf32>
    %get3A_9 = arith.constant 0 : index
    %get3A_10 = arith.constant 0 : index
    %get3A_11 = vector.load %arg3[%get3A_9, %get3A_10] : memref<2000x1xf32, #tpu.memory_space<vmem>>, vector<2000x1xf32>
    %mul3A = vector.broadcast %get3A_11 : vector<2000x1xf32> to vector<2000x128xf32>
    %mul3A_12 = arith.mulf %add3A, %mul3A : vector<2000x128xf32>
    %get3A_13 = arith.constant 0 : index
    %get3A_14 = arith.constant 0 : index
    %get3A_15 = vector.load %arg1[%get3A_13, %get3A_14] : memref<2000x128xf32, #tpu.memory_space<vmem>>, vector<2000x128xf32>
    %get3A_16 = arith.constant 0 : index
    %get3A_17 = arith.constant 0 : index
    %get3A_18 = vector.load %arg4[%get3A_16, %get3A_17] : memref<128x128xf32, #tpu.memory_space<vmem>>, vector<128x128xf32>
    %dot_general3A = arith.constant dense<0.000000e+00> : vector<2000x128xf32>
    %dot_general3A_19 = tpu.matmul %get3A_15, %get3A_18, %dot_general3A {dimension_numbers = #tpu.dot_dimension_numbers<[1], [0], [0], [1], [0, 0, 1, 1], [], []>, transpose_lhs_hint = false} : vector<2000x128xf32>, vector<128x128xf32>, vector<2000x128xf32> -> vector<2000x128xf32>
    %get3A_20 = arith.constant 0 : index
    %get3A_21 = arith.constant 0 : index
    %get3A_22 = vector.load %arg5[%get3A_20, %get3A_21] : memref<128x128xf32, #tpu.memory_space<vmem>>, vector<128x128xf32>
    %dot_general3A_23 = arith.constant dense<0.000000e+00> : vector<2000x128xf32>
    %dot_general3A_24 = tpu.matmul %mul3A_12, %get3A_22, %dot_general3A_23 {dimension_numbers = #tpu.dot_dimension_numbers<[1], [0], [0], [1], [0, 0, 1, 1], [], []>, transpose_lhs_hint = false} : vector<2000x128xf32>, vector<128x128xf32>, vector<2000x128xf32> -> vector<2000x128xf32>
    %add3A_25 = arith.addf %dot_general3A_19, %dot_general3A_24 : vector<2000x128xf32>
    %get3A_26 = arith.constant 0 : index
    %get3A_27 = arith.constant 0 : index
    %get3A_28 = vector.load %arg6[%get3A_26, %get3A_27] : memref<1x128xf32, #tpu.memory_space<vmem>>, vector<1x128xf32>
    %add3A_29 = vector.broadcast %get3A_28 : vector<1x128xf32> to vector<2000x128xf32>
    %add3A_30 = arith.addf %add3A_25, %add3A_29 : vector<2000x128xf32>
    %max3A = arith.constant 0.000000e+00 : f32
    %max3A_31 = vector.broadcast %max3A : f32 to vector<2000x128xf32>
    %max3A_32 = arith.maximumf %add3A_30, %max3A_31 : vector<2000x128xf32>
    %swap3A = arith.constant 0 : index
    %swap3A_33 = arith.constant 0 : index
    %swap3A_34 = vector.load %arg7[%swap3A, %swap3A_33] : memref<2000x128xf32, #tpu.memory_space<vmem>>, vector<2000x128xf32>
    tpu.vector_store %arg7[%swap3A, %swap3A_33], %max3A_32 {strides = array<i32>} : memref<2000x128xf32, #tpu.memory_space<vmem>>, vector<2000x128xf32>,
    return
  }
  func.func @transform_0(%arg0: i32) -> (i32, i32) {
    %c0_i32 = arith.constant 0 : i32
    %c0_i32_0 = arith.constant 0 : i32
    return %arg0, %c0_i32 : i32, i32
  }
  func.func @transform_1(%arg0: i32) -> (i32, i32, i32) {
    %c0_i32 = arith.constant 0 : i32
    %c0_i32_0 = arith.constant 0 : i32
    %c0_i32_1 = arith.constant 0 : i32
    return %c0_i32, %arg0, %c0_i32_0 : i32, i32, i32
  }
  func.func @transform_2(%arg0: i32) -> (i32, i32) {
    %c0_i32 = arith.constant 0 : i32
    %c0_i32_0 = arith.constant 0 : i32
    return %arg0, %c0_i32 : i32, i32
  }
  func.func @transform_3(%arg0: i32) -> (i32, i32) {
    %c0_i32 = arith.constant 0 : i32
    %c0_i32_0 = arith.constant 0 : i32
    %c0_i32_1 = arith.constant 0 : i32
    return %c0_i32, %c0_i32_0 : i32, i32
  }
  func.func @transform_4(%arg0: i32) -> (i32, i32) {
    %c0_i32 = arith.constant 0 : i32
    %c0_i32_0 = arith.constant 0 : i32
    %c0_i32_1 = arith.constant 0 : i32
    return %c0_i32, %c0_i32_0 : i32, i32
  }
  func.func @transform_5(%arg0: i32) -> (i32, i32) {
    %c0_i32 = arith.constant 0 : i32
    %c0_i32_0 = arith.constant 0 : i32
    %c0_i32_1 = arith.constant 0 : i32
    return %c0_i32, %c0_i32_0 : i32, i32
  }
  func.func @transform_6(%arg0: i32) -> (i32, i32) {
    %c0_i32 = arith.constant 0 : i32
    %c0_i32_0 = arith.constant 0 : i32
    return %arg0, %c0_i32 : i32, i32
  }
}

module attributes {stable_mosaic.version = 14 : i64} {
  func.func @body(%arg0: i32, %arg1: memref<2000x128xf32, #tpu.memory_space<vmem>>, %arg2: memref<2x2000x128xf32, #tpu.memory_space<vmem>>, %arg3: memref<2x2000x128xf32, #tpu.memory_space<vmem>>, %arg4: memref<128x128xf32, #tpu.memory_space<vmem>>, %arg5: memref<128x128xf32, #tpu.memory_space<vmem>>, %arg6: memref<1x128xf32, #tpu.memory_space<vmem>>, %arg7: memref<2000x128xf32, #tpu.memory_space<vmem>>, %arg8: memref<2000x1xf32, #tpu.memory_space<vmem>>) attributes {dimension_semantics = [#tpu.dimension_semantics<arbitrary>], iteration_bounds = array<i64: 5>, scalar_prefetch = 0 : i64, scratch_operands = 0 : i64, tpu.core_type = #tpu.core_type<tc>, window_params = [{transform_indices = @transform_0, window_bounds = array<i64: 2000, 128>}, {transform_indices = @transform_1, window_bounds = array<i64: 2, 2000, 128>}, {transform_indices = @transform_2, window_bounds = array<i64: 2, 2000, 128>}, {pipeline_mode = #tpu.pipeline_mode<synchronous>, transform_indices = @transform_3, window_bounds = array<i64: 128, 128>}, {pipeline_mode = #tpu.pipeline_mode<synchronous>, transform_indices = @transform_4, window_bounds = array<i64: 128, 128>}, {pipeline_mode = #tpu.pipeline_mode<synchronous>, transform_indices = @transform_5, window_bounds = array<i64: 1, 128>}, {transform_indices = @transform_6, window_bounds = array<i64: 2000, 128>}, {transform_indices = @transform_7, window_bounds = array<i64: 2000, 1>}]} {
    %get3A = arith.constant 0 : index
    %get3A_0 = arith.constant 0 : index
    %get3A_1 = arith.constant 0 : index
    %get3A_2 = vector.load %arg3[%get3A, %get3A_0, %get3A_1] : memref<2x2000x128xf32, #tpu.memory_space<vmem>>, vector<1x2000x1xf32>
    %get3A_3 = vector.shape_cast %get3A_2 : vector<1x2000x1xf32> to vector<2000xf32>
    %get3A_4 = arith.constant 1 : index
    %get3A_5 = arith.constant 0 : index
    %get3A_6 = arith.constant 0 : index
    %get3A_7 = vector.load %arg3[%get3A_4, %get3A_5, %get3A_6] : memref<2x2000x128xf32, #tpu.memory_space<vmem>>, vector<1x2000x1xf32>
    %get3A_8 = vector.shape_cast %get3A_7 : vector<1x2000x1xf32> to vector<2000xf32>
    %add3A = arith.addf %get3A_3, %get3A_8 : vector<2000xf32>
    %max3A = arith.constant 1.000000e+00 : f32
    %max3A_9 = vector.broadcast %max3A : f32 to vector<2000xf32>
    %max3A_10 = arith.maximumf %add3A, %max3A_9 : vector<2000xf32>
    %div3A = arith.constant 1.000000e+00 : f32
    %div3A_11 = vector.broadcast %div3A : f32 to vector<2000xf32>
    %div3A_12 = arith.divf %div3A_11, %max3A_10 : vector<2000xf32>
    %broadcast_in_dim3A = vector.shape_cast %div3A_12 : vector<2000xf32> to vector<2000x1xf32>
    %swap3A = arith.constant 0 : index
    %swap3A_13 = arith.constant 0 : index
    %swap3A_14 = vector.load %arg8[%swap3A, %swap3A_13] : memref<2000x1xf32, #tpu.memory_space<vmem>>, vector<2000x1xf32>
    tpu.vector_store %arg8[%swap3A, %swap3A_13], %broadcast_in_dim3A {strides = array<i32>} : memref<2000x1xf32, #tpu.memory_space<vmem>>, vector<2000x1xf32>,
    %get3A_15 = arith.constant 0 : index
    %get3A_16 = arith.constant 0 : index
    %get3A_17 = arith.constant 0 : index
    %get3A_18 = vector.load %arg2[%get3A_15, %get3A_16, %get3A_17] : memref<2x2000x128xf32, #tpu.memory_space<vmem>>, vector<1x2000x128xf32>
    %get3A_19 = vector.shape_cast %get3A_18 : vector<1x2000x128xf32> to vector<2000x128xf32>
    %get3A_20 = arith.constant 1 : index
    %get3A_21 = arith.constant 0 : index
    %get3A_22 = arith.constant 0 : index
    %get3A_23 = vector.load %arg2[%get3A_20, %get3A_21, %get3A_22] : memref<2x2000x128xf32, #tpu.memory_space<vmem>>, vector<1x2000x128xf32>
    %get3A_24 = vector.shape_cast %get3A_23 : vector<1x2000x128xf32> to vector<2000x128xf32>
    %add3A_25 = arith.addf %get3A_19, %get3A_24 : vector<2000x128xf32>
    %mul3A = vector.broadcast %broadcast_in_dim3A : vector<2000x1xf32> to vector<2000x128xf32>
    %mul3A_26 = arith.mulf %add3A_25, %mul3A : vector<2000x128xf32>
    %get3A_27 = arith.constant 0 : index
    %get3A_28 = arith.constant 0 : index
    %get3A_29 = vector.load %arg1[%get3A_27, %get3A_28] : memref<2000x128xf32, #tpu.memory_space<vmem>>, vector<2000x128xf32>
    %get3A_30 = arith.constant 0 : index
    %get3A_31 = arith.constant 0 : index
    %get3A_32 = vector.load %arg4[%get3A_30, %get3A_31] : memref<128x128xf32, #tpu.memory_space<vmem>>, vector<128x128xf32>
    %dot_general3A = arith.constant dense<0.000000e+00> : vector<2000x128xf32>
    %dot_general3A_33 = tpu.matmul %get3A_29, %get3A_32, %dot_general3A {dimension_numbers = #tpu.dot_dimension_numbers<[1], [0], [0], [1], [0, 0, 1, 1], [], []>, transpose_lhs_hint = false} : vector<2000x128xf32>, vector<128x128xf32>, vector<2000x128xf32> -> vector<2000x128xf32>
    %get3A_34 = arith.constant 0 : index
    %get3A_35 = arith.constant 0 : index
    %get3A_36 = vector.load %arg5[%get3A_34, %get3A_35] : memref<128x128xf32, #tpu.memory_space<vmem>>, vector<128x128xf32>
    %dot_general3A_37 = arith.constant dense<0.000000e+00> : vector<2000x128xf32>
    %dot_general3A_38 = tpu.matmul %mul3A_26, %get3A_36, %dot_general3A_37 {dimension_numbers = #tpu.dot_dimension_numbers<[1], [0], [0], [1], [0, 0, 1, 1], [], []>, transpose_lhs_hint = false} : vector<2000x128xf32>, vector<128x128xf32>, vector<2000x128xf32> -> vector<2000x128xf32>
    %add3A_39 = arith.addf %dot_general3A_33, %dot_general3A_38 : vector<2000x128xf32>
    %get3A_40 = arith.constant 0 : index
    %get3A_41 = arith.constant 0 : index
    %get3A_42 = vector.load %arg6[%get3A_40, %get3A_41] : memref<1x128xf32, #tpu.memory_space<vmem>>, vector<1x128xf32>
    %add3A_43 = vector.broadcast %get3A_42 : vector<1x128xf32> to vector<2000x128xf32>
    %add3A_44 = arith.addf %add3A_39, %add3A_43 : vector<2000x128xf32>
    %max3A_45 = arith.constant 0.000000e+00 : f32
    %max3A_46 = vector.broadcast %max3A_45 : f32 to vector<2000x128xf32>
    %max3A_47 = arith.maximumf %add3A_44, %max3A_46 : vector<2000x128xf32>
    %swap3A_48 = arith.constant 0 : index
    %swap3A_49 = arith.constant 0 : index
    %swap3A_50 = vector.load %arg7[%swap3A_48, %swap3A_49] : memref<2000x128xf32, #tpu.memory_space<vmem>>, vector<2000x128xf32>
    tpu.vector_store %arg7[%swap3A_48, %swap3A_49], %max3A_47 {strides = array<i32>} : memref<2000x128xf32, #tpu.memory_space<vmem>>, vector<2000x128xf32>,
    return
  }
  func.func @transform_0(%arg0: i32) -> (i32, i32) {
    %c0_i32 = arith.constant 0 : i32
    %c0_i32_0 = arith.constant 0 : i32
    return %arg0, %c0_i32 : i32, i32
  }
  func.func @transform_1(%arg0: i32) -> (i32, i32, i32) {
    %c0_i32 = arith.constant 0 : i32
    %c0_i32_0 = arith.constant 0 : i32
    %c0_i32_1 = arith.constant 0 : i32
    return %c0_i32, %arg0, %c0_i32_0 : i32, i32, i32
  }
  func.func @transform_2(%arg0: i32) -> (i32, i32, i32) {
    %c0_i32 = arith.constant 0 : i32
    %c0_i32_0 = arith.constant 0 : i32
    %c0_i32_1 = arith.constant 0 : i32
    return %c0_i32, %arg0, %c0_i32_0 : i32, i32, i32
  }
  func.func @transform_3(%arg0: i32) -> (i32, i32) {
    %c0_i32 = arith.constant 0 : i32
    %c0_i32_0 = arith.constant 0 : i32
    %c0_i32_1 = arith.constant 0 : i32
    return %c0_i32, %c0_i32_0 : i32, i32
  }
  func.func @transform_4(%arg0: i32) -> (i32, i32) {
    %c0_i32 = arith.constant 0 : i32
    %c0_i32_0 = arith.constant 0 : i32
    %c0_i32_1 = arith.constant 0 : i32
    return %c0_i32, %c0_i32_0 : i32, i32
  }
  func.func @transform_5(%arg0: i32) -> (i32, i32) {
    %c0_i32 = arith.constant 0 : i32
    %c0_i32_0 = arith.constant 0 : i32
    %c0_i32_1 = arith.constant 0 : i32
    return %c0_i32, %c0_i32_0 : i32, i32
  }
  func.func @transform_6(%arg0: i32) -> (i32, i32) {
    %c0_i32 = arith.constant 0 : i32
    %c0_i32_0 = arith.constant 0 : i32
    return %arg0, %c0_i32 : i32, i32
  }
  func.func @transform_7(%arg0: i32) -> (i32, i32) {
    %c0_i32 = arith.constant 0 : i32
    %c0_i32_0 = arith.constant 0 : i32
    return %arg0, %c0_i32 : i32, i32
  }
}

module attributes {stable_mosaic.version = 14 : i64} {
  func.func @body(%arg0: i32, %arg1: memref<2000x128xf32, #tpu.memory_space<vmem>>, %arg2: memref<2x2000x128xf32, #tpu.memory_space<vmem>>, %arg3: memref<2000x1xf32, #tpu.memory_space<vmem>>, %arg4: memref<128x128xf32, #tpu.memory_space<vmem>>, %arg5: memref<128x128xf32, #tpu.memory_space<vmem>>, %arg6: memref<1x128xf32, #tpu.memory_space<vmem>>, %arg7: memref<2000x128xf32, #tpu.memory_space<vmem>>) attributes {dimension_semantics = [#tpu.dimension_semantics<arbitrary>], iteration_bounds = array<i64: 5>, scalar_prefetch = 0 : i64, scratch_operands = 0 : i64, tpu.core_type = #tpu.core_type<tc>, window_params = [{transform_indices = @transform_0, window_bounds = array<i64: 2000, 128>}, {transform_indices = @transform_1, window_bounds = array<i64: 2, 2000, 128>}, {transform_indices = @transform_2, window_bounds = array<i64: 2000, 1>}, {pipeline_mode = #tpu.pipeline_mode<synchronous>, transform_indices = @transform_3, window_bounds = array<i64: 128, 128>}, {pipeline_mode = #tpu.pipeline_mode<synchronous>, transform_indices = @transform_4, window_bounds = array<i64: 128, 128>}, {pipeline_mode = #tpu.pipeline_mode<synchronous>, transform_indices = @transform_5, window_bounds = array<i64: 1, 128>}, {transform_indices = @transform_6, window_bounds = array<i64: 2000, 128>}]} {
    %get3A = arith.constant 0 : index
    %get3A_0 = arith.constant 0 : index
    %get3A_1 = arith.constant 0 : index
    %get3A_2 = vector.load %arg2[%get3A, %get3A_0, %get3A_1] : memref<2x2000x128xf32, #tpu.memory_space<vmem>>, vector<1x2000x128xf32>
    %get3A_3 = vector.shape_cast %get3A_2 : vector<1x2000x128xf32> to vector<2000x128xf32>
    %get3A_4 = arith.constant 1 : index
    %get3A_5 = arith.constant 0 : index
    %get3A_6 = arith.constant 0 : index
    %get3A_7 = vector.load %arg2[%get3A_4, %get3A_5, %get3A_6] : memref<2x2000x128xf32, #tpu.memory_space<vmem>>, vector<1x2000x128xf32>
    %get3A_8 = vector.shape_cast %get3A_7 : vector<1x2000x128xf32> to vector<2000x128xf32>
    %add3A = arith.addf %get3A_3, %get3A_8 : vector<2000x128xf32>
    %get3A_9 = arith.constant 0 : index
    %get3A_10 = arith.constant 0 : index
    %get3A_11 = vector.load %arg3[%get3A_9, %get3A_10] : memref<2000x1xf32, #tpu.memory_space<vmem>>, vector<2000x1xf32>
    %mul3A = vector.broadcast %get3A_11 : vector<2000x1xf32> to vector<2000x128xf32>
    %mul3A_12 = arith.mulf %add3A, %mul3A : vector<2000x128xf32>
    %get3A_13 = arith.constant 0 : index
    %get3A_14 = arith.constant 0 : index
    %get3A_15 = vector.load %arg1[%get3A_13, %get3A_14] : memref<2000x128xf32, #tpu.memory_space<vmem>>, vector<2000x128xf32>
    %get3A_16 = arith.constant 0 : index
    %get3A_17 = arith.constant 0 : index
    %get3A_18 = vector.load %arg4[%get3A_16, %get3A_17] : memref<128x128xf32, #tpu.memory_space<vmem>>, vector<128x128xf32>
    %dot_general3A = arith.constant dense<0.000000e+00> : vector<2000x128xf32>
    %dot_general3A_19 = tpu.matmul %get3A_15, %get3A_18, %dot_general3A {dimension_numbers = #tpu.dot_dimension_numbers<[1], [0], [0], [1], [0, 0, 1, 1], [], []>, transpose_lhs_hint = false} : vector<2000x128xf32>, vector<128x128xf32>, vector<2000x128xf32> -> vector<2000x128xf32>
    %get3A_20 = arith.constant 0 : index
    %get3A_21 = arith.constant 0 : index
    %get3A_22 = vector.load %arg5[%get3A_20, %get3A_21] : memref<128x128xf32, #tpu.memory_space<vmem>>, vector<128x128xf32>
    %dot_general3A_23 = arith.constant dense<0.000000e+00> : vector<2000x128xf32>
    %dot_general3A_24 = tpu.matmul %mul3A_12, %get3A_22, %dot_general3A_23 {dimension_numbers = #tpu.dot_dimension_numbers<[1], [0], [0], [1], [0, 0, 1, 1], [], []>, transpose_lhs_hint = false} : vector<2000x128xf32>, vector<128x128xf32>, vector<2000x128xf32> -> vector<2000x128xf32>
    %add3A_25 = arith.addf %dot_general3A_19, %dot_general3A_24 : vector<2000x128xf32>
    %get3A_26 = arith.constant 0 : index
    %get3A_27 = arith.constant 0 : index
    %get3A_28 = vector.load %arg6[%get3A_26, %get3A_27] : memref<1x128xf32, #tpu.memory_space<vmem>>, vector<1x128xf32>
    %add3A_29 = vector.broadcast %get3A_28 : vector<1x128xf32> to vector<2000x128xf32>
    %add3A_30 = arith.addf %add3A_25, %add3A_29 : vector<2000x128xf32>
    %swap3A = arith.constant 0 : index
    %swap3A_31 = arith.constant 0 : index
    %swap3A_32 = vector.load %arg7[%swap3A, %swap3A_31] : memref<2000x128xf32, #tpu.memory_space<vmem>>, vector<2000x128xf32>
    tpu.vector_store %arg7[%swap3A, %swap3A_31], %add3A_30 {strides = array<i32>} : memref<2000x128xf32, #tpu.memory_space<vmem>>, vector<2000x128xf32>,
    return
  }
  func.func @transform_0(%arg0: i32) -> (i32, i32) {
    %c0_i32 = arith.constant 0 : i32
    %c0_i32_0 = arith.constant 0 : i32
    return %arg0, %c0_i32 : i32, i32
  }
  func.func @transform_1(%arg0: i32) -> (i32, i32, i32) {
    %c0_i32 = arith.constant 0 : i32
    %c0_i32_0 = arith.constant 0 : i32
    %c0_i32_1 = arith.constant 0 : i32
    return %c0_i32, %arg0, %c0_i32_0 : i32, i32, i32
  }
  func.func @transform_2(%arg0: i32) -> (i32, i32) {
    %c0_i32 = arith.constant 0 : i32
    %c0_i32_0 = arith.constant 0 : i32
    return %arg0, %c0_i32 : i32, i32
  }
  func.func @transform_3(%arg0: i32) -> (i32, i32) {
    %c0_i32 = arith.constant 0 : i32
    %c0_i32_0 = arith.constant 0 : i32
    %c0_i32_1 = arith.constant 0 : i32
    return %c0_i32, %c0_i32_0 : i32, i32
  }
  func.func @transform_4(%arg0: i32) -> (i32, i32) {
    %c0_i32 = arith.constant 0 : i32
    %c0_i32_0 = arith.constant 0 : i32
    %c0_i32_1 = arith.constant 0 : i32
    return %c0_i32, %c0_i32_0 : i32, i32
  }
  func.func @transform_5(%arg0: i32) -> (i32, i32) {
    %c0_i32 = arith.constant 0 : i32
    %c0_i32_0 = arith.constant 0 : i32
    %c0_i32_1 = arith.constant 0 : i32
    return %c0_i32, %c0_i32_0 : i32, i32
  }
  func.func @transform_6(%arg0: i32) -> (i32, i32) {
    %c0_i32 = arith.constant 0 : i32
    %c0_i32_0 = arith.constant 0 : i32
    return %arg0, %c0_i32 : i32, i32
  }
}

</mosaic_0001>

<sc_bundles>
// kernel: kernel.11.cloned.1.call-start
scs
__scs_entry_jumppad:
0x0: {  	(pc) =	sbr.rel $0x88, $3  }
0x1: {  	(tag) =	ssettag $0x0;
	lr =	simm.s32 $0x1  }
0x2: {  	[smem:$0x3F9C] =	sst lr;
	_ =	strace $0xD0000000  }
0x3: {  	_ = 	snop  }
0x4: {  	_ = 	snop  }
0x5: {  	_ = 	snop  }
0x6: {  	_ = 	snop  }
0x7: {  	_ = 	snop  }
__scs_overlays_trampoline_lowered:
0x8: {  	[smem:$0x3FAB] =	sst s0  }
0x9: {  	[smem:$0x3FAC] =	sst s1  }
0xa: {  	[smem:$0x3FAD] =	sst s2  }
0xb: {  	[smem:$0x3FAE] =	sst s3  }
0xc: {  	[smem:$0x3FAF] =	sst s4  }
0xd: {  	[smem:$0x3FB0] =	sst s5  }
0xe: {  	[smem:$0x3FB1] =	sst s6  }
0xf: {  	[smem:$0x3FB2] =	sst s7  }
0x10: {  	[smem:$0x3FB3] =	sst s8  }
0x11: {  	[smem:$0x3FB4] =	sst s9;
	s0 =	simm.s32 @!p0 $0x0  }
0x12: {  	s1 =	sld [smem:$0x3F9A];
	s0 =	simm.s32 @p0 $0x1  }
0x13: {  	[smem:$0x3FB5] =	sst s0;
	s0 =	simm.s32 @!p1 $0x0  }
0x14: {  	s2 =	sld [smem:$0x3F99];
	s0 =	simm.s32 @p1 $0x1  }
0x15: {  	[smem:$0x3FB6] =	sst s0;
	s0 =	simm.s32 @!p2 $0x0  }
0x16: {  	s3 =	sld [smem:$0x3FDB];
	s0 =	simm.s32 @p2 $0x1  }
0x17: {  	s4 =	simm.s32 $0x1BF5;
	[smem:$0x3FB8] =	sst s0  }
0x18: {  	s0 =	sld [smem:$0x3F9B];
	_ =	swait.ge [sflag:s4], $0x0  }
0x19: {  	s7 =	sld [smem:$0x3F9C]  }
0x1a: {  	s8 =	sadd.s32 $0xFFFFE003, lr  }
0x1b: {  	s9 =	sadd.s32 $0xFFFFFEF7, lr;
	s5 =	simm.s32 $0xFFFFFFFF;
	p2 =	slt.u32 s8, $0xFFFFF086  }
0x1c: {  	p1 =	slt.u32 s9, $0xF7A;
	s5 =	simm.s32 @!p2 $0x0  }
0x1d: {  	s5 =	simm.s32 @p1 $0x1;
	p0 =	seq.s32 s7, s2  }
0x1e: {  	s7 =	smul.u32 @!p0 $0xF7A, s2;
	p2 =	seq.s32 @!p0 s5, $0x0  }
0x1f: {  	s9 =	smul.u32 $0xF7A, s1;
	s8 =	simm.s32 @!p0 $0x1BF5;
	p2 =	por !p2, p0  }
0x20: {  	[sflag:s8] =	ssyncset.s32 @!p0 $0xFFFFF086;
	s6 =	sadd.s32 @!p0 s3, s7;
	s7 =	simm.s32 @!p0 $0x108  }
0x21: {  	s3 =	sadd.s32 s3, s9;
	s6 =	sadd.s32 @!p0 $0x88, s6;
	s7 =	simm.s32 @p2 $0x1082  }
0x22: {  	[simem:s7], [sflag:s8] =	dma.local @!p0 [hbm:s6], $0xF7A  }
0x23: {  	s9 =	sor.u32 $0xD0000000, s2;
	s6 =	simm.s32 $0x108;
	_ =	swait.ge @!p0 [sflag:s8], $0x0  }
0x24: {  	s3 =	sadd.s32 $0x88, s3;
	s6 =	simm.s32 @!p1 $0x1082;
	[sflag:s4] =	ssyncset.s32 $0xFFFFF086  }
0x25: {  	[simem:s6], [sflag:s4] =	dma.local [hbm:s3], $0xF7A  }
0x26: {  	[smem:$0x3F9C] =	sst s1;
	(tag) =	ssettag s2;
	_ =	strace s9  }
0x27: {  	s1 =	sld [smem:$0x3FAC]  }
0x28: {  	s2 =	sld [smem:$0x3FAD]  }
0x29: {  	s4 =	sld [smem:$0x3FAF]  }
0x2a: {  	p0 =	seq.s32 s5, $0x0;
	s5 =	sld [smem:$0x3FB0]  }
0x2b: {  	s6 =	sld [smem:$0x3FB1]  }
0x2c: {  	s7 =	sld [smem:$0x3FB2]  }
0x2d: {  	s3 =	simm.s32 $0x108;
	s8 =	sld [smem:$0x3FB3]  }
0x2e: {  	s3 =	simm.s32 @!p0 $0x1082;
	s9 =	sld [smem:$0x3FB4]  }
0x2f: {  	lr =	sadd.s32 s0, s3;
	s0 =	sld [smem:$0x3FAB]  }
0x30: {  	s3 =	sld [smem:$0x3FAE]  }
0x31: {  	[smem:$0x3FB7] =	sst s10  }
0x32: {  	s10 =	sld [smem:$0x3FB5];
	_ =	sdelay $0x3  }
0x33: {  	p0 =	seq.s32 s10, $0x1;
	s10 =	sld [smem:$0x3FB7];
	_ =	sdelay $0x3  }
0x34: {  	[smem:$0x3FB7] =	sst s10  }
0x35: {  	s10 =	sld [smem:$0x3FB6];
	_ =	sdelay $0x3  }
0x36: {  	p1 =	seq.s32 s10, $0x1;
	s10 =	sld [smem:$0x3FB7];
	_ =	sdelay $0x3  }
0x37: {  	[smem:$0x3FB7] =	sst s10  }
0x38: {  	s10 =	sld [smem:$0x3FB8]  }
0x39: {  	_ = 	snop;
	(pc) =	sbr.ind lr, $3  }
0x3a: {  	_ = 	snop  }
0x3b: {  	_ = 	snop  }
0x3c: {  	p2 =	seq.s32 s10, $0x1;
	s10 =	sld [smem:$0x3FB7]  }
0x3d: {  	_ =	shalt  }
0x3e: {  	_ =	shalt  }
0x3f: {  	_ =	shalt  }
0x40: {  	_ =	shalt  }
0x41: {  	_ =	shalt  }
0x42: {  	_ =	shalt  }
0x43: {  	_ =	shalt  }
0x44: {  	_ =	shalt  }
0x45: {  	_ =	shalt  }
0x46: {  	_ =	shalt  }
0x47: {  	_ =	shalt  }
0x48: {  	_ =	shalt  }
0x49: {  	_ =	shalt  }
0x4a: {  	_ =	shalt  }
0x4b: {  	_ =	shalt  }
0x4c: {  	_ =	shalt  }
0x4d: {  	_ =	shalt  }
0x4e: {  	_ =	shalt  }
0x4f: {  	_ =	shalt  }
0x50: {  	_ =	shalt  }
0x51: {  	_ =	shalt  }
0x52: {  	_ =	shalt  }
0x53: {  	_ =	shalt  }
0x54: {  	_ =	shalt  }
0x55: {  	_ =	shalt  }
0x56: {  	_ =	shalt  }
0x57: {  	_ =	shalt  }
0x58: {  	_ =	shalt  }
0x59: {  	_ =	shalt  }
0x5a: {  	_ =	shalt  }
0x5b: {  	_ =	shalt  }
0x5c: {  	_ =	shalt  }
0x5d: {  	_ =	shalt  }
0x5e: {  	_ =	shalt  }
0x5f: {  	_ =	shalt  }
0x60: {  	_ =	shalt  }
0x61: {  	_ =	shalt  }
0x62: {  	_ =	shalt  }
0x63: {  	_ =	shalt  }
0x64: {  	_ =	shalt  }
0x65: {  	_ =	shalt  }
0x66: {  	_ =	shalt  }
0x67: {  	_ =	shalt  }
0x68: {  	_ =	shalt  }
0x69: {  	_ =	shalt  }
0x6a: {  	_ =	shalt  }
0x6b: {  	_ =	shalt  }
0x6c: {  	_ =	shalt  }
0x6d: {  	_ =	shalt  }
0x6e: {  	_ =	shalt  }
0x6f: {  	_ =	shalt  }
0x70: {  	_ =	shalt  }
0x71: {  	_ =	shalt  }
0x72: {  	_ =	shalt  }
0x73: {  	_ =	shalt  }
0x74: {  	_ =	shalt  }
0x75: {  	_ =	shalt  }
0x76: {  	_ =	shalt  }
0x77: {  	_ =	shalt  }
0x78: {  	_ =	shalt  }
0x79: {  	_ =	shalt  }
0x7a: {  	_ =	shalt  }
0x7b: {  	_ =	shalt  }
0x7c: {  	_ =	shalt  }
0x7d: {  	_ =	shalt  }
0x7e: {  	_ =	shalt  }
0x7f: {  	_ =	shalt  }
0x80: {  	_ =	shalt  }
0x81: {  	_ =	shalt  }
0x82: {  	_ =	shalt  }
0x83: {  	_ =	shalt  }
0x84: {  	_ =	shalt  }
0x85: {  	_ =	shalt  }
0x86: {  	_ =	shalt  }
0x87: {  	_ =	shalt  }
.Lfunc_end0:
.L_simem_size_0:
called_computation.1_lowered:
.L_overlay_start_0:
0x88: {  	s2 =	sld [smem:$0x3FD9]  }
0x89: {  	s3 =	sld [smem:$0x3FFE];
	_ =	sdelay $0x1  }
0x8a: {  	s1 =	srdreg.scid  }
0x8b: {  	s0 =	sand.u32 $0x1, s1  }
0x8c: {  	s17 =	sshll.u32 s0, $0xA;
	s2 =	sadd.s32 s3, s2  }
0x8d: {  	s2 =	sadd.s32 s2, s17  }
0x8e: {  	[smem:$0x3FC3] =	sst s2  }
0x8f: {  	_ = 	snop  }
0x90: {  	s2 =	sld [smem:$0x3FD0];
	(tm) =	ssettm $0x1  }
0x91: {  	s18 =	sld [smem:$0x3FFB];
	_ =	sdelay $0x3  }
0x92: {  	_ =	strace s18  }
0x93: {  	s3 =	sld [smem:$0x3FFC];
	_ =	sdelay $0x3  }
0x94: {  	_ =	strace s3  }
0x95: {  	s3 =	sld [smem:$0x3FFD];
	_ =	sdelay $0x3  }
0x96: {  	_ =	strace s3  }
0x97: {  	_ =	strace $0x8FFFFFFF  }
0x98: {  	s19 =	sld [smem:$0x3FDB];
	_ =	sdelay $0x1  }
0x99: {  	s4 =	simm.s32 $_scs_section_size  }
0x9a: {  	s5 =	simm.s32 $_size__tile_overlayer_lowered;
	s6 =	simm.s32 $_tile_overlayer_lowered  }
0x9b: {  	s22 =	simm.s32 $0x1BFF;
	s21 =	sshll.u32 s6, $0x1;
	s3 =	sadd.s32 s4, s19  }
0x9c: {  	s7 =	simm.s32 $0x0;
	s20 =	sshll.u32 s5, $0x1;
	s5 =	sadd.s32 s21, s3  }
0x9d: {  	[timem:s7], [sflag:s22] =	dma.local [hbm:s5], s20  }
0x9e: {  	_ =	swait.ge [sflag:s22], s20  }
0x9f: {  	s4 =	ssub.s32 $0x0, s20;
	[sflag:s22] =	ssyncset.done $0x0  }
0xa0: {  	[sflag:s22] =	ssyncadd.s32 s4;
	_ =	sdelay $0x1  }
0xa1: {  	s23 =	simm.s32 $0x1B8B  }
0xa2: {  	_ =	swait.ge [sflag:s23], $0x1  }
0xa3: {  	[sflag:s23] =	ssyncset.done $0x0  }
0xa4: {  	s25 =	simm.s32 $0x1B8E;
	s24 =	sld [smem:$0x3FFE];
	[sflag:s23] =	ssyncadd.s32 $0xFFFFFFFF  }
0xa5: {  	s26 =	simm.s32 $execute0_lowered;
	[smem:$0x3FD2] =	sst s25  }
0xa6: {  	s5 =	sshll.u32 s26, $0x1;
	_ =	strace $0x80000049;
	[dreg:$0x1] =	wrdreg $0xFFFFFFFF  }
0xa7: {  	s28 =	simm.s32 $_size_execute0_lowered;
	s3 =	sadd.s32 s3, s5;
	[dreg:$0x0] =	wrdreg $0x0  }
0xa8: {  	s5 =	sshll.u32 s28, $0x1;
	[dreg:$0x2] =	wrdreg s3  }
0xa9: {  	[dreg:$0x3] =	wrdreg s5  }
0xaa: {  	[dreg:$0x4] =	wrdreg $0xC0  }
0xab: {  	_ =	task [dreg:s7], $0x5FFFF  }
0xac: {  	[dreg:$0x1] =	wrdreg $0xFFFFFFFF  }
0xad: {  	[dreg:$0x0] =	wrdreg $0x60  }
0xae: {  	[dreg:$0x2] =	wrdreg s2  }
0xaf: {  	[dreg:$0x3] =	wrdreg s24  }
0xb0: {  	[dreg:$0x4] =	wrdreg $0xC7000  }
0xb1: {  	[dreg:$0x5] =	wrdreg $0x9  }
0xb2: {  	_ =	task.clear_ibuf [dreg:s7], $0x6FFFF;
	_ =	strace $0x90000049  }
0xb3: {  	s29 =	simm.s32 $0x9;
	_ =	strace $0x8000004B  }
0xb4: {  	_ =	swait.ge [sflag:s29], $0x1  }
0xb5: {  	[sflag:s29] =	ssyncadd.s32 $0xFFFFFFFF  }
0xb6: {  	_ =	strace $0x9000004B  }
0xb7: {  	_ =	sfence  }
0xb8: {  	s30 =	sld [smem:$0x0];
	_ =	sdelay $0x2  }
0xb9: {  	s31 =	sshll.u32 s1, $0xD;
	s1 =	sshrl.u32 s1, $0x2  }
0xba: {  	s3 =	sand.u32 $0x4000, s31;
	s1 =	sadd.s32 s1, s30  }
0xbb: {  	s0 =	sor.u32 s3, s0;
	s1 =	sshll.u32 s1, $0x11  }
0xbc: {  	s0 =	sor.u32 s1, s0  }
0xbd: {  	s0 =	sadd.s32 $0x8F2B, s0  }
0xbe: {  	[sflag:s0] =	ssyncadd.remote.s32 $0x1  }
0xbf: {  	_ =	sfence.sel $0xFFFF  }
0xc0: {  	[dreg:$0x0] =	wrdreg $0xFFFFFFFF;
	(pc) =	sbr.abs _section_cstart, $3  }
0xc1: {  	[dreg:$0x1] =	wrdreg $0xFFFFFFFF  }
0xc2: {  	_ =	task.clear_ibuf [dreg:s7], $0x2FFFF;
	_ =	strace $0x9FFFFFFF  }
0xc3: {  	(tm) =	ssettm $0x7FFFFFFF  }
tec
execute0_lowered:
.L_overlay_start_1:
0x0: {  	(tag) =	ssettag $0x1  }
0x1: {  	s1 =	rddreg [dreg:$0x0]  }
0x2: {  	s0 =	rddreg [dreg:$0x1];
	s2 =	srdreg.scid  }
0x3: {  	s20 =	stileid.u32;
	s3 =	rddreg [dreg:$0x2]  }
0x4: {  	s4 =	simm.s32 $0x0;
	s19 =	simm.s32 $0x2780;
	s21 =	simm.s32 $0x4  }
0x5: {  	s22 =	simm.s32 $0x1;
	s23 =	simm.s32 $0x2;
	s24 =	simm.s32 $0x50  }
0x6: {  	s28 =	simm.s32 $0x9F00;
	s31 =	simm.s32 $0x5;
	s29 =	simm.s32 $0x6  }
0x7: {  	s30 =	simm.s32 $0x0;
	s2 =	sand.u32 $0x1, s2;
	s8 =	smul.u32 $0x13800, s20  }
0x8: {  	s5 =	sshll.u32 s20, $0x1;
	[smem:$0x7FF] =	sst s4;
	s9 =	smul.u32 $0x4E000, s20  }
0x9: {  	p0 =	sne.s32 s20, $0xF;
	s20 =	simm.s32 $0x4F00;
	s5 =	sor.u32 s2, s5  }
0xa: {  	_ =	strace $0x8000004A;
	s6 =	ssub.s32 $0x2, s2;
	s2 =	smul.u32 $0x138800, s2  }
0xb: {  	s5 =	smul.u32 $0x4E2, s5;
	s7 =	sshrl.u32 s6, $0x1;
	s9 =	sshrl.u32 s9, $0x2  }
0xc: {  	s6 =	ssub.s32 s6, s7;
	s7 =	sadd.s32 $0x138000, s3;
	s26 =	sadd.s32 s8, s2  }
0xd: {  	s2 =	sshrl.u32 s2, $0x3;
	s9 =	sadd.s32 s9, s3;
	s5 =	sadd.s32 s5, s0  }
0xe: {  	s0 =	sadd.s32 $0x15E00, s0;
	s11 =	smax.u32 s6, $0x1;
	s12 =	sadd.s32 $0x2700, s9  }
0xf: {  	s13 =	sadd.s32 $0x4E00, s9;
	s14 =	sadd.s32 $0x7500, s9;
	s15 =	sadd.s32 $0x9C00, s9  }
0x10: {  	s16 =	sadd.s32 $0xC300, s9;
	s17 =	sadd.s32 $0xEA00, s9;
	s25 =	sadd.s32 $0xC000, s5  }
0x11: {  	s18 =	sadd.s32 $0x11100, s9;
	s5 =	sadd.s32 $0x2200, s5;
	[dreg:$0x4] =	wrdreg s25  }
0x12: {  	[dreg:$0x5] =	wrdreg s5;
	s5 =	sshrl.u32 s26, $0x3;
	s25 =	simm.s32 $0x7700  }
0x13: {  	s26 =	simm.s32 $0x7;
	s5 =	sadd.s32 s0, s5;
	s0 =	sadd.s32 s0, s2  }
0x14: {  	v0 =	vimm.f32 $0.0e+00;
	[dreg:$0x6] =	wrdreg s5;
	s10 =	sadd.s32 $0x27000, s0;
	s0 =	simm.s32 $0x3  }
.LBB2_1:
0x15: {  	s2 =	rddreg [dreg:$0x4]  }
0x16: {  	[tilespmem:s4], [sflag:$0x1] =	stream.linear.gather [hbm4b:s2+s4], $0x2710, $0x38;
	[tilespmem:$0x1FF80] =	vst v63  }
0x17: {  	s6 =	rddreg [dreg:$0x5];
	s8 =	sand.u32 $0xFE00, s4  }
0x18: {  	[tilespmem:s19], [sflag:$0x2] =	stream.linear.gather [hbm4b:s6+s4], $0x2710, $0x38;
	[tilespmem:$0x1FF80] =	vst v63  }
0x19: {  	s5 =	sand.u32 $0x70, s4;
	s6 =	sshrl.u32 s8, $0x2  }
0x1a: {  	s2 =	simm.s32 $0x40;
	s6 =	sor.u32 s5, s6;
	s5 =	simm.s32 $0x0  }
.LBB2_2:
0x1b: {  	p1 =	sne.s32 s2, $0x9BC0  }
0x1c: {  	[tilespmem:s6+$0x4F00] =	vst v0;
	s5 =	sadd.s32 $0x10, s5;
	s6 =	smov.u32 s2;
	s2 =	sadd.s32 $0x40, s2  }
.Ltmp0:
0x1d: {  	(pc) =	sbr.rel @p1 .LBB2_2-.Ltmp0, $4  }
0x1e: {  	_ = 	snop  }
0x1f: {  	s6 =	sand.u32 $0xFE00, s6  }
0x20: {  	s8 =	sand.u32 $0x70, s5;
	s6 =	sshrl.u32 s6, $0x2  }
0x21: {  	s6 =	sor.u32 s8, s6  }
0x22: {  	[tilespmem:s6+$0x4F00] =	vst v0  }
0x23: {  	[spmem:s9] =	stream.linear.scatter [tilespmem:s20], [sflag:$0x4], $0x2700, $0x38;
	[tilespmem:$0x1FF80] =	vst v63  }
0x24: {  	_ = 	snop  }
0x25: {  	[spmem:s12] =	stream.linear.scatter [tilespmem:s20], [sflag:$0x4], $0x2700, $0x38;
	[tilespmem:$0x1FF80] =	vst v63  }
0x26: {  	_ = 	snop  }
0x27: {  	[spmem:s13] =	stream.linear.scatter [tilespmem:s20], [sflag:$0x4], $0x2700, $0x38;
	[tilespmem:$0x1FF80] =	vst v63  }
0x28: {  	_ = 	snop  }
0x29: {  	[spmem:s14] =	stream.linear.scatter [tilespmem:s20], [sflag:$0x4], $0x2700, $0x38;
	[tilespmem:$0x1FF80] =	vst v63  }
0x2a: {  	_ = 	snop  }
0x2b: {  	[spmem:s15] =	stream.linear.scatter [tilespmem:s20], [sflag:$0x4], $0x2700, $0x38;
	[tilespmem:$0x1FF80] =	vst v63  }
0x2c: {  	_ = 	snop  }
0x2d: {  	[spmem:s16] =	stream.linear.scatter [tilespmem:s20], [sflag:$0x4], $0x2700, $0x38;
	[tilespmem:$0x1FF80] =	vst v63  }
0x2e: {  	_ = 	snop  }
0x2f: {  	[spmem:s17] =	stream.linear.scatter [tilespmem:s20], [sflag:$0x4], $0x2700, $0x38;
	[tilespmem:$0x1FF80] =	vst v63  }
0x30: {  	_ = 	snop  }
0x31: {  	[spmem:s18] =	stream.linear.scatter [tilespmem:s20], [sflag:$0x4], $0x2700, $0x38;
	[tilespmem:$0x1FF80] =	vst v63  }
0x32: {  	s2 =	simm.s32 @!p0 $0x4F00  }
0x33: {  	[spmem:s7] =	stream.linear.scatter @!p0 [tilespmem:s2], [sflag:$0x5], $0x800, $0x38;
	[tilespmem:$0x1FF80] =	vst v63  }
0x34: {  	_ =	swait.ge [sflag:s21], $0x2700  }
0x35: {  	[sflag:s21] =	ssyncset.done $0x0  }
0x36: {  	[sflag:s21] =	ssyncadd.s32 $0xFFFFD900  }
0x37: {  	_ =	swait.ge [sflag:s21], $0x2700  }
0x38: {  	[sflag:s21] =	ssyncset.done $0x0  }
0x39: {  	[sflag:s21] =	ssyncadd.s32 $0xFFFFD900  }
0x3a: {  	_ =	swait.ge [sflag:s21], $0x2700  }
0x3b: {  	[sflag:s21] =	ssyncset.done $0x0  }
0x3c: {  	[sflag:s21] =	ssyncadd.s32 $0xFFFFD900  }
0x3d: {  	_ =	swait.ge [sflag:s21], $0x2700  }
0x3e: {  	[sflag:s21] =	ssyncset.done $0x0  }
0x3f: {  	[sflag:s21] =	ssyncadd.s32 $0xFFFFD900  }
0x40: {  	_ =	swait.ge [sflag:s21], $0x2700  }
0x41: {  	[sflag:s21] =	ssyncset.done $0x0  }
0x42: {  	[sflag:s21] =	ssyncadd.s32 $0xFFFFD900  }
0x43: {  	_ =	swait.ge [sflag:s21], $0x2700  }
0x44: {  	[sflag:s21] =	ssyncset.done $0x0  }
0x45: {  	[sflag:s21] =	ssyncadd.s32 $0xFFFFD900  }
0x46: {  	_ =	swait.ge [sflag:s21], $0x2700  }
0x47: {  	[sflag:s21] =	ssyncset.done $0x0  }
0x48: {  	[sflag:s21] =	ssyncadd.s32 $0xFFFFD900  }
0x49: {  	_ =	swait.ge [sflag:s21], $0x2700  }
0x4a: {  	[sflag:s21] =	ssyncset.done $0x0  }
0x4b: {  	s2 =	simm.s32 @!p0 $0x5;
	[sflag:s21] =	ssyncadd.s32 $0xFFFFD900  }
0x4c: {  	_ =	swait.ge @!p0 [sflag:s2], $0x800  }
0x4d: {  	[sflag:s2] =	ssyncset.done @!p0 $0x0  }
0x4e: {  	[sflag:s2] =	ssyncadd.s32 @!p0 $0xFFFFF800  }
0x4f: {  	_ =	swait.ge [sflag:s22], $0x2710  }
0x50: {  	[sflag:s22] =	ssyncset.done $0x0  }
0x51: {  	[sflag:s22] =	ssyncadd.s32 $0xFFFFD8F0  }
0x52: {  	_ =	swait.ge [sflag:s23], $0x2710  }
0x53: {  	[sflag:s23] =	ssyncset.done $0x0  }
0x54: {  	[sflag:s23] =	ssyncadd.s32 $0xFFFFD8F0  }
0x55: {  	s6 =	simm.s32 $0x0;
	[bflag:$0x0] =	sbarrier.arrive $0xFFFF  }
0x56: {  	[tilespmem:s20], [sflag:$0x1] =	stream.indirect.gather [hbm4b:s1+s24], $0x80, s6, s24, $0xb8;
	[tilespmem:$0x1FF80] =	vst v63  }
0x57: {  	_ = 	snop  }
0x58: {  	[tilespmem:s25], [sflag:$0x2] =	stream.indirect.gather [hbm4b:s1+s24], $0x80, s24, s24, $0xb8;
	[tilespmem:$0x1FF80] =	vst v63  }
0x59: {  	s8 =	simm.s32 $0xA0  }
0x5a: {  	[tilespmem:s28], [sflag:$0x3] =	stream.indirect.gather [hbm4b:s1+s24], $0x80, s8, s24, $0xb8;
	[tilespmem:$0x1FF80] =	vst v63  }
0x5b: {  	_ =	swait.ge [sflag:s22], $0x2800  }
0x5c: {  	[sflag:s22] =	ssyncset.done $0x0  }
0x5d: {  	[sflag:s22] =	ssyncadd.s32 $0xFFFFD800  }
0x5e: {  	[spmem:s3] =	stream.indirect.scatter.add.f32 [tilespmem:s20], [sflag:$0x4], $0x80, s19, s24, $0xb8;
	[tilespmem:$0x1FF80] =	vst v63  }
0x5f: {  	_ =	swait.ge [sflag:s21], $0x2800  }
0x60: {  	[sflag:s21] =	ssyncset.done $0x0  }
0x61: {  	s5 =	simm.s32 $0xF0;
	[sflag:s21] =	ssyncadd.s32 $0xFFFFD800  }
0x62: {  	[tilespmem:s20], [sflag:$0x1] =	stream.indirect.gather [hbm4b:s1+s24], $0x80, s5, s24, $0xb8;
	[tilespmem:$0x1FF80] =	vst v63  }
0x63: {  	_ =	swait.ge [sflag:s23], $0x2800  }
0x64: {  	[sflag:s23] =	ssyncset.done $0x0  }
0x65: {  	s6 =	simm.s32 $0x27D0;
	[sflag:s23] =	ssyncadd.s32 $0xFFFFD800  }
0x66: {  	[spmem:s3] =	stream.indirect.scatter.add.f32 [tilespmem:s25], [sflag:$0x5], $0x80, s6, s24, $0xb8;
	[tilespmem:$0x1FF80] =	vst v63  }
0x67: {  	_ =	swait.ge [sflag:s31], $0x2800  }
0x68: {  	[sflag:s31] =	ssyncset.done $0x0  }
0x69: {  	s8 =	simm.s32 $0x140;
	[sflag:s31] =	ssyncadd.s32 $0xFFFFD800  }
0x6a: {  	[tilespmem:s25], [sflag:$0x2] =	stream.indirect.gather [hbm4b:s1+s24], $0x80, s8, s24, $0xb8;
	[tilespmem:$0x1FF80] =	vst v63  }
0x6b: {  	_ =	swait.ge [sflag:s0], $0x2800  }
0x6c: {  	[sflag:s0] =	ssyncset.done $0x0  }
0x6d: {  	s5 =	simm.s32 $0x2820;
	[sflag:s0] =	ssyncadd.s32 $0xFFFFD800  }
0x6e: {  	[spmem:s3] =	stream.indirect.scatter.add.f32 [tilespmem:s28], [sflag:$0x6], $0x80, s5, s24, $0xb8;
	[tilespmem:$0x1FF80] =	vst v63  }
0x6f: {  	_ =	swait.ge [sflag:s29], $0x2800  }
0x70: {  	[sflag:s29] =	ssyncset.done $0x0  }
0x71: {  	s6 =	simm.s32 $0x190;
	[sflag:s29] =	ssyncadd.s32 $0xFFFFD800  }
0x72: {  	[tilespmem:s28], [sflag:$0x3] =	stream.indirect.gather [hbm4b:s1+s24], $0x80, s6, s24, $0xb8;
	[tilespmem:$0x1FF80] =	vst v63  }
0x73: {  	_ =	swait.ge [sflag:s22], $0x2800  }
0x74: {  	[sflag:s22] =	ssyncset.done $0x0  }
0x75: {  	s8 =	simm.s32 $0x2870;
	[sflag:s22] =	ssyncadd.s32 $0xFFFFD800  }
0x76: {  	[spmem:s3] =	stream.indirect.scatter.add.f32 [tilespmem:s20], [sflag:$0x4], $0x80, s8, s24, $0xb8;
	[tilespmem:$0x1FF80] =	vst v63  }
0x77: {  	_ =	swait.ge [sflag:s21], $0x2800  }
0x78: {  	[sflag:s21] =	ssyncset.done $0x0  }
0x79: {  	s5 =	simm.s32 $0x1E0;
	[sflag:s21] =	ssyncadd.s32 $0xFFFFD800  }
0x7a: {  	[tilespmem:s20], [sflag:$0x1] =	stream.indirect.gather [hbm4b:s1+s24], $0x80, s5, s24, $0xb8;
	[tilespmem:$0x1FF80] =	vst v63  }
0x7b: {  	_ =	swait.ge [sflag:s23], $0x2800  }
0x7c: {  	[sflag:s23] =	ssyncset.done $0x0  }
0x7d: {  	s6 =	simm.s32 $0x28C0;
	[sflag:s23] =	ssyncadd.s32 $0xFFFFD800  }
0x7e: {  	[spmem:s3] =	stream.indirect.scatter.add.f32 [tilespmem:s25], [sflag:$0x5], $0x80, s6, s24, $0xb8;
	[tilespmem:$0x1FF80] =	vst v63  }
0x7f: {  	_ =	swait.ge [sflag:s31], $0x2800  }
0x80: {  	[sflag:s31] =	ssyncset.done $0x0  }
0x81: {  	s8 =	simm.s32 $0x230;
	[sflag:s31] =	ssyncadd.s32 $0xFFFFD800  }
0x82: {  	[tilespmem:s25], [sflag:$0x2] =	stream.indirect.gather [hbm4b:s1+s24], $0x80, s8, s24, $0xb8;
	[tilespmem:$0x1FF80] =	vst v63  }
0x83: {  	_ =	swait.ge [sflag:s0], $0x2800  }
0x84: {  	[sflag:s0] =	ssyncset.done $0x0  }
0x85: {  	s2 =	simm.s32 $0x3C0;
	s5 =	simm.s32 $0x2910;
	[sflag:s0] =	ssyncadd.s32 $0xFFFFD800  }
.LBB2_4:
0x86: {  	[spmem:s3] =	stream.indirect.scatter.add.f32 [tilespmem:s28], [sflag:$0x6], $0x80, s5, s24, $0xb8;
	[tilespmem:$0x1FF80] =	vst v63  }
0x87: {  	s5 =	smov.u32 s2  }
0x88: {  	p1 =	sne.s32 s2, $0x9240;
	s2 =	sadd.s32 $0x3C0, s2;
	_ =	swait.ge [sflag:s29], $0x2800  }
0x89: {  	s5 =	sshra.s32 s5, $0x2;
	[sflag:s29] =	ssyncset.done $0x0  }
0x8a: {  	s6 =	sadd.s32 $0x190, s5;
	[sflag:s29] =	ssyncadd.s32 $0xFFFFD800  }
0x8b: {  	[tilespmem:s28], [sflag:$0x3] =	stream.indirect.gather [hbm4b:s1+s24], $0x80, s6, s24, $0xb8;
	[tilespmem:$0x1FF80] =	vst v63  }
0x8c: {  	_ =	swait.ge [sflag:s22], $0x2800  }
0x8d: {  	[sflag:s22] =	ssyncset.done $0x0  }
0x8e: {  	s6 =	sadd.s32 $0x2870, s5;
	[sflag:s22] =	ssyncadd.s32 $0xFFFFD800  }
0x8f: {  	[spmem:s3] =	stream.indirect.scatter.add.f32 [tilespmem:s20], [sflag:$0x4], $0x80, s6, s24, $0xb8;
	[tilespmem:$0x1FF80] =	vst v63  }
0x90: {  	_ =	swait.ge [sflag:s21], $0x2800  }
0x91: {  	[sflag:s21] =	ssyncset.done $0x0  }
0x92: {  	s6 =	sadd.s32 $0x1E0, s5;
	[sflag:s21] =	ssyncadd.s32 $0xFFFFD800  }
0x93: {  	[tilespmem:s20], [sflag:$0x1] =	stream.indirect.gather [hbm4b:s1+s24], $0x80, s6, s24, $0xb8;
	[tilespmem:$0x1FF80] =	vst v63  }
0x94: {  	_ =	swait.ge [sflag:s23], $0x2800  }
0x95: {  	[sflag:s23] =	ssyncset.done $0x0  }
0x96: {  	s6 =	sadd.s32 $0x28C0, s5;
	[sflag:s23] =	ssyncadd.s32 $0xFFFFD800  }
0x97: {  	[spmem:s3] =	stream.indirect.scatter.add.f32 [tilespmem:s25], [sflag:$0x5], $0x80, s6, s24, $0xb8;
	[tilespmem:$0x1FF80] =	vst v63  }
0x98: {  	_ =	swait.ge [sflag:s31], $0x2800  }
0x99: {  	[sflag:s31] =	ssyncset.done $0x0  }
.Ltmp1:
0x9a: {  	s6 =	sadd.s32 $0x230, s5;
	[sflag:s31] =	ssyncadd.s32 $0xFFFFD800;
	(pc) =	sbr.rel @p1 .LBB2_4-.Ltmp1, $4  }
0x9b: {  	[tilespmem:s25], [sflag:$0x2] =	stream.indirect.gather [hbm4b:s1+s24], $0x80, s6, s24, $0xb8;
	[tilespmem:$0x1FF80] =	vst v63  }
0x9c: {  	_ =	swait.ge [sflag:s0], $0x2800  }
0x9d: {  	[sflag:s0] =	ssyncset.done $0x0  }
0x9e: {  	s5 =	sadd.s32 $0x2910, s5;
	[sflag:s0] =	ssyncadd.s32 $0xFFFFD800  }
0x9f: {  	[spmem:s3] =	stream.indirect.scatter.add.f32 [tilespmem:s28], [sflag:$0x6], $0x80, s5, s24, $0xb8;
	[tilespmem:$0x1FF80] =	vst v63  }
0xa0: {  	_ =	swait.ge [sflag:s29], $0x2800  }
0xa1: {  	[sflag:s29] =	ssyncset.done $0x0  }
0xa2: {  	[sflag:s29] =	ssyncadd.s32 $0xFFFFD800  }
0xa3: {  	_ =	swait.ge [sflag:s22], $0x2800  }
0xa4: {  	[sflag:s22] =	ssyncset.done $0x0  }
0xa5: {  	s2 =	simm.s32 $0x4DF0;
	[sflag:s22] =	ssyncadd.s32 $0xFFFFD800  }
0xa6: {  	[spmem:s3] =	stream.indirect.scatter.add.f32 [tilespmem:s20], [sflag:$0x4], $0x80, s2, s24, $0xb8;
	[tilespmem:$0x1FF80] =	vst v63  }
0xa7: {  	_ =	swait.ge [sflag:s23], $0x2800  }
0xa8: {  	[sflag:s23] =	ssyncset.done $0x0  }
0xa9: {  	s5 =	simm.s32 $0x4E40;
	[sflag:s23] =	ssyncadd.s32 $0xFFFFD800  }
0xaa: {  	[spmem:s3] =	stream.indirect.scatter.add.f32 [tilespmem:s25], [sflag:$0x5], $0x80, s5, s24, $0xb8;
	[tilespmem:$0x1FF80] =	vst v63  }
0xab: {  	_ =	swait.ge [sflag:s21], $0x2800  }
0xac: {  	[sflag:s21] =	ssyncset.done $0x0  }
0xad: {  	[sflag:s21] =	ssyncadd.s32 $0xFFFFD800  }
0xae: {  	_ =	swait.ge [sflag:s31], $0x2800  }
0xaf: {  	[sflag:s31] =	ssyncset.done $0x0  }
0xb0: {  	s6 =	stileid.u32;
	[sflag:s31] =	ssyncadd.s32 $0xFFFFD800  }
0xb1: {  	s2 =	sshll.u32 s6, $0x6;
	[bflag:$0x0] =	sbarrier.arrive $0xFFFF  }
0xb2: {  	s8 =	sshrl.u32 s9, $0x3;
	s2 =	sor.u32 $0x1C07, s2;
	s6 =	rddreg [dreg:$0x6]  }
0xb3: {  	[hbm:s6], [sflag:s2] =	dma.local [spmem:s8], $0x2700  }
0xb4: {  	_ =	swait.ge [sflag:s26], $0x2700  }
0xb5: {  	s30 =	sadd.s32 $0x1, s30;
	[sflag:s26] =	ssyncset.done $0x0  }
0xb6: {  	p1 =	sne.s32 s30, s11;
	s5 =	sshrl.u32 @!p0 s7, $0x3;
	[sflag:s26] =	ssyncadd.s32 $0xFFFFD900  }
0xb7: {  	[hbm:s10], [sflag:s2] =	dma.local @!p0 [spmem:s5], $0x100  }
.Ltmp2:
0xb8: {  	_ = 	snop;
	(pc) =	sbr.rel @p1 .LBB2_1-.Ltmp2, $4  }
0xb9: {  	s2 =	simm.s32 @!p0 $0x7  }
0xba: {  	_ =	swait.ge @!p0 [sflag:s2], $0x100  }
0xbb: {  	[sflag:s2] =	ssyncset.done @!p0 $0x0  }
0xbc: {  	[sflag:s2] =	ssyncadd.s32 @!p0 $0xFFFFFF00  }
0xbd: {  	_ =	sfence.sel $0x180000  }
0xbe: {  	[bflag:$0x0] =	sbarrier.arrive $0xFFFF  }
0xbf: {  	_ =	strace $0x9000004A  }
0xc0: {  	s0 =	stileid.u32;
	[bflag:$0x2] =	sbarrier.arrive $0xFFFF  }
0xc1: {  	p0 =	sne.s32 s0, $0x0;
	s0 =	rddreg [dreg:$0x3]  }
0xc2: {  	s0 =	sadd.s32 @!p0 $0x100000, s0  }
0xc3: {  	[sflag:s0] =	ssyncadd.tile.s32 @!p0 $0x1;
	_ =	shalt  }
.Lfunc_end2:
_tile_overlayer_lowered:
.L_overlay_start_2:
0xc4: {  	(tag) =	ssettag $0x2  }
0xc5: {  	s0 =	rddreg [dreg:$0x0];
	s2 =	stileid.u32  }
0xc6: {  	s1 =	rddreg [dreg:$0x1];
	p0 =	sne.s32 s2, $0x0  }
0xc7: {  	s3 =	rddreg [dreg:$0x2];
	[bflag:$0x3] =	sbarrier.arrive $0xFFFF;
	s2 =	simm.s32 @!p0 $0x1C07  }
0xc8: {  	[timem:s3], [sflag:s2] =	dma.local @!p0 [hbm:s0], s1  }
0xc9: {  	s0 =	simm.s32 @!p0 $0x7  }
0xca: {  	_ =	swait.ge @!p0 [sflag:s0], s1  }
0xcb: {  	s1 =	ssub.s32 @!p0 $0x0, s1;
	[sflag:s0] =	ssyncset.done @!p0 $0x0  }
0xcc: {  	[sflag:s0] =	ssyncadd.s32 @!p0 s1  }
0xcd: {  	[bflag:$0x3] =	sbarrier.arrive $0xFFFF  }
0xce: {  	_ =	shalt  }

// kernel: kernel.14.cloned.1.call-start
scs
__scs_entry_jumppad:
0x0: {  	(pc) =	sbr.rel $0x88, $3  }
0x1: {  	(tag) =	ssettag $0x0;
	lr =	simm.s32 $0x1  }
0x2: {  	[smem:$0x3F9C] =	sst lr;
	_ =	strace $0xD0000000  }
0x3: {  	_ = 	snop  }
0x4: {  	_ = 	snop  }
0x5: {  	_ = 	snop  }
0x6: {  	_ = 	snop  }
0x7: {  	_ = 	snop  }
__scs_overlays_trampoline_lowered:
0x8: {  	[smem:$0x3FAB] =	sst s0  }
0x9: {  	[smem:$0x3FAC] =	sst s1  }
0xa: {  	[smem:$0x3FAD] =	sst s2  }
0xb: {  	[smem:$0x3FAE] =	sst s3  }
0xc: {  	[smem:$0x3FAF] =	sst s4  }
0xd: {  	[smem:$0x3FB0] =	sst s5  }
0xe: {  	[smem:$0x3FB1] =	sst s6  }
0xf: {  	[smem:$0x3FB2] =	sst s7  }
0x10: {  	[smem:$0x3FB3] =	sst s8  }
0x11: {  	[smem:$0x3FB4] =	sst s9;
	s0 =	simm.s32 @!p0 $0x0  }
0x12: {  	s1 =	sld [smem:$0x3F9A];
	s0 =	simm.s32 @p0 $0x1  }
0x13: {  	[smem:$0x3FB5] =	sst s0;
	s0 =	simm.s32 @!p1 $0x0  }
0x14: {  	s2 =	sld [smem:$0x3F99];
	s0 =	simm.s32 @p1 $0x1  }
0x15: {  	[smem:$0x3FB6] =	sst s0;
	s0 =	simm.s32 @!p2 $0x0  }
0x16: {  	s3 =	sld [smem:$0x3FDB];
	s0 =	simm.s32 @p2 $0x1  }
0x17: {  	s4 =	simm.s32 $0x1BF5;
	[smem:$0x3FB8] =	sst s0  }
0x18: {  	s0 =	sld [smem:$0x3F9B];
	_ =	swait.ge [sflag:s4], $0x0  }
0x19: {  	s7 =	sld [smem:$0x3F9C]  }
0x1a: {  	s8 =	sadd.s32 $0xFFFFE003, lr  }
0x1b: {  	s9 =	sadd.s32 $0xFFFFFEF7, lr;
	s5 =	simm.s32 $0xFFFFFFFF;
	p2 =	slt.u32 s8, $0xFFFFF086  }
0x1c: {  	p1 =	slt.u32 s9, $0xF7A;
	s5 =	simm.s32 @!p2 $0x0  }
0x1d: {  	s5 =	simm.s32 @p1 $0x1;
	p0 =	seq.s32 s7, s2  }
0x1e: {  	s7 =	smul.u32 @!p0 $0xF7A, s2;
	p2 =	seq.s32 @!p0 s5, $0x0  }
0x1f: {  	s9 =	smul.u32 $0xF7A, s1;
	s8 =	simm.s32 @!p0 $0x1BF5;
	p2 =	por !p2, p0  }
0x20: {  	[sflag:s8] =	ssyncset.s32 @!p0 $0xFFFFF086;
	s6 =	sadd.s32 @!p0 s3, s7;
	s7 =	simm.s32 @!p0 $0x108  }
0x21: {  	s3 =	sadd.s32 s3, s9;
	s6 =	sadd.s32 @!p0 $0x88, s6;
	s7 =	simm.s32 @p2 $0x1082  }
0x22: {  	[simem:s7], [sflag:s8] =	dma.local @!p0 [hbm:s6], $0xF7A  }
0x23: {  	s9 =	sor.u32 $0xD0000000, s2;
	s6 =	simm.s32 $0x108;
	_ =	swait.ge @!p0 [sflag:s8], $0x0  }
0x24: {  	s3 =	sadd.s32 $0x88, s3;
	s6 =	simm.s32 @!p1 $0x1082;
	[sflag:s4] =	ssyncset.s32 $0xFFFFF086  }
0x25: {  	[simem:s6], [sflag:s4] =	dma.local [hbm:s3], $0xF7A  }
0x26: {  	[smem:$0x3F9C] =	sst s1;
	(tag) =	ssettag s2;
	_ =	strace s9  }
0x27: {  	s1 =	sld [smem:$0x3FAC]  }
0x28: {  	s2 =	sld [smem:$0x3FAD]  }
0x29: {  	s4 =	sld [smem:$0x3FAF]  }
0x2a: {  	p0 =	seq.s32 s5, $0x0;
	s5 =	sld [smem:$0x3FB0]  }
0x2b: {  	s6 =	sld [smem:$0x3FB1]  }
0x2c: {  	s7 =	sld [smem:$0x3FB2]  }
0x2d: {  	s3 =	simm.s32 $0x108;
	s8 =	sld [smem:$0x3FB3]  }
0x2e: {  	s3 =	simm.s32 @!p0 $0x1082;
	s9 =	sld [smem:$0x3FB4]  }
0x2f: {  	lr =	sadd.s32 s0, s3;
	s0 =	sld [smem:$0x3FAB]  }
0x30: {  	s3 =	sld [smem:$0x3FAE]  }
0x31: {  	[smem:$0x3FB7] =	sst s10  }
0x32: {  	s10 =	sld [smem:$0x3FB5];
	_ =	sdelay $0x3  }
0x33: {  	p0 =	seq.s32 s10, $0x1;
	s10 =	sld [smem:$0x3FB7];
	_ =	sdelay $0x3  }
0x34: {  	[smem:$0x3FB7] =	sst s10  }
0x35: {  	s10 =	sld [smem:$0x3FB6];
	_ =	sdelay $0x3  }
0x36: {  	p1 =	seq.s32 s10, $0x1;
	s10 =	sld [smem:$0x3FB7];
	_ =	sdelay $0x3  }
0x37: {  	[smem:$0x3FB7] =	sst s10  }
0x38: {  	s10 =	sld [smem:$0x3FB8]  }
0x39: {  	_ = 	snop;
	(pc) =	sbr.ind lr, $3  }
0x3a: {  	_ = 	snop  }
0x3b: {  	_ = 	snop  }
0x3c: {  	p2 =	seq.s32 s10, $0x1;
	s10 =	sld [smem:$0x3FB7]  }
0x3d: {  	_ =	shalt  }
0x3e: {  	_ =	shalt  }
0x3f: {  	_ =	shalt  }
0x40: {  	_ =	shalt  }
0x41: {  	_ =	shalt  }
0x42: {  	_ =	shalt  }
0x43: {  	_ =	shalt  }
0x44: {  	_ =	shalt  }
0x45: {  	_ =	shalt  }
0x46: {  	_ =	shalt  }
0x47: {  	_ =	shalt  }
0x48: {  	_ =	shalt  }
0x49: {  	_ =	shalt  }
0x4a: {  	_ =	shalt  }
0x4b: {  	_ =	shalt  }
0x4c: {  	_ =	shalt  }
0x4d: {  	_ =	shalt  }
0x4e: {  	_ =	shalt  }
0x4f: {  	_ =	shalt  }
0x50: {  	_ =	shalt  }
0x51: {  	_ =	shalt  }
0x52: {  	_ =	shalt  }
0x53: {  	_ =	shalt  }
0x54: {  	_ =	shalt  }
0x55: {  	_ =	shalt  }
0x56: {  	_ =	shalt  }
0x57: {  	_ =	shalt  }
0x58: {  	_ =	shalt  }
0x59: {  	_ =	shalt  }
0x5a: {  	_ =	shalt  }
0x5b: {  	_ =	shalt  }
0x5c: {  	_ =	shalt  }
0x5d: {  	_ =	shalt  }
0x5e: {  	_ =	shalt  }
0x5f: {  	_ =	shalt  }
0x60: {  	_ =	shalt  }
0x61: {  	_ =	shalt  }
0x62: {  	_ =	shalt  }
0x63: {  	_ =	shalt  }
0x64: {  	_ =	shalt  }
0x65: {  	_ =	shalt  }
0x66: {  	_ =	shalt  }
0x67: {  	_ =	shalt  }
0x68: {  	_ =	shalt  }
0x69: {  	_ =	shalt  }
0x6a: {  	_ =	shalt  }
0x6b: {  	_ =	shalt  }
0x6c: {  	_ =	shalt  }
0x6d: {  	_ =	shalt  }
0x6e: {  	_ =	shalt  }
0x6f: {  	_ =	shalt  }
0x70: {  	_ =	shalt  }
0x71: {  	_ =	shalt  }
0x72: {  	_ =	shalt  }
0x73: {  	_ =	shalt  }
0x74: {  	_ =	shalt  }
0x75: {  	_ =	shalt  }
0x76: {  	_ =	shalt  }
0x77: {  	_ =	shalt  }
0x78: {  	_ =	shalt  }
0x79: {  	_ =	shalt  }
0x7a: {  	_ =	shalt  }
0x7b: {  	_ =	shalt  }
0x7c: {  	_ =	shalt  }
0x7d: {  	_ =	shalt  }
0x7e: {  	_ =	shalt  }
0x7f: {  	_ =	shalt  }
0x80: {  	_ =	shalt  }
0x81: {  	_ =	shalt  }
0x82: {  	_ =	shalt  }
0x83: {  	_ =	shalt  }
0x84: {  	_ =	shalt  }
0x85: {  	_ =	shalt  }
0x86: {  	_ =	shalt  }
0x87: {  	_ =	shalt  }
.Lfunc_end0:
.L_simem_size_0:
called_computation.2_lowered:
.L_overlay_start_0:
0x88: {  	s2 =	sld [smem:$0x3FD9]  }
0x89: {  	s3 =	sld [smem:$0x3FFE];
	_ =	sdelay $0x1  }
0x8a: {  	s1 =	srdreg.scid  }
0x8b: {  	s0 =	sand.u32 $0x1, s1  }
0x8c: {  	s17 =	sshll.u32 s0, $0xA;
	s2 =	sadd.s32 s3, s2  }
0x8d: {  	s2 =	sadd.s32 s2, s17  }
0x8e: {  	[smem:$0x3FC3] =	sst s2  }
0x8f: {  	_ = 	snop  }
0x90: {  	s2 =	sld [smem:$0x3FD0];
	(tm) =	ssettm $0x1  }
0x91: {  	s18 =	sld [smem:$0x3FFB];
	_ =	sdelay $0x3  }
0x92: {  	_ =	strace s18  }
0x93: {  	s3 =	sld [smem:$0x3FFC];
	_ =	sdelay $0x3  }
0x94: {  	_ =	strace s3  }
0x95: {  	s3 =	sld [smem:$0x3FFD];
	_ =	sdelay $0x3  }
0x96: {  	_ =	strace s3  }
0x97: {  	_ =	strace $0x8FFFFFFF  }
0x98: {  	s19 =	sld [smem:$0x3FDB];
	_ =	sdelay $0x1  }
0x99: {  	s4 =	simm.s32 $_scs_section_size  }
0x9a: {  	s5 =	simm.s32 $_size__tile_overlayer_lowered;
	s6 =	simm.s32 $_tile_overlayer_lowered  }
0x9b: {  	s22 =	simm.s32 $0x1BFF;
	s21 =	sshll.u32 s6, $0x1;
	s3 =	sadd.s32 s4, s19  }
0x9c: {  	s7 =	simm.s32 $0x0;
	s20 =	sshll.u32 s5, $0x1;
	s5 =	sadd.s32 s21, s3  }
0x9d: {  	[timem:s7], [sflag:s22] =	dma.local [hbm:s5], s20  }
0x9e: {  	_ =	swait.ge [sflag:s22], s20  }
0x9f: {  	s4 =	ssub.s32 $0x0, s20;
	[sflag:s22] =	ssyncset.done $0x0  }
0xa0: {  	[sflag:s22] =	ssyncadd.s32 s4;
	_ =	sdelay $0x1  }
0xa1: {  	s23 =	simm.s32 $0x1B8B  }
0xa2: {  	_ =	swait.ge [sflag:s23], $0x1  }
0xa3: {  	[sflag:s23] =	ssyncset.done $0x0  }
0xa4: {  	s25 =	simm.s32 $0x1B8E;
	s24 =	sld [smem:$0x3FFE];
	[sflag:s23] =	ssyncadd.s32 $0xFFFFFFFF  }
0xa5: {  	s26 =	simm.s32 $execute0_lowered;
	[smem:$0x3FD2] =	sst s25  }
0xa6: {  	s5 =	sshll.u32 s26, $0x1;
	_ =	strace $0x8000004C;
	[dreg:$0x1] =	wrdreg $0xFFFFFFFF  }
0xa7: {  	s28 =	simm.s32 $_size_execute0_lowered;
	s3 =	sadd.s32 s3, s5;
	[dreg:$0x0] =	wrdreg $0x0  }
0xa8: {  	s5 =	sshll.u32 s28, $0x1;
	[dreg:$0x2] =	wrdreg s3  }
0xa9: {  	[dreg:$0x3] =	wrdreg s5  }
0xaa: {  	[dreg:$0x4] =	wrdreg $0xC0  }
0xab: {  	_ =	task [dreg:s7], $0x5FFFF  }
0xac: {  	[dreg:$0x1] =	wrdreg $0xFFFFFFFF  }
0xad: {  	[dreg:$0x0] =	wrdreg $0x60  }
0xae: {  	[dreg:$0x2] =	wrdreg s2  }
0xaf: {  	[dreg:$0x3] =	wrdreg s24  }
0xb0: {  	[dreg:$0x4] =	wrdreg $0xC7000  }
0xb1: {  	[dreg:$0x5] =	wrdreg $0x9  }
0xb2: {  	_ =	task.clear_ibuf [dreg:s7], $0x6FFFF;
	_ =	strace $0x9000004C  }
0xb3: {  	s29 =	simm.s32 $0x9;
	_ =	strace $0x8000004E  }
0xb4: {  	_ =	swait.ge [sflag:s29], $0x1  }
0xb5: {  	[sflag:s29] =	ssyncadd.s32 $0xFFFFFFFF  }
0xb6: {  	_ =	strace $0x9000004E  }
0xb7: {  	_ =	sfence  }
0xb8: {  	s30 =	sld [smem:$0x0];
	_ =	sdelay $0x2  }
0xb9: {  	s31 =	sshll.u32 s1, $0xD;
	s1 =	sshrl.u32 s1, $0x2  }
0xba: {  	s3 =	sand.u32 $0x4000, s31;
	s1 =	sadd.s32 s1, s30  }
0xbb: {  	s0 =	sor.u32 s3, s0;
	s1 =	sshll.u32 s1, $0x11  }
0xbc: {  	s0 =	sor.u32 s1, s0  }
0xbd: {  	s0 =	sadd.s32 $0x8F2B, s0  }
0xbe: {  	[sflag:s0] =	ssyncadd.remote.s32 $0x1  }
0xbf: {  	_ =	sfence.sel $0xFFFF  }
0xc0: {  	[dreg:$0x0] =	wrdreg $0xFFFFFFFF;
	(pc) =	sbr.abs _section_cstart, $3  }
0xc1: {  	[dreg:$0x1] =	wrdreg $0xFFFFFFFF  }
0xc2: {  	_ =	task.clear_ibuf [dreg:s7], $0x2FFFF;
	_ =	strace $0x9FFFFFFF  }
0xc3: {  	(tm) =	ssettm $0x7FFFFFFF  }
tec
execute0_lowered:
.L_overlay_start_1:
0x0: {  	(tag) =	ssettag $0x1  }
0x1: {  	s1 =	rddreg [dreg:$0x0]  }
0x2: {  	s0 =	rddreg [dreg:$0x1];
	s2 =	srdreg.scid  }
0x3: {  	s20 =	stileid.u32;
	s3 =	rddreg [dreg:$0x2]  }
0x4: {  	s4 =	simm.s32 $0x0;
	s19 =	simm.s32 $0x2780;
	s21 =	simm.s32 $0x4  }
0x5: {  	s22 =	simm.s32 $0x1;
	s23 =	simm.s32 $0x2;
	s24 =	simm.s32 $0x50  }
0x6: {  	s28 =	simm.s32 $0x9F00;
	s31 =	simm.s32 $0x5;
	s29 =	simm.s32 $0x6  }
0x7: {  	s30 =	simm.s32 $0x0;
	s2 =	sand.u32 $0x1, s2;
	s8 =	smul.u32 $0x13800, s20  }
0x8: {  	s5 =	sshll.u32 s20, $0x1;
	[smem:$0x7FF] =	sst s4;
	s9 =	smul.u32 $0x4E000, s20  }
0x9: {  	p0 =	sne.s32 s20, $0xF;
	s20 =	simm.s32 $0x4F00;
	s5 =	sor.u32 s2, s5  }
0xa: {  	_ =	strace $0x8000004D;
	s6 =	ssub.s32 $0x2, s2;
	s2 =	smul.u32 $0x138800, s2  }
0xb: {  	s5 =	smul.u32 $0x4E2, s5;
	s7 =	sshrl.u32 s6, $0x1;
	s9 =	sshrl.u32 s9, $0x2  }
0xc: {  	s6 =	ssub.s32 s6, s7;
	s7 =	sadd.s32 $0x138000, s3;
	s26 =	sadd.s32 s8, s2  }
0xd: {  	s2 =	sshrl.u32 s2, $0x3;
	s9 =	sadd.s32 s9, s3;
	s5 =	sadd.s32 s5, s0  }
0xe: {  	s0 =	sadd.s32 $0x15E00, s0;
	s11 =	smax.u32 s6, $0x1;
	s12 =	sadd.s32 $0x2700, s9  }
0xf: {  	s13 =	sadd.s32 $0x4E00, s9;
	s14 =	sadd.s32 $0x7500, s9;
	s15 =	sadd.s32 $0x9C00, s9  }
0x10: {  	s16 =	sadd.s32 $0xC300, s9;
	s17 =	sadd.s32 $0xEA00, s9;
	s25 =	sadd.s32 $0xC000, s5  }
0x11: {  	s18 =	sadd.s32 $0x11100, s9;
	s5 =	sadd.s32 $0x2200, s5;
	[dreg:$0x4] =	wrdreg s25  }
0x12: {  	[dreg:$0x5] =	wrdreg s5;
	s5 =	sshrl.u32 s26, $0x3;
	s25 =	simm.s32 $0x7700  }
0x13: {  	s26 =	simm.s32 $0x7;
	s5 =	sadd.s32 s0, s5;
	s0 =	sadd.s32 s0, s2  }
0x14: {  	v0 =	vimm.f32 $0.0e+00;
	[dreg:$0x6] =	wrdreg s5;
	s10 =	sadd.s32 $0x27000, s0;
	s0 =	simm.s32 $0x3  }
.LBB2_1:
0x15: {  	s2 =	rddreg [dreg:$0x4]  }
0x16: {  	[tilespmem:s4], [sflag:$0x1] =	stream.linear.gather [hbm4b:s2+s4], $0x2710, $0x38;
	[tilespmem:$0x1FF80] =	vst v63  }
0x17: {  	s6 =	rddreg [dreg:$0x5];
	s8 =	sand.u32 $0xFE00, s4  }
0x18: {  	[tilespmem:s19], [sflag:$0x2] =	stream.linear.gather [hbm4b:s6+s4], $0x2710, $0x38;
	[tilespmem:$0x1FF80] =	vst v63  }
0x19: {  	s5 =	sand.u32 $0x70, s4;
	s6 =	sshrl.u32 s8, $0x2  }
0x1a: {  	s2 =	simm.s32 $0x40;
	s6 =	sor.u32 s5, s6;
	s5 =	simm.s32 $0x0  }
.LBB2_2:
0x1b: {  	p1 =	sne.s32 s2, $0x9BC0  }
0x1c: {  	[tilespmem:s6+$0x4F00] =	vst v0;
	s5 =	sadd.s32 $0x10, s5;
	s6 =	smov.u32 s2;
	s2 =	sadd.s32 $0x40, s2  }
.Ltmp0:
0x1d: {  	(pc) =	sbr.rel @p1 .LBB2_2-.Ltmp0, $4  }
0x1e: {  	_ = 	snop  }
0x1f: {  	s6 =	sand.u32 $0xFE00, s6  }
0x20: {  	s8 =	sand.u32 $0x70, s5;
	s6 =	sshrl.u32 s6, $0x2  }
0x21: {  	s6 =	sor.u32 s8, s6  }
0x22: {  	[tilespmem:s6+$0x4F00] =	vst v0  }
0x23: {  	[spmem:s9] =	stream.linear.scatter [tilespmem:s20], [sflag:$0x4], $0x2700, $0x38;
	[tilespmem:$0x1FF80] =	vst v63  }
0x24: {  	_ = 	snop  }
0x25: {  	[spmem:s12] =	stream.linear.scatter [tilespmem:s20], [sflag:$0x4], $0x2700, $0x38;
	[tilespmem:$0x1FF80] =	vst v63  }
0x26: {  	_ = 	snop  }
0x27: {  	[spmem:s13] =	stream.linear.scatter [tilespmem:s20], [sflag:$0x4], $0x2700, $0x38;
	[tilespmem:$0x1FF80] =	vst v63  }
0x28: {  	_ = 	snop  }
0x29: {  	[spmem:s14] =	stream.linear.scatter [tilespmem:s20], [sflag:$0x4], $0x2700, $0x38;
	[tilespmem:$0x1FF80] =	vst v63  }
0x2a: {  	_ = 	snop  }
0x2b: {  	[spmem:s15] =	stream.linear.scatter [tilespmem:s20], [sflag:$0x4], $0x2700, $0x38;
	[tilespmem:$0x1FF80] =	vst v63  }
0x2c: {  	_ = 	snop  }
0x2d: {  	[spmem:s16] =	stream.linear.scatter [tilespmem:s20], [sflag:$0x4], $0x2700, $0x38;
	[tilespmem:$0x1FF80] =	vst v63  }
0x2e: {  	_ = 	snop  }
0x2f: {  	[spmem:s17] =	stream.linear.scatter [tilespmem:s20], [sflag:$0x4], $0x2700, $0x38;
	[tilespmem:$0x1FF80] =	vst v63  }
0x30: {  	_ = 	snop  }
0x31: {  	[spmem:s18] =	stream.linear.scatter [tilespmem:s20], [sflag:$0x4], $0x2700, $0x38;
	[tilespmem:$0x1FF80] =	vst v63  }
0x32: {  	s2 =	simm.s32 @!p0 $0x4F00  }
0x33: {  	[spmem:s7] =	stream.linear.scatter @!p0 [tilespmem:s2], [sflag:$0x5], $0x800, $0x38;
	[tilespmem:$0x1FF80] =	vst v63  }
0x34: {  	_ =	swait.ge [sflag:s21], $0x2700  }
0x35: {  	[sflag:s21] =	ssyncset.done $0x0  }
0x36: {  	[sflag:s21] =	ssyncadd.s32 $0xFFFFD900  }
0x37: {  	_ =	swait.ge [sflag:s21], $0x2700  }
0x38: {  	[sflag:s21] =	ssyncset.done $0x0  }
0x39: {  	[sflag:s21] =	ssyncadd.s32 $0xFFFFD900  }
0x3a: {  	_ =	swait.ge [sflag:s21], $0x2700  }
0x3b: {  	[sflag:s21] =	ssyncset.done $0x0  }
0x3c: {  	[sflag:s21] =	ssyncadd.s32 $0xFFFFD900  }
0x3d: {  	_ =	swait.ge [sflag:s21], $0x2700  }
0x3e: {  	[sflag:s21] =	ssyncset.done $0x0  }
0x3f: {  	[sflag:s21] =	ssyncadd.s32 $0xFFFFD900  }
0x40: {  	_ =	swait.ge [sflag:s21], $0x2700  }
0x41: {  	[sflag:s21] =	ssyncset.done $0x0  }
0x42: {  	[sflag:s21] =	ssyncadd.s32 $0xFFFFD900  }
0x43: {  	_ =	swait.ge [sflag:s21], $0x2700  }
0x44: {  	[sflag:s21] =	ssyncset.done $0x0  }
0x45: {  	[sflag:s21] =	ssyncadd.s32 $0xFFFFD900  }
0x46: {  	_ =	swait.ge [sflag:s21], $0x2700  }
0x47: {  	[sflag:s21] =	ssyncset.done $0x0  }
0x48: {  	[sflag:s21] =	ssyncadd.s32 $0xFFFFD900  }
0x49: {  	_ =	swait.ge [sflag:s21], $0x2700  }
0x4a: {  	[sflag:s21] =	ssyncset.done $0x0  }
0x4b: {  	s2 =	simm.s32 @!p0 $0x5;
	[sflag:s21] =	ssyncadd.s32 $0xFFFFD900  }
0x4c: {  	_ =	swait.ge @!p0 [sflag:s2], $0x800  }
0x4d: {  	[sflag:s2] =	ssyncset.done @!p0 $0x0  }
0x4e: {  	[sflag:s2] =	ssyncadd.s32 @!p0 $0xFFFFF800  }
0x4f: {  	_ =	swait.ge [sflag:s22], $0x2710  }
0x50: {  	[sflag:s22] =	ssyncset.done $0x0  }
0x51: {  	[sflag:s22] =	ssyncadd.s32 $0xFFFFD8F0  }
0x52: {  	_ =	swait.ge [sflag:s23], $0x2710  }
0x53: {  	[sflag:s23] =	ssyncset.done $0x0  }
0x54: {  	[sflag:s23] =	ssyncadd.s32 $0xFFFFD8F0  }
0x55: {  	s6 =	simm.s32 $0x0;
	[bflag:$0x0] =	sbarrier.arrive $0xFFFF  }
0x56: {  	[tilespmem:s20], [sflag:$0x1] =	stream.indirect.gather [hbm4b:s1+s24], $0x80, s6, s24, $0xb8;
	[tilespmem:$0x1FF80] =	vst v63  }
0x57: {  	_ = 	snop  }
0x58: {  	[tilespmem:s25], [sflag:$0x2] =	stream.indirect.gather [hbm4b:s1+s24], $0x80, s24, s24, $0xb8;
	[tilespmem:$0x1FF80] =	vst v63  }
0x59: {  	s8 =	simm.s32 $0xA0  }
0x5a: {  	[tilespmem:s28], [sflag:$0x3] =	stream.indirect.gather [hbm4b:s1+s24], $0x80, s8, s24, $0xb8;
	[tilespmem:$0x1FF80] =	vst v63  }
0x5b: {  	_ =	swait.ge [sflag:s22], $0x2800  }
0x5c: {  	[sflag:s22] =	ssyncset.done $0x0  }
0x5d: {  	[sflag:s22] =	ssyncadd.s32 $0xFFFFD800  }
0x5e: {  	[spmem:s3] =	stream.indirect.scatter.add.f32 [tilespmem:s20], [sflag:$0x4], $0x80, s19, s24, $0xb8;
	[tilespmem:$0x1FF80] =	vst v63  }
0x5f: {  	_ =	swait.ge [sflag:s21], $0x2800  }
0x60: {  	[sflag:s21] =	ssyncset.done $0x0  }
0x61: {  	s5 =	simm.s32 $0xF0;
	[sflag:s21] =	ssyncadd.s32 $0xFFFFD800  }
0x62: {  	[tilespmem:s20], [sflag:$0x1] =	stream.indirect.gather [hbm4b:s1+s24], $0x80, s5, s24, $0xb8;
	[tilespmem:$0x1FF80] =	vst v63  }
0x63: {  	_ =	swait.ge [sflag:s23], $0x2800  }
0x64: {  	[sflag:s23] =	ssyncset.done $0x0  }
0x65: {  	s6 =	simm.s32 $0x27D0;
	[sflag:s23] =	ssyncadd.s32 $0xFFFFD800  }
0x66: {  	[spmem:s3] =	stream.indirect.scatter.add.f32 [tilespmem:s25], [sflag:$0x5], $0x80, s6, s24, $0xb8;
	[tilespmem:$0x1FF80] =	vst v63  }
0x67: {  	_ =	swait.ge [sflag:s31], $0x2800  }
0x68: {  	[sflag:s31] =	ssyncset.done $0x0  }
0x69: {  	s8 =	simm.s32 $0x140;
	[sflag:s31] =	ssyncadd.s32 $0xFFFFD800  }
0x6a: {  	[tilespmem:s25], [sflag:$0x2] =	stream.indirect.gather [hbm4b:s1+s24], $0x80, s8, s24, $0xb8;
	[tilespmem:$0x1FF80] =	vst v63  }
0x6b: {  	_ =	swait.ge [sflag:s0], $0x2800  }
0x6c: {  	[sflag:s0] =	ssyncset.done $0x0  }
0x6d: {  	s5 =	simm.s32 $0x2820;
	[sflag:s0] =	ssyncadd.s32 $0xFFFFD800  }
0x6e: {  	[spmem:s3] =	stream.indirect.scatter.add.f32 [tilespmem:s28], [sflag:$0x6], $0x80, s5, s24, $0xb8;
	[tilespmem:$0x1FF80] =	vst v63  }
0x6f: {  	_ =	swait.ge [sflag:s29], $0x2800  }
0x70: {  	[sflag:s29] =	ssyncset.done $0x0  }
0x71: {  	s6 =	simm.s32 $0x190;
	[sflag:s29] =	ssyncadd.s32 $0xFFFFD800  }
0x72: {  	[tilespmem:s28], [sflag:$0x3] =	stream.indirect.gather [hbm4b:s1+s24], $0x80, s6, s24, $0xb8;
	[tilespmem:$0x1FF80] =	vst v63  }
0x73: {  	_ =	swait.ge [sflag:s22], $0x2800  }
0x74: {  	[sflag:s22] =	ssyncset.done $0x0  }
0x75: {  	s8 =	simm.s32 $0x2870;
	[sflag:s22] =	ssyncadd.s32 $0xFFFFD800  }
0x76: {  	[spmem:s3] =	stream.indirect.scatter.add.f32 [tilespmem:s20], [sflag:$0x4], $0x80, s8, s24, $0xb8;
	[tilespmem:$0x1FF80] =	vst v63  }
0x77: {  	_ =	swait.ge [sflag:s21], $0x2800  }
0x78: {  	[sflag:s21] =	ssyncset.done $0x0  }
0x79: {  	s5 =	simm.s32 $0x1E0;
	[sflag:s21] =	ssyncadd.s32 $0xFFFFD800  }
0x7a: {  	[tilespmem:s20], [sflag:$0x1] =	stream.indirect.gather [hbm4b:s1+s24], $0x80, s5, s24, $0xb8;
	[tilespmem:$0x1FF80] =	vst v63  }
0x7b: {  	_ =	swait.ge [sflag:s23], $0x2800  }
0x7c: {  	[sflag:s23] =	ssyncset.done $0x0  }
0x7d: {  	s6 =	simm.s32 $0x28C0;
	[sflag:s23] =	ssyncadd.s32 $0xFFFFD800  }
0x7e: {  	[spmem:s3] =	stream.indirect.scatter.add.f32 [tilespmem:s25], [sflag:$0x5], $0x80, s6, s24, $0xb8;
	[tilespmem:$0x1FF80] =	vst v63  }
0x7f: {  	_ =	swait.ge [sflag:s31], $0x2800  }
0x80: {  	[sflag:s31] =	ssyncset.done $0x0  }
0x81: {  	s8 =	simm.s32 $0x230;
	[sflag:s31] =	ssyncadd.s32 $0xFFFFD800  }
0x82: {  	[tilespmem:s25], [sflag:$0x2] =	stream.indirect.gather [hbm4b:s1+s24], $0x80, s8, s24, $0xb8;
	[tilespmem:$0x1FF80] =	vst v63  }
0x83: {  	_ =	swait.ge [sflag:s0], $0x2800  }
0x84: {  	[sflag:s0] =	ssyncset.done $0x0  }
0x85: {  	s2 =	simm.s32 $0x3C0;
	s5 =	simm.s32 $0x2910;
	[sflag:s0] =	ssyncadd.s32 $0xFFFFD800  }
.LBB2_4:
0x86: {  	[spmem:s3] =	stream.indirect.scatter.add.f32 [tilespmem:s28], [sflag:$0x6], $0x80, s5, s24, $0xb8;
	[tilespmem:$0x1FF80] =	vst v63  }
0x87: {  	s5 =	smov.u32 s2  }
0x88: {  	p1 =	sne.s32 s2, $0x9240;
	s2 =	sadd.s32 $0x3C0, s2;
	_ =	swait.ge [sflag:s29], $0x2800  }
0x89: {  	s5 =	sshra.s32 s5, $0x2;
	[sflag:s29] =	ssyncset.done $0x0  }
0x8a: {  	s6 =	sadd.s32 $0x190, s5;
	[sflag:s29] =	ssyncadd.s32 $0xFFFFD800  }
0x8b: {  	[tilespmem:s28], [sflag:$0x3] =	stream.indirect.gather [hbm4b:s1+s24], $0x80, s6, s24, $0xb8;
	[tilespmem:$0x1FF80] =	vst v63  }
0x8c: {  	_ =	swait.ge [sflag:s22], $0x2800  }
0x8d: {  	[sflag:s22] =	ssyncset.done $0x0  }
0x8e: {  	s6 =	sadd.s32 $0x2870, s5;
	[sflag:s22] =	ssyncadd.s32 $0xFFFFD800  }
0x8f: {  	[spmem:s3] =	stream.indirect.scatter.add.f32 [tilespmem:s20], [sflag:$0x4], $0x80, s6, s24, $0xb8;
	[tilespmem:$0x1FF80] =	vst v63  }
0x90: {  	_ =	swait.ge [sflag:s21], $0x2800  }
0x91: {  	[sflag:s21] =	ssyncset.done $0x0  }
0x92: {  	s6 =	sadd.s32 $0x1E0, s5;
	[sflag:s21] =	ssyncadd.s32 $0xFFFFD800  }
0x93: {  	[tilespmem:s20], [sflag:$0x1] =	stream.indirect.gather [hbm4b:s1+s24], $0x80, s6, s24, $0xb8;
	[tilespmem:$0x1FF80] =	vst v63  }
0x94: {  	_ =	swait.ge [sflag:s23], $0x2800  }
0x95: {  	[sflag:s23] =	ssyncset.done $0x0  }
0x96: {  	s6 =	sadd.s32 $0x28C0, s5;
	[sflag:s23] =	ssyncadd.s32 $0xFFFFD800  }
0x97: {  	[spmem:s3] =	stream.indirect.scatter.add.f32 [tilespmem:s25], [sflag:$0x5], $0x80, s6, s24, $0xb8;
	[tilespmem:$0x1FF80] =	vst v63  }
0x98: {  	_ =	swait.ge [sflag:s31], $0x2800  }
0x99: {  	[sflag:s31] =	ssyncset.done $0x0  }
.Ltmp1:
0x9a: {  	s6 =	sadd.s32 $0x230, s5;
	[sflag:s31] =	ssyncadd.s32 $0xFFFFD800;
	(pc) =	sbr.rel @p1 .LBB2_4-.Ltmp1, $4  }
0x9b: {  	[tilespmem:s25], [sflag:$0x2] =	stream.indirect.gather [hbm4b:s1+s24], $0x80, s6, s24, $0xb8;
	[tilespmem:$0x1FF80] =	vst v63  }
0x9c: {  	_ =	swait.ge [sflag:s0], $0x2800  }
0x9d: {  	[sflag:s0] =	ssyncset.done $0x0  }
0x9e: {  	s5 =	sadd.s32 $0x2910, s5;
	[sflag:s0] =	ssyncadd.s32 $0xFFFFD800  }
0x9f: {  	[spmem:s3] =	stream.indirect.scatter.add.f32 [tilespmem:s28], [sflag:$0x6], $0x80, s5, s24, $0xb8;
	[tilespmem:$0x1FF80] =	vst v63  }
0xa0: {  	_ =	swait.ge [sflag:s29], $0x2800  }
0xa1: {  	[sflag:s29] =	ssyncset.done $0x0  }
0xa2: {  	[sflag:s29] =	ssyncadd.s32 $0xFFFFD800  }
0xa3: {  	_ =	swait.ge [sflag:s22], $0x2800  }
0xa4: {  	[sflag:s22] =	ssyncset.done $0x0  }
0xa5: {  	s2 =	simm.s32 $0x4DF0;
	[sflag:s22] =	ssyncadd.s32 $0xFFFFD800  }
0xa6: {  	[spmem:s3] =	stream.indirect.scatter.add.f32 [tilespmem:s20], [sflag:$0x4], $0x80, s2, s24, $0xb8;
	[tilespmem:$0x1FF80] =	vst v63  }
0xa7: {  	_ =	swait.ge [sflag:s23], $0x2800  }
0xa8: {  	[sflag:s23] =	ssyncset.done $0x0  }
0xa9: {  	s5 =	simm.s32 $0x4E40;
	[sflag:s23] =	ssyncadd.s32 $0xFFFFD800  }
0xaa: {  	[spmem:s3] =	stream.indirect.scatter.add.f32 [tilespmem:s25], [sflag:$0x5], $0x80, s5, s24, $0xb8;
	[tilespmem:$0x1FF80] =	vst v63  }
0xab: {  	_ =	swait.ge [sflag:s21], $0x2800  }
0xac: {  	[sflag:s21] =	ssyncset.done $0x0  }
0xad: {  	[sflag:s21] =	ssyncadd.s32 $0xFFFFD800  }
0xae: {  	_ =	swait.ge [sflag:s31], $0x2800  }
0xaf: {  	[sflag:s31] =	ssyncset.done $0x0  }
0xb0: {  	s6 =	stileid.u32;
	[sflag:s31] =	ssyncadd.s32 $0xFFFFD800  }
0xb1: {  	s2 =	sshll.u32 s6, $0x6;
	[bflag:$0x0] =	sbarrier.arrive $0xFFFF  }
0xb2: {  	s8 =	sshrl.u32 s9, $0x3;
	s2 =	sor.u32 $0x1C07, s2;
	s6 =	rddreg [dreg:$0x6]  }
0xb3: {  	[hbm:s6], [sflag:s2] =	dma.local [spmem:s8], $0x2700  }
0xb4: {  	_ =	swait.ge [sflag:s26], $0x2700  }
0xb5: {  	s30 =	sadd.s32 $0x1, s30;
	[sflag:s26] =	ssyncset.done $0x0  }
0xb6: {  	p1 =	sne.s32 s30, s11;
	s5 =	sshrl.u32 @!p0 s7, $0x3;
	[sflag:s26] =	ssyncadd.s32 $0xFFFFD900  }
0xb7: {  	[hbm:s10], [sflag:s2] =	dma.local @!p0 [spmem:s5], $0x100  }
.Ltmp2:
0xb8: {  	_ = 	snop;
	(pc) =	sbr.rel @p1 .LBB2_1-.Ltmp2, $4  }
0xb9: {  	s2 =	simm.s32 @!p0 $0x7  }
0xba: {  	_ =	swait.ge @!p0 [sflag:s2], $0x100  }
0xbb: {  	[sflag:s2] =	ssyncset.done @!p0 $0x0  }
0xbc: {  	[sflag:s2] =	ssyncadd.s32 @!p0 $0xFFFFFF00  }
0xbd: {  	_ =	sfence.sel $0x180000  }
0xbe: {  	[bflag:$0x0] =	sbarrier.arrive $0xFFFF  }
0xbf: {  	_ =	strace $0x9000004D  }
0xc0: {  	s0 =	stileid.u32;
	[bflag:$0x2] =	sbarrier.arrive $0xFFFF  }
0xc1: {  	p0 =	sne.s32 s0, $0x0;
	s0 =	rddreg [dreg:$0x3]  }
0xc2: {  	s0 =	sadd.s32 @!p0 $0x100000, s0  }
0xc3: {  	[sflag:s0] =	ssyncadd.tile.s32 @!p0 $0x1;
	_ =	shalt  }
.Lfunc_end2:
_tile_overlayer_lowered:
.L_overlay_start_2:
0xc4: {  	(tag) =	ssettag $0x2  }
0xc5: {  	s0 =	rddreg [dreg:$0x0];
	s2 =	stileid.u32  }
0xc6: {  	s1 =	rddreg [dreg:$0x1];
	p0 =	sne.s32 s2, $0x0  }
0xc7: {  	s3 =	rddreg [dreg:$0x2];
	[bflag:$0x3] =	sbarrier.arrive $0xFFFF;
	s2 =	simm.s32 @!p0 $0x1C07  }
0xc8: {  	[timem:s3], [sflag:s2] =	dma.local @!p0 [hbm:s0], s1  }
0xc9: {  	s0 =	simm.s32 @!p0 $0x7  }
0xca: {  	_ =	swait.ge @!p0 [sflag:s0], s1  }
0xcb: {  	s1 =	ssub.s32 @!p0 $0x0, s1;
	[sflag:s0] =	ssyncset.done @!p0 $0x0  }
0xcc: {  	[sflag:s0] =	ssyncadd.s32 @!p0 s1  }
0xcd: {  	[bflag:$0x3] =	sbarrier.arrive $0xFFFF  }
0xce: {  	_ =	shalt  }

// kernel: kernel.8.cloned.1.call-start
scs
__scs_entry_jumppad:
0x0: {  	(pc) =	sbr.rel $0x88, $3  }
0x1: {  	(tag) =	ssettag $0x0;
	lr =	simm.s32 $0x1  }
0x2: {  	[smem:$0x3F9C] =	sst lr;
	_ =	strace $0xD0000000  }
0x3: {  	_ = 	snop  }
0x4: {  	_ = 	snop  }
0x5: {  	_ = 	snop  }
0x6: {  	_ = 	snop  }
0x7: {  	_ = 	snop  }
__scs_overlays_trampoline_lowered:
0x8: {  	[smem:$0x3FAB] =	sst s0  }
0x9: {  	[smem:$0x3FAC] =	sst s1  }
0xa: {  	[smem:$0x3FAD] =	sst s2  }
0xb: {  	[smem:$0x3FAE] =	sst s3  }
0xc: {  	[smem:$0x3FAF] =	sst s4  }
0xd: {  	[smem:$0x3FB0] =	sst s5  }
0xe: {  	[smem:$0x3FB1] =	sst s6  }
0xf: {  	[smem:$0x3FB2] =	sst s7  }
0x10: {  	[smem:$0x3FB3] =	sst s8  }
0x11: {  	[smem:$0x3FB4] =	sst s9;
	s0 =	simm.s32 @!p0 $0x0  }
0x12: {  	s1 =	sld [smem:$0x3F9A];
	s0 =	simm.s32 @p0 $0x1  }
0x13: {  	[smem:$0x3FB5] =	sst s0;
	s0 =	simm.s32 @!p1 $0x0  }
0x14: {  	s2 =	sld [smem:$0x3F99];
	s0 =	simm.s32 @p1 $0x1  }
0x15: {  	[smem:$0x3FB6] =	sst s0;
	s0 =	simm.s32 @!p2 $0x0  }
0x16: {  	s3 =	sld [smem:$0x3FDB];
	s0 =	simm.s32 @p2 $0x1  }
0x17: {  	s4 =	simm.s32 $0x1BF5;
	[smem:$0x3FB8] =	sst s0  }
0x18: {  	s0 =	sld [smem:$0x3F9B];
	_ =	swait.ge [sflag:s4], $0x0  }
0x19: {  	s7 =	sld [smem:$0x3F9C]  }
0x1a: {  	s8 =	sadd.s32 $0xFFFFE003, lr  }
0x1b: {  	s9 =	sadd.s32 $0xFFFFFEF7, lr;
	s5 =	simm.s32 $0xFFFFFFFF;
	p2 =	slt.u32 s8, $0xFFFFF086  }
0x1c: {  	p1 =	slt.u32 s9, $0xF7A;
	s5 =	simm.s32 @!p2 $0x0  }
0x1d: {  	s5 =	simm.s32 @p1 $0x1;
	p0 =	seq.s32 s7, s2  }
0x1e: {  	s7 =	smul.u32 @!p0 $0xF7A, s2;
	p2 =	seq.s32 @!p0 s5, $0x0  }
0x1f: {  	s9 =	smul.u32 $0xF7A, s1;
	s8 =	simm.s32 @!p0 $0x1BF5;
	p2 =	por !p2, p0  }
0x20: {  	[sflag:s8] =	ssyncset.s32 @!p0 $0xFFFFF086;
	s6 =	sadd.s32 @!p0 s3, s7;
	s7 =	simm.s32 @!p0 $0x108  }
0x21: {  	s3 =	sadd.s32 s3, s9;
	s6 =	sadd.s32 @!p0 $0x88, s6;
	s7 =	simm.s32 @p2 $0x1082  }
0x22: {  	[simem:s7], [sflag:s8] =	dma.local @!p0 [hbm:s6], $0xF7A  }
0x23: {  	s9 =	sor.u32 $0xD0000000, s2;
	s6 =	simm.s32 $0x108;
	_ =	swait.ge @!p0 [sflag:s8], $0x0  }
0x24: {  	s3 =	sadd.s32 $0x88, s3;
	s6 =	simm.s32 @!p1 $0x1082;
	[sflag:s4] =	ssyncset.s32 $0xFFFFF086  }
0x25: {  	[simem:s6], [sflag:s4] =	dma.local [hbm:s3], $0xF7A  }
0x26: {  	[smem:$0x3F9C] =	sst s1;
	(tag) =	ssettag s2;
	_ =	strace s9  }
0x27: {  	s1 =	sld [smem:$0x3FAC]  }
0x28: {  	s2 =	sld [smem:$0x3FAD]  }
0x29: {  	s4 =	sld [smem:$0x3FAF]  }
0x2a: {  	p0 =	seq.s32 s5, $0x0;
	s5 =	sld [smem:$0x3FB0]  }
0x2b: {  	s6 =	sld [smem:$0x3FB1]  }
0x2c: {  	s7 =	sld [smem:$0x3FB2]  }
0x2d: {  	s3 =	simm.s32 $0x108;
	s8 =	sld [smem:$0x3FB3]  }
0x2e: {  	s3 =	simm.s32 @!p0 $0x1082;
	s9 =	sld [smem:$0x3FB4]  }
0x2f: {  	lr =	sadd.s32 s0, s3;
	s0 =	sld [smem:$0x3FAB]  }
0x30: {  	s3 =	sld [smem:$0x3FAE]  }
0x31: {  	[smem:$0x3FB7] =	sst s10  }
0x32: {  	s10 =	sld [smem:$0x3FB5];
	_ =	sdelay $0x3  }
0x33: {  	p0 =	seq.s32 s10, $0x1;
	s10 =	sld [smem:$0x3FB7];
	_ =	sdelay $0x3  }
0x34: {  	[smem:$0x3FB7] =	sst s10  }
0x35: {  	s10 =	sld [smem:$0x3FB6];
	_ =	sdelay $0x3  }
0x36: {  	p1 =	seq.s32 s10, $0x1;
	s10 =	sld [smem:$0x3FB7];
	_ =	sdelay $0x3  }
0x37: {  	[smem:$0x3FB7] =	sst s10  }
0x38: {  	s10 =	sld [smem:$0x3FB8]  }
0x39: {  	_ = 	snop;
	(pc) =	sbr.ind lr, $3  }
0x3a: {  	_ = 	snop  }
0x3b: {  	_ = 	snop  }
0x3c: {  	p2 =	seq.s32 s10, $0x1;
	s10 =	sld [smem:$0x3FB7]  }
0x3d: {  	_ =	shalt  }
0x3e: {  	_ =	shalt  }
0x3f: {  	_ =	shalt  }
0x40: {  	_ =	shalt  }
0x41: {  	_ =	shalt  }
0x42: {  	_ =	shalt  }
0x43: {  	_ =	shalt  }
0x44: {  	_ =	shalt  }
0x45: {  	_ =	shalt  }
0x46: {  	_ =	shalt  }
0x47: {  	_ =	shalt  }
0x48: {  	_ =	shalt  }
0x49: {  	_ =	shalt  }
0x4a: {  	_ =	shalt  }
0x4b: {  	_ =	shalt  }
0x4c: {  	_ =	shalt  }
0x4d: {  	_ =	shalt  }
0x4e: {  	_ =	shalt  }
0x4f: {  	_ =	shalt  }
0x50: {  	_ =	shalt  }
0x51: {  	_ =	shalt  }
0x52: {  	_ =	shalt  }
0x53: {  	_ =	shalt  }
0x54: {  	_ =	shalt  }
0x55: {  	_ =	shalt  }
0x56: {  	_ =	shalt  }
0x57: {  	_ =	shalt  }
0x58: {  	_ =	shalt  }
0x59: {  	_ =	shalt  }
0x5a: {  	_ =	shalt  }
0x5b: {  	_ =	shalt  }
0x5c: {  	_ =	shalt  }
0x5d: {  	_ =	shalt  }
0x5e: {  	_ =	shalt  }
0x5f: {  	_ =	shalt  }
0x60: {  	_ =	shalt  }
0x61: {  	_ =	shalt  }
0x62: {  	_ =	shalt  }
0x63: {  	_ =	shalt  }
0x64: {  	_ =	shalt  }
0x65: {  	_ =	shalt  }
0x66: {  	_ =	shalt  }
0x67: {  	_ =	shalt  }
0x68: {  	_ =	shalt  }
0x69: {  	_ =	shalt  }
0x6a: {  	_ =	shalt  }
0x6b: {  	_ =	shalt  }
0x6c: {  	_ =	shalt  }
0x6d: {  	_ =	shalt  }
0x6e: {  	_ =	shalt  }
0x6f: {  	_ =	shalt  }
0x70: {  	_ =	shalt  }
0x71: {  	_ =	shalt  }
0x72: {  	_ =	shalt  }
0x73: {  	_ =	shalt  }
0x74: {  	_ =	shalt  }
0x75: {  	_ =	shalt  }
0x76: {  	_ =	shalt  }
0x77: {  	_ =	shalt  }
0x78: {  	_ =	shalt  }
0x79: {  	_ =	shalt  }
0x7a: {  	_ =	shalt  }
0x7b: {  	_ =	shalt  }
0x7c: {  	_ =	shalt  }
0x7d: {  	_ =	shalt  }
0x7e: {  	_ =	shalt  }
0x7f: {  	_ =	shalt  }
0x80: {  	_ =	shalt  }
0x81: {  	_ =	shalt  }
0x82: {  	_ =	shalt  }
0x83: {  	_ =	shalt  }
0x84: {  	_ =	shalt  }
0x85: {  	_ =	shalt  }
0x86: {  	_ =	shalt  }
0x87: {  	_ =	shalt  }
.Lfunc_end0:
.L_simem_size_0:
called_computation_lowered:
.L_overlay_start_0:
0x88: {  	s2 =	sld [smem:$0x3FD9]  }
0x89: {  	s3 =	sld [smem:$0x3FFE];
	_ =	sdelay $0x1  }
0x8a: {  	s1 =	srdreg.scid  }
0x8b: {  	s0 =	sand.u32 $0x1, s1  }
0x8c: {  	s17 =	sshll.u32 s0, $0xA;
	s2 =	sadd.s32 s3, s2  }
0x8d: {  	s2 =	sadd.s32 s2, s17  }
0x8e: {  	[smem:$0x3FC3] =	sst s2  }
0x8f: {  	_ = 	snop  }
0x90: {  	s2 =	sld [smem:$0x3FC9];
	(tm) =	ssettm $0x1  }
0x91: {  	s18 =	sld [smem:$0x3FFB];
	_ =	sdelay $0x3  }
0x92: {  	_ =	strace s18  }
0x93: {  	s3 =	sld [smem:$0x3FFC];
	_ =	sdelay $0x3  }
0x94: {  	_ =	strace s3  }
0x95: {  	s3 =	sld [smem:$0x3FFD];
	_ =	sdelay $0x3  }
0x96: {  	_ =	strace s3  }
0x97: {  	_ =	strace $0x8FFFFFFF  }
0x98: {  	s19 =	sld [smem:$0x3FDB];
	_ =	sdelay $0x1  }
0x99: {  	s4 =	simm.s32 $_scs_section_size  }
0x9a: {  	s5 =	simm.s32 $_size__tile_overlayer_lowered;
	s6 =	simm.s32 $_tile_overlayer_lowered  }
0x9b: {  	s22 =	simm.s32 $0x1BFF;
	s21 =	sshll.u32 s6, $0x1;
	s3 =	sadd.s32 s4, s19  }
0x9c: {  	s7 =	simm.s32 $0x0;
	s20 =	sshll.u32 s5, $0x1;
	s5 =	sadd.s32 s21, s3  }
0x9d: {  	[timem:s7], [sflag:s22] =	dma.local [hbm:s5], s20  }
0x9e: {  	_ =	swait.ge [sflag:s22], s20  }
0x9f: {  	s4 =	ssub.s32 $0x0, s20;
	[sflag:s22] =	ssyncset.done $0x0  }
0xa0: {  	[sflag:s22] =	ssyncadd.s32 s4;
	_ =	sdelay $0x1  }
0xa1: {  	s23 =	simm.s32 $0x1B8B  }
0xa2: {  	_ =	swait.ge [sflag:s23], $0x1  }
0xa3: {  	[sflag:s23] =	ssyncset.done $0x0  }
0xa4: {  	s25 =	simm.s32 $0x1B8E;
	s24 =	sld [smem:$0x3FFE];
	[sflag:s23] =	ssyncadd.s32 $0xFFFFFFFF  }
0xa5: {  	s26 =	simm.s32 $execute0_lowered;
	[smem:$0x3FD2] =	sst s25  }
0xa6: {  	s5 =	sshll.u32 s26, $0x1;
	_ =	strace $0x80000046;
	[dreg:$0x1] =	wrdreg $0xFFFFFFFF  }
0xa7: {  	s28 =	simm.s32 $_size_execute0_lowered;
	s3 =	sadd.s32 s3, s5;
	[dreg:$0x0] =	wrdreg $0x0  }
0xa8: {  	s5 =	sshll.u32 s28, $0x1;
	[dreg:$0x2] =	wrdreg s3  }
0xa9: {  	[dreg:$0x3] =	wrdreg s5  }
0xaa: {  	[dreg:$0x4] =	wrdreg $0xC0  }
0xab: {  	_ =	task [dreg:s7], $0x5FFFF  }
0xac: {  	[dreg:$0x1] =	wrdreg $0xFFFFFFFF  }
0xad: {  	[dreg:$0x0] =	wrdreg $0x60  }
0xae: {  	[dreg:$0x2] =	wrdreg s2  }
0xaf: {  	[dreg:$0x3] =	wrdreg s24  }
0xb0: {  	[dreg:$0x4] =	wrdreg $0xC7000  }
0xb1: {  	[dreg:$0x5] =	wrdreg $0x9  }
0xb2: {  	_ =	task.clear_ibuf [dreg:s7], $0x6FFFF;
	_ =	strace $0x90000046  }
0xb3: {  	s29 =	simm.s32 $0x9;
	_ =	strace $0x80000048  }
0xb4: {  	_ =	swait.ge [sflag:s29], $0x1  }
0xb5: {  	[sflag:s29] =	ssyncadd.s32 $0xFFFFFFFF  }
0xb6: {  	_ =	strace $0x90000048  }
0xb7: {  	_ =	sfence  }
0xb8: {  	s30 =	sld [smem:$0x0];
	_ =	sdelay $0x2  }
0xb9: {  	s31 =	sshll.u32 s1, $0xD;
	s1 =	sshrl.u32 s1, $0x2  }
0xba: {  	s3 =	sand.u32 $0x4000, s31;
	s1 =	sadd.s32 s1, s30  }
0xbb: {  	s0 =	sor.u32 s3, s0;
	s1 =	sshll.u32 s1, $0x11  }
0xbc: {  	s0 =	sor.u32 s1, s0  }
0xbd: {  	s0 =	sadd.s32 $0x8F2B, s0  }
0xbe: {  	[sflag:s0] =	ssyncadd.remote.s32 $0x1  }
0xbf: {  	_ =	sfence.sel $0xFFFF  }
0xc0: {  	[dreg:$0x0] =	wrdreg $0xFFFFFFFF;
	(pc) =	sbr.abs _section_cstart, $3  }
0xc1: {  	[dreg:$0x1] =	wrdreg $0xFFFFFFFF  }
0xc2: {  	_ =	task.clear_ibuf [dreg:s7], $0x2FFFF;
	_ =	strace $0x9FFFFFFF  }
0xc3: {  	(tm) =	ssettm $0x7FFFFFFF  }
tec
execute0_lowered:
.L_overlay_start_1:
0x0: {  	(tag) =	ssettag $0x1  }
0x1: {  	s1 =	rddreg [dreg:$0x0];
	s0 =	srdreg.scid  }
0x2: {  	s10 =	stileid.u32;
	s2 =	rddreg [dreg:$0x1]  }
0x3: {  	s3 =	rddreg [dreg:$0x2];
	s5 =	simm.s32 $0x0;
	s28 =	simm.s32 $0x7700  }
0x4: {  	s30 =	simm.s32 $0x9F00;
	s29 =	simm.s32 $0x5;
	s31 =	simm.s32 $0x3  }
0x5: {  	s0 =	sand.u32 $0x1, s0;
	s4 =	sshll.u32 s10, $0x1;
	s8 =	smul.u32 $0x13800, s10  }
0x6: {  	[smem:$0x7FF] =	sst s5;
	s6 =	sadd.s32 $0x15E00, s2;
	s21 =	smul.u32 $0x4E000, s10  }
0x7: {  	s4 =	sor.u32 s0, s4;
	s19 =	ssub.s32 $0x2, s0;
	s0 =	smul.u32 $0x138800, s0  }
0x8: {  	p0 =	sne.s32 s10, $0xF;
	s4 =	smul.u32 $0x4E2, s4;
	s7 =	sshrl.u32 s19, $0x1  }
0x9: {  	_ =	strace $0x80000047;
	s5 =	ssub.s32 s19, s7;
	s7 =	sadd.s32 $0x138000, s3  }
0xa: {  	s8 =	sadd.s32 s8, s0;
	s0 =	sshrl.u32 s0, $0x3;
	s4 =	sadd.s32 s4, s2  }
0xb: {  	s2 =	sadd.s32 $0x64000, s2;
	s8 =	sshrl.u32 s8, $0x3;
	s24 =	smax.u32 s5, $0x1  }
0xc: {  	s0 =	sadd.s32 $0x27000, s0;
	s20 =	sadd.s32 $0xC000, s4;
	[dreg:$0xa] =	wrdreg s24  }
0xd: {  	s5 =	simm.s32 $0x6;
	s4 =	sadd.s32 $0x2200, s4;
	[dreg:$0x4] =	wrdreg s20  }
0xe: {  	s9 =	sadd.s32 s6, s8;
	s22 =	sadd.s32 s6, s0;
	[dreg:$0x5] =	wrdreg s4  }
0xf: {  	s23 =	sadd.s32 s2, s8;
	s0 =	sadd.s32 s2, s0;
	[dreg:$0x6] =	wrdreg s9  }
0x10: {  	s24 =	simm.s32 $0x1;
	s6 =	simm.s32 $0x7;
	[dreg:$0x7] =	wrdreg s22  }
0x11: {  	s8 =	simm.s32 $0x0;
	s4 =	sshrl.u32 s21, $0x2;
	[dreg:$0x8] =	wrdreg s23  }
0x12: {  	[dreg:$0x9] =	wrdreg s0;
	s22 =	simm.s32 $0x4F00;
	s9 =	sadd.s32 s4, s3  }
0x13: {  	s23 =	simm.s32 $0x4;
	s13 =	sadd.s32 $0x2700, s9;
	s14 =	sadd.s32 $0x4E00, s9  }
0x14: {  	s15 =	sadd.s32 $0x7500, s9;
	s21 =	sadd.s32 $0x9C00, s9;
	s25 =	sadd.s32 $0xC300, s9  }
0x15: {  	s26 =	sadd.s32 $0xEA00, s9;
	s20 =	sadd.s32 $0x11100, s9;
	[dreg:$0xb] =	wrdreg s25  }
0x16: {  	v0 =	vimm.f32 $0.0e+00;
	v1 =	vimm.f32 $1.000000000e+00;
	[dreg:$0xc] =	wrdreg s26;
	s25 =	simm.s32 $0x2;
	s26 =	simm.s32 $0x50  }
.LBB2_1:
0x17: {  	s2 =	simm.s32 $0x0;
	s0 =	rddreg [dreg:$0x4]  }
0x18: {  	[tilespmem:s2], [sflag:$0x1] =	stream.linear.gather [hbm4b:s0+s2], $0x2710, $0x38;
	[tilespmem:$0x1FF80] =	vst v63  }
0x19: {  	s17 =	rddreg [dreg:$0x5];
	s4 =	simm.s32 $0x2780;
	s18 =	sand.u32 $0xFE00, s2  }
0x1a: {  	[tilespmem:s4], [sflag:$0x2] =	stream.linear.gather [hbm4b:s17+s2], $0x2710, $0x38;
	[tilespmem:$0x1FF80] =	vst v63  }
0x1b: {  	s19 =	sshrl.u32 s18, $0x2;
	s2 =	sand.u32 $0x70, s2  }
0x1c: {  	s0 =	simm.s32 $0x40;
	s4 =	sor.u32 s2, s19;
	s2 =	simm.s32 $0x0  }
.LBB2_2:
0x1d: {  	p1 =	sne.s32 s0, $0x9BC0  }
0x1e: {  	[tilespmem:s4+$0x4F00] =	vst v0;
	s2 =	sadd.s32 $0x10, s2;
	s4 =	smov.u32 s0;
	s0 =	sadd.s32 $0x40, s0  }
.Ltmp0:
0x1f: {  	(pc) =	sbr.rel @p1 .LBB2_2-.Ltmp0, $4  }
0x20: {  	_ = 	snop  }
0x21: {  	s4 =	sand.u32 $0xFE00, s4  }
0x22: {  	s10 =	sand.u32 $0x70, s2;
	s4 =	sshrl.u32 s4, $0x2  }
0x23: {  	s4 =	sor.u32 s10, s4  }
0x24: {  	[tilespmem:s4+$0x4F00] =	vst v0  }
0x25: {  	[spmem:s9] =	stream.linear.scatter [tilespmem:s22], [sflag:$0x4], $0x2700, $0x38;
	[tilespmem:$0x1FF80] =	vst v63  }
0x26: {  	_ = 	snop  }
0x27: {  	[spmem:s13] =	stream.linear.scatter [tilespmem:s22], [sflag:$0x4], $0x2700, $0x38;
	[tilespmem:$0x1FF80] =	vst v63  }
0x28: {  	_ = 	snop  }
0x29: {  	[spmem:s14] =	stream.linear.scatter [tilespmem:s22], [sflag:$0x4], $0x2700, $0x38;
	[tilespmem:$0x1FF80] =	vst v63  }
0x2a: {  	_ = 	snop  }
0x2b: {  	[spmem:s15] =	stream.linear.scatter [tilespmem:s22], [sflag:$0x4], $0x2700, $0x38;
	[tilespmem:$0x1FF80] =	vst v63  }
0x2c: {  	_ = 	snop  }
0x2d: {  	[spmem:s21] =	stream.linear.scatter [tilespmem:s22], [sflag:$0x4], $0x2700, $0x38;
	[tilespmem:$0x1FF80] =	vst v63  }
0x2e: {  	s0 =	rddreg [dreg:$0xb]  }
0x2f: {  	[spmem:s0] =	stream.linear.scatter [tilespmem:s22], [sflag:$0x4], $0x2700, $0x38;
	[tilespmem:$0x1FF80] =	vst v63  }
0x30: {  	s16 =	smov.u32 s13;
	s13 =	rddreg [dreg:$0xc]  }
0x31: {  	[spmem:s13] =	stream.linear.scatter [tilespmem:s22], [sflag:$0x4], $0x2700, $0x38;
	[tilespmem:$0x1FF80] =	vst v63  }
0x32: {  	_ = 	snop  }
0x33: {  	[spmem:s20] =	stream.linear.scatter [tilespmem:s22], [sflag:$0x4], $0x2700, $0x38;
	[tilespmem:$0x1FF80] =	vst v63  }
0x34: {  	s0 =	simm.s32 @!p0 $0x4F00  }
0x35: {  	[spmem:s7] =	stream.linear.scatter @!p0 [tilespmem:s0], [sflag:$0x5], $0x800, $0x38;
	[tilespmem:$0x1FF80] =	vst v63  }
0x36: {  	_ =	swait.ge [sflag:s23], $0x2700  }
0x37: {  	[sflag:s23] =	ssyncset.done $0x0  }
0x38: {  	[sflag:s23] =	ssyncadd.s32 $0xFFFFD900  }
0x39: {  	_ =	swait.ge [sflag:s23], $0x2700  }
0x3a: {  	[sflag:s23] =	ssyncset.done $0x0  }
0x3b: {  	[sflag:s23] =	ssyncadd.s32 $0xFFFFD900  }
0x3c: {  	_ =	swait.ge [sflag:s23], $0x2700  }
0x3d: {  	[sflag:s23] =	ssyncset.done $0x0  }
0x3e: {  	[sflag:s23] =	ssyncadd.s32 $0xFFFFD900  }
0x3f: {  	_ =	swait.ge [sflag:s23], $0x2700  }
0x40: {  	[sflag:s23] =	ssyncset.done $0x0  }
0x41: {  	[sflag:s23] =	ssyncadd.s32 $0xFFFFD900  }
0x42: {  	_ =	swait.ge [sflag:s23], $0x2700  }
0x43: {  	[sflag:s23] =	ssyncset.done $0x0  }
0x44: {  	[sflag:s23] =	ssyncadd.s32 $0xFFFFD900  }
0x45: {  	_ =	swait.ge [sflag:s23], $0x2700  }
0x46: {  	[sflag:s23] =	ssyncset.done $0x0  }
0x47: {  	[sflag:s23] =	ssyncadd.s32 $0xFFFFD900  }
0x48: {  	_ =	swait.ge [sflag:s23], $0x2700  }
0x49: {  	[sflag:s23] =	ssyncset.done $0x0  }
0x4a: {  	[sflag:s23] =	ssyncadd.s32 $0xFFFFD900  }
0x4b: {  	_ =	swait.ge [sflag:s23], $0x2700  }
0x4c: {  	[sflag:s23] =	ssyncset.done $0x0  }
0x4d: {  	s0 =	simm.s32 @!p0 $0x5;
	[sflag:s23] =	ssyncadd.s32 $0xFFFFD900  }
0x4e: {  	_ =	swait.ge @!p0 [sflag:s0], $0x800  }
0x4f: {  	[sflag:s0] =	ssyncset.done @!p0 $0x0  }
0x50: {  	[sflag:s0] =	ssyncadd.s32 @!p0 $0xFFFFF800  }
0x51: {  	_ =	swait.ge [sflag:s24], $0x2710  }
0x52: {  	[sflag:s24] =	ssyncset.done $0x0  }
0x53: {  	[sflag:s24] =	ssyncadd.s32 $0xFFFFD8F0  }
0x54: {  	_ =	swait.ge [sflag:s25], $0x2710  }
0x55: {  	[sflag:s25] =	ssyncset.done $0x0  }
0x56: {  	[sflag:s25] =	ssyncadd.s32 $0xFFFFD8F0  }
0x57: {  	s17 =	smov.u32 s14;
	s14 =	simm.s32 $0x0;
	[bflag:$0x0] =	sbarrier.arrive $0xFFFF  }
0x58: {  	[tilespmem:s22], [sflag:$0x1] =	stream.indirect.gather [hbm4b:s1+s26], $0x80, s14, s26, $0xb8;
	[tilespmem:$0x1FF80] =	vst v63  }
0x59: {  	_ = 	snop  }
0x5a: {  	[tilespmem:s28], [sflag:$0x2] =	stream.indirect.gather [hbm4b:s1+s26], $0x80, s26, s26, $0xb8;
	[tilespmem:$0x1FF80] =	vst v63  }
0x5b: {  	s18 =	smov.u32 s15;
	s15 =	simm.s32 $0xA0  }
0x5c: {  	[tilespmem:s30], [sflag:$0x3] =	stream.indirect.gather [hbm4b:s1+s26], $0x80, s15, s26, $0xb8;
	[tilespmem:$0x1FF80] =	vst v63  }
0x5d: {  	_ =	swait.ge [sflag:s24], $0x2800  }
0x5e: {  	[sflag:s24] =	ssyncset.done $0x0  }
0x5f: {  	s19 =	smov.u32 s21;
	s21 =	simm.s32 $0x2780;
	[sflag:s24] =	ssyncadd.s32 $0xFFFFD800  }
0x60: {  	[spmem:s3] =	stream.indirect.scatter.add.f32 [tilespmem:s22], [sflag:$0x4], $0x80, s21, s26, $0xb8;
	[tilespmem:$0x1FF80] =	vst v63  }
0x61: {  	_ =	swait.ge [sflag:s23], $0x2800  }
0x62: {  	[sflag:s23] =	ssyncset.done $0x0  }
0x63: {  	s2 =	simm.s32 $0xF0;
	[sflag:s23] =	ssyncadd.s32 $0xFFFFD800  }
0x64: {  	[tilespmem:s22], [sflag:$0x1] =	stream.indirect.gather [hbm4b:s1+s26], $0x80, s2, s26, $0xb8;
	[tilespmem:$0x1FF80] =	vst v63  }
0x65: {  	_ =	swait.ge [sflag:s25], $0x2800  }
0x66: {  	[sflag:s25] =	ssyncset.done $0x0  }
0x67: {  	s4 =	simm.s32 $0x27D0;
	[sflag:s25] =	ssyncadd.s32 $0xFFFFD800  }
0x68: {  	[spmem:s3] =	stream.indirect.scatter.add.f32 [tilespmem:s28], [sflag:$0x5], $0x80, s4, s26, $0xb8;
	[tilespmem:$0x1FF80] =	vst v63  }
0x69: {  	_ =	swait.ge [sflag:s29], $0x2800  }
0x6a: {  	[sflag:s29] =	ssyncset.done $0x0  }
0x6b: {  	s10 =	simm.s32 $0x140;
	[sflag:s29] =	ssyncadd.s32 $0xFFFFD800  }
0x6c: {  	[tilespmem:s28], [sflag:$0x2] =	stream.indirect.gather [hbm4b:s1+s26], $0x80, s10, s26, $0xb8;
	[tilespmem:$0x1FF80] =	vst v63  }
0x6d: {  	_ =	swait.ge [sflag:s31], $0x2800  }
0x6e: {  	[sflag:s31] =	ssyncset.done $0x0  }
0x6f: {  	s11 =	simm.s32 $0x2820;
	[sflag:s31] =	ssyncadd.s32 $0xFFFFD800  }
0x70: {  	[spmem:s3] =	stream.indirect.scatter.add.f32 [tilespmem:s30], [sflag:$0x6], $0x80, s11, s26, $0xb8;
	[tilespmem:$0x1FF80] =	vst v63  }
0x71: {  	_ =	swait.ge [sflag:s5], $0x2800  }
0x72: {  	[sflag:s5] =	ssyncset.done $0x0  }
0x73: {  	s12 =	simm.s32 $0x190;
	[sflag:s5] =	ssyncadd.s32 $0xFFFFD800  }
0x74: {  	[tilespmem:s30], [sflag:$0x3] =	stream.indirect.gather [hbm4b:s1+s26], $0x80, s12, s26, $0xb8;
	[tilespmem:$0x1FF80] =	vst v63  }
0x75: {  	_ =	swait.ge [sflag:s24], $0x2800  }
0x76: {  	[sflag:s24] =	ssyncset.done $0x0  }
0x77: {  	s13 =	simm.s32 $0x2870;
	[sflag:s24] =	ssyncadd.s32 $0xFFFFD800  }
0x78: {  	[spmem:s3] =	stream.indirect.scatter.add.f32 [tilespmem:s22], [sflag:$0x4], $0x80, s13, s26, $0xb8;
	[tilespmem:$0x1FF80] =	vst v63  }
0x79: {  	_ =	swait.ge [sflag:s23], $0x2800  }
0x7a: {  	[sflag:s23] =	ssyncset.done $0x0  }
0x7b: {  	s14 =	simm.s32 $0x1E0;
	[sflag:s23] =	ssyncadd.s32 $0xFFFFD800  }
0x7c: {  	[tilespmem:s22], [sflag:$0x1] =	stream.indirect.gather [hbm4b:s1+s26], $0x80, s14, s26, $0xb8;
	[tilespmem:$0x1FF80] =	vst v63  }
0x7d: {  	_ =	swait.ge [sflag:s25], $0x2800  }
0x7e: {  	[sflag:s25] =	ssyncset.done $0x0  }
0x7f: {  	s15 =	simm.s32 $0x28C0;
	[sflag:s25] =	ssyncadd.s32 $0xFFFFD800  }
0x80: {  	[spmem:s3] =	stream.indirect.scatter.add.f32 [tilespmem:s28], [sflag:$0x5], $0x80, s15, s26, $0xb8;
	[tilespmem:$0x1FF80] =	vst v63  }
0x81: {  	_ =	swait.ge [sflag:s29], $0x2800  }
0x82: {  	[sflag:s29] =	ssyncset.done $0x0  }
0x83: {  	s21 =	simm.s32 $0x230;
	[sflag:s29] =	ssyncadd.s32 $0xFFFFD800  }
0x84: {  	[tilespmem:s28], [sflag:$0x2] =	stream.indirect.gather [hbm4b:s1+s26], $0x80, s21, s26, $0xb8;
	[tilespmem:$0x1FF80] =	vst v63  }
0x85: {  	_ =	swait.ge [sflag:s31], $0x2800  }
0x86: {  	[sflag:s31] =	ssyncset.done $0x0  }
0x87: {  	s0 =	simm.s32 $0x2910;
	s10 =	simm.s32 $0x3C0;
	[sflag:s31] =	ssyncadd.s32 $0xFFFFD800  }
.LBB2_4:
0x88: {  	[spmem:s3] =	stream.indirect.scatter.add.f32 [tilespmem:s30], [sflag:$0x6], $0x80, s0, s26, $0xb8;
	[tilespmem:$0x1FF80] =	vst v63  }
0x89: {  	s0 =	smov.u32 s10  }
0x8a: {  	p1 =	sne.s32 s10, $0x9240;
	s10 =	sadd.s32 $0x3C0, s10;
	_ =	swait.ge [sflag:s5], $0x2800  }
0x8b: {  	s0 =	sshra.s32 s0, $0x2;
	[sflag:s5] =	ssyncset.done $0x0  }
0x8c: {  	s2 =	sadd.s32 $0x190, s0;
	[sflag:s5] =	ssyncadd.s32 $0xFFFFD800  }
0x8d: {  	[tilespmem:s30], [sflag:$0x3] =	stream.indirect.gather [hbm4b:s1+s26], $0x80, s2, s26, $0xb8;
	[tilespmem:$0x1FF80] =	vst v63  }
0x8e: {  	_ =	swait.ge [sflag:s24], $0x2800  }
0x8f: {  	[sflag:s24] =	ssyncset.done $0x0  }
0x90: {  	s2 =	sadd.s32 $0x2870, s0;
	[sflag:s24] =	ssyncadd.s32 $0xFFFFD800  }
0x91: {  	[spmem:s3] =	stream.indirect.scatter.add.f32 [tilespmem:s22], [sflag:$0x4], $0x80, s2, s26, $0xb8;
	[tilespmem:$0x1FF80] =	vst v63  }
0x92: {  	_ =	swait.ge [sflag:s23], $0x2800  }
0x93: {  	[sflag:s23] =	ssyncset.done $0x0  }
0x94: {  	s2 =	sadd.s32 $0x1E0, s0;
	[sflag:s23] =	ssyncadd.s32 $0xFFFFD800  }
0x95: {  	[tilespmem:s22], [sflag:$0x1] =	stream.indirect.gather [hbm4b:s1+s26], $0x80, s2, s26, $0xb8;
	[tilespmem:$0x1FF80] =	vst v63  }
0x96: {  	_ =	swait.ge [sflag:s25], $0x2800  }
0x97: {  	[sflag:s25] =	ssyncset.done $0x0  }
0x98: {  	s2 =	sadd.s32 $0x28C0, s0;
	[sflag:s25] =	ssyncadd.s32 $0xFFFFD800  }
0x99: {  	[spmem:s3] =	stream.indirect.scatter.add.f32 [tilespmem:s28], [sflag:$0x5], $0x80, s2, s26, $0xb8;
	[tilespmem:$0x1FF80] =	vst v63  }
0x9a: {  	_ =	swait.ge [sflag:s29], $0x2800  }
0x9b: {  	[sflag:s29] =	ssyncset.done $0x0  }
.Ltmp1:
0x9c: {  	s2 =	sadd.s32 $0x230, s0;
	[sflag:s29] =	ssyncadd.s32 $0xFFFFD800;
	(pc) =	sbr.rel @p1 .LBB2_4-.Ltmp1, $4  }
0x9d: {  	[tilespmem:s28], [sflag:$0x2] =	stream.indirect.gather [hbm4b:s1+s26], $0x80, s2, s26, $0xb8;
	[tilespmem:$0x1FF80] =	vst v63  }
0x9e: {  	_ =	swait.ge [sflag:s31], $0x2800  }
0x9f: {  	[sflag:s31] =	ssyncset.done $0x0  }
0xa0: {  	s0 =	sadd.s32 $0x2910, s0;
	[sflag:s31] =	ssyncadd.s32 $0xFFFFD800  }
0xa1: {  	[spmem:s3] =	stream.indirect.scatter.add.f32 [tilespmem:s30], [sflag:$0x6], $0x80, s0, s26, $0xb8;
	[tilespmem:$0x1FF80] =	vst v63  }
0xa2: {  	_ =	swait.ge [sflag:s5], $0x2800  }
0xa3: {  	[sflag:s5] =	ssyncset.done $0x0  }
0xa4: {  	[sflag:s5] =	ssyncadd.s32 $0xFFFFD800  }
0xa5: {  	_ =	swait.ge [sflag:s24], $0x2800  }
0xa6: {  	[sflag:s24] =	ssyncset.done $0x0  }
0xa7: {  	s13 =	simm.s32 $0x4DF0;
	[sflag:s24] =	ssyncadd.s32 $0xFFFFD800  }
0xa8: {  	[spmem:s3] =	stream.indirect.scatter.add.f32 [tilespmem:s22], [sflag:$0x4], $0x80, s13, s26, $0xb8;
	[tilespmem:$0x1FF80] =	vst v63  }
0xa9: {  	_ =	swait.ge [sflag:s25], $0x2800  }
0xaa: {  	[sflag:s25] =	ssyncset.done $0x0  }
0xab: {  	s14 =	simm.s32 $0x4E40;
	[sflag:s25] =	ssyncadd.s32 $0xFFFFD800  }
0xac: {  	[spmem:s3] =	stream.indirect.scatter.add.f32 [tilespmem:s28], [sflag:$0x5], $0x80, s14, s26, $0xb8;
	[tilespmem:$0x1FF80] =	vst v63  }
0xad: {  	_ =	swait.ge [sflag:s23], $0x2800  }
0xae: {  	[sflag:s23] =	ssyncset.done $0x0  }
0xaf: {  	[sflag:s23] =	ssyncadd.s32 $0xFFFFD800  }
0xb0: {  	_ =	swait.ge [sflag:s29], $0x2800  }
0xb1: {  	[sflag:s29] =	ssyncset.done $0x0  }
0xb2: {  	s15 =	stileid.u32;
	[sflag:s29] =	ssyncadd.s32 $0xFFFFD800  }
0xb3: {  	s0 =	sshll.u32 s15, $0x6;
	[bflag:$0x0] =	sbarrier.arrive $0xFFFF  }
0xb4: {  	s11 =	sshrl.u32 s9, $0x3;
	s10 =	sor.u32 $0x1C07, s0;
	s21 =	rddreg [dreg:$0x6]  }
0xb5: {  	[hbm:s21], [sflag:s10] =	dma.local [spmem:s11], $0x2700  }
0xb6: {  	_ =	swait.ge [sflag:s6], $0x2700  }
0xb7: {  	[sflag:s6] =	ssyncset.done $0x0  }
0xb8: {  	s12 =	sshrl.u32 @!p0 s7, $0x3;
	s0 =	rddreg [dreg:$0x7];
	[sflag:s6] =	ssyncadd.s32 $0xFFFFD900  }
0xb9: {  	[hbm:s0], [sflag:s10] =	dma.local @!p0 [spmem:s12], $0x100  }
0xba: {  	s0 =	simm.s32 @!p0 $0x7  }
0xbb: {  	s13 =	simm.s32 $0x0;
	_ =	swait.ge @!p0 [sflag:s0], $0x100  }
0xbc: {  	s4 =	sand.u32 $0xFE00, s13;
	[sflag:s0] =	ssyncset.done @!p0 $0x0  }
0xbd: {  	s2 =	sand.u32 $0x70, s13;
	[sflag:s0] =	ssyncadd.s32 @!p0 $0xFFFFFF00;
	s0 =	sshrl.u32 s4, $0x2  }
0xbe: {  	s21 =	simm.s32 $0x40;
	s4 =	simm.s32 $0x0;
	s14 =	sor.u32 s2, s0  }
.LBB2_6:
0xbf: {  	p1 =	sne.s32 s21, $0x9BC0  }
0xc0: {  	[tilespmem:s14+$0x4F00] =	vst v0;
	s4 =	sadd.s32 $0x10, s4;
	s14 =	smov.u32 s21;
	s21 =	sadd.s32 $0x40, s21  }
.Ltmp2:
0xc1: {  	(pc) =	sbr.rel @p1 .LBB2_6-.Ltmp2, $4  }
0xc2: {  	_ = 	snop  }
0xc3: {  	s14 =	sand.u32 $0xFE00, s14  }
0xc4: {  	s15 =	sand.u32 $0x70, s4;
	s14 =	sshrl.u32 s14, $0x2  }
0xc5: {  	s14 =	sor.u32 s15, s14  }
0xc6: {  	[tilespmem:s14+$0x4F00] =	vst v0;
	s21 =	simm.s32 $0x40;
	s0 =	sor.u32 s2, s0  }
.LBB2_8:
0xc7: {  	p1 =	sne.s32 s21, $0x9FC0  }
0xc8: {  	[tilespmem:s0+$0x7700] =	vst v1;
	s13 =	sadd.s32 $0x10, s13;
	s0 =	smov.u32 s21;
	s21 =	sadd.s32 $0x40, s21  }
.Ltmp3:
0xc9: {  	(pc) =	sbr.rel @p1 .LBB2_8-.Ltmp3, $4  }
0xca: {  	_ = 	snop  }
0xcb: {  	s0 =	sand.u32 $0xFE00, s0  }
0xcc: {  	s2 =	sand.u32 $0x70, s13;
	s0 =	sshrl.u32 s0, $0x2  }
0xcd: {  	s0 =	sor.u32 s2, s0  }
0xce: {  	[tilespmem:s0+$0x7700] =	vst v1  }
0xcf: {  	[spmem:s9] =	stream.linear.scatter [tilespmem:s22], [sflag:$0x4], $0x2700, $0x38;
	[tilespmem:$0x1FF80] =	vst v63  }
0xd0: {  	_ = 	snop  }
0xd1: {  	[spmem:s16] =	stream.linear.scatter [tilespmem:s22], [sflag:$0x4], $0x2700, $0x38;
	[tilespmem:$0x1FF80] =	vst v63  }
0xd2: {  	_ = 	snop  }
0xd3: {  	[spmem:s17] =	stream.linear.scatter [tilespmem:s22], [sflag:$0x4], $0x2700, $0x38;
	[tilespmem:$0x1FF80] =	vst v63  }
0xd4: {  	_ = 	snop  }
0xd5: {  	[spmem:s18] =	stream.linear.scatter [tilespmem:s22], [sflag:$0x4], $0x2700, $0x38;
	[tilespmem:$0x1FF80] =	vst v63  }
0xd6: {  	_ = 	snop  }
0xd7: {  	[spmem:s19] =	stream.linear.scatter [tilespmem:s22], [sflag:$0x4], $0x2700, $0x38;
	[tilespmem:$0x1FF80] =	vst v63  }
0xd8: {  	s13 =	smov.u32 s16;
	s16 =	rddreg [dreg:$0xb]  }
0xd9: {  	[spmem:s16] =	stream.linear.scatter [tilespmem:s22], [sflag:$0x4], $0x2700, $0x38;
	[tilespmem:$0x1FF80] =	vst v63  }
0xda: {  	s14 =	smov.u32 s17;
	s17 =	rddreg [dreg:$0xc]  }
0xdb: {  	[spmem:s17] =	stream.linear.scatter [tilespmem:s22], [sflag:$0x4], $0x2700, $0x38;
	[tilespmem:$0x1FF80] =	vst v63  }
0xdc: {  	_ = 	snop  }
0xdd: {  	[spmem:s20] =	stream.linear.scatter [tilespmem:s22], [sflag:$0x4], $0x2700, $0x38;
	[tilespmem:$0x1FF80] =	vst v63  }
0xde: {  	s0 =	simm.s32 @!p0 $0x4F00  }
0xdf: {  	[spmem:s7] =	stream.linear.scatter @!p0 [tilespmem:s0], [sflag:$0x5], $0x800, $0x38;
	[tilespmem:$0x1FF80] =	vst v63  }
0xe0: {  	_ =	swait.ge [sflag:s23], $0x2700  }
0xe1: {  	[sflag:s23] =	ssyncset.done $0x0  }
0xe2: {  	[sflag:s23] =	ssyncadd.s32 $0xFFFFD900  }
0xe3: {  	_ =	swait.ge [sflag:s23], $0x2700  }
0xe4: {  	[sflag:s23] =	ssyncset.done $0x0  }
0xe5: {  	[sflag:s23] =	ssyncadd.s32 $0xFFFFD900  }
0xe6: {  	_ =	swait.ge [sflag:s23], $0x2700  }
0xe7: {  	[sflag:s23] =	ssyncset.done $0x0  }
0xe8: {  	[sflag:s23] =	ssyncadd.s32 $0xFFFFD900  }
0xe9: {  	_ =	swait.ge [sflag:s23], $0x2700  }
0xea: {  	[sflag:s23] =	ssyncset.done $0x0  }
0xeb: {  	[sflag:s23] =	ssyncadd.s32 $0xFFFFD900  }
0xec: {  	_ =	swait.ge [sflag:s23], $0x2700  }
0xed: {  	[sflag:s23] =	ssyncset.done $0x0  }
0xee: {  	[sflag:s23] =	ssyncadd.s32 $0xFFFFD900  }
0xef: {  	_ =	swait.ge [sflag:s23], $0x2700  }
0xf0: {  	[sflag:s23] =	ssyncset.done $0x0  }
0xf1: {  	[sflag:s23] =	ssyncadd.s32 $0xFFFFD900  }
0xf2: {  	_ =	swait.ge [sflag:s23], $0x2700  }
0xf3: {  	[sflag:s23] =	ssyncset.done $0x0  }
0xf4: {  	[sflag:s23] =	ssyncadd.s32 $0xFFFFD900  }
0xf5: {  	_ =	swait.ge [sflag:s23], $0x2700  }
0xf6: {  	[sflag:s23] =	ssyncset.done $0x0  }
0xf7: {  	s0 =	simm.s32 @!p0 $0x5;
	[sflag:s23] =	ssyncadd.s32 $0xFFFFD900  }
0xf8: {  	_ =	swait.ge @!p0 [sflag:s0], $0x800  }
0xf9: {  	[sflag:s0] =	ssyncset.done @!p0 $0x0  }
0xfa: {  	[sflag:s0] =	ssyncadd.s32 @!p0 $0xFFFFF800  }
0xfb: {  	s15 =	smov.u32 s18;
	s18 =	simm.s32 $0x2780;
	[bflag:$0x0] =	sbarrier.arrive $0xFFFF  }
0xfc: {  	[spmem:s3] =	stream.indirect.scatter.add.f32 [tilespmem:s28], [sflag:$0x6], $0x80, s18, s26, $0xb8;
	[tilespmem:$0x1FF80] =	vst v63  }
0xfd: {  	s21 =	smov.u32 s19;
	s19 =	simm.s32 $0x27D0  }
0xfe: {  	[spmem:s3] =	stream.indirect.scatter.add.f32 [tilespmem:s28], [sflag:$0x6], $0x80, s19, s26, $0xb8;
	[tilespmem:$0x1FF80] =	vst v63  }
0xff: {  	s2 =	simm.s32 $0x2820  }
0x100: {  	[spmem:s3] =	stream.indirect.scatter.add.f32 [tilespmem:s28], [sflag:$0x6], $0x80, s2, s26, $0xb8;
	[tilespmem:$0x1FF80] =	vst v63  }
0x101: {  	s4 =	simm.s32 $0x2870  }
0x102: {  	[spmem:s3] =	stream.indirect.scatter.add.f32 [tilespmem:s28], [sflag:$0x6], $0x80, s4, s26, $0xb8;
	[tilespmem:$0x1FF80] =	vst v63  }
0x103: {  	s16 =	simm.s32 $0x28C0  }
0x104: {  	[spmem:s3] =	stream.indirect.scatter.add.f32 [tilespmem:s28], [sflag:$0x6], $0x80, s16, s26, $0xb8;
	[tilespmem:$0x1FF80] =	vst v63  }
0x105: {  	s17 =	simm.s32 $0x2910  }
0x106: {  	[spmem:s3] =	stream.indirect.scatter.add.f32 [tilespmem:s28], [sflag:$0x6], $0x80, s17, s26, $0xb8;
	[tilespmem:$0x1FF80] =	vst v63  }
0x107: {  	s18 =	simm.s32 $0x2960  }
0x108: {  	[spmem:s3] =	stream.indirect.scatter.add.f32 [tilespmem:s28], [sflag:$0x6], $0x80, s18, s26, $0xb8;
	[tilespmem:$0x1FF80] =	vst v63  }
0x109: {  	s19 =	simm.s32 $0x29B0  }
0x10a: {  	[spmem:s3] =	stream.indirect.scatter.add.f32 [tilespmem:s28], [sflag:$0x6], $0x80, s19, s26, $0xb8;
	[tilespmem:$0x1FF80] =	vst v63  }
0x10b: {  	_ =	swait.ge [sflag:s5], $0x2800  }
0x10c: {  	[sflag:s5] =	ssyncset.done $0x0  }
0x10d: {  	s0 =	simm.s32 $0xB40;
	s2 =	simm.s32 $0x2A00;
	[sflag:s5] =	ssyncadd.s32 $0xFFFFD800  }
.LBB2_10:
0x10e: {  	[spmem:s3] =	stream.indirect.scatter.add.f32 [tilespmem:s28], [sflag:$0x6], $0x80, s2, s26, $0xb8;
	[tilespmem:$0x1FF80] =	vst v63  }
0x10f: {  	s2 =	smov.u32 s0;
	p1 =	sne.s32 s0, $0x9B00  }
.Ltmp4:
0x110: {  	s0 =	sadd.s32 $0x140, s0;
	(pc) =	sbr.rel @p1 .LBB2_10-.Ltmp4, $4  }
0x111: {  	_ = 	snop  }
0x112: {  	_ =	swait.ge [sflag:s5], $0x2800  }
0x113: {  	s2 =	sshra.s32 s2, $0x2;
	[sflag:s5] =	ssyncset.done $0x0  }
0x114: {  	s2 =	sadd.s32 $0x2780, s2;
	[sflag:s5] =	ssyncadd.s32 $0xFFFFD800  }
0x115: {  	[spmem:s3] =	stream.indirect.scatter.add.f32 [tilespmem:s28], [sflag:$0x6], $0x80, s2, s26, $0xb8;
	[tilespmem:$0x1FF80] =	vst v63  }
0x116: {  	_ =	swait.ge [sflag:s5], $0x2800  }
0x117: {  	[sflag:s5] =	ssyncset.done $0x0  }
0x118: {  	[sflag:s5] =	ssyncadd.s32 $0xFFFFD800  }
0x119: {  	_ =	swait.ge [sflag:s5], $0x2800  }
0x11a: {  	[sflag:s5] =	ssyncset.done $0x0  }
0x11b: {  	[sflag:s5] =	ssyncadd.s32 $0xFFFFD800  }
0x11c: {  	_ =	swait.ge [sflag:s5], $0x2800  }
0x11d: {  	[sflag:s5] =	ssyncset.done $0x0  }
0x11e: {  	[sflag:s5] =	ssyncadd.s32 $0xFFFFD800  }
0x11f: {  	_ =	swait.ge [sflag:s5], $0x2800  }
0x120: {  	[sflag:s5] =	ssyncset.done $0x0  }
0x121: {  	[sflag:s5] =	ssyncadd.s32 $0xFFFFD800  }
0x122: {  	_ =	swait.ge [sflag:s5], $0x2800  }
0x123: {  	[sflag:s5] =	ssyncset.done $0x0  }
0x124: {  	[sflag:s5] =	ssyncadd.s32 $0xFFFFD800  }
0x125: {  	_ =	swait.ge [sflag:s5], $0x2800  }
0x126: {  	[sflag:s5] =	ssyncset.done $0x0  }
0x127: {  	[sflag:s5] =	ssyncadd.s32 $0xFFFFD800  }
0x128: {  	_ =	swait.ge [sflag:s5], $0x2800  }
0x129: {  	[sflag:s5] =	ssyncset.done $0x0  }
0x12a: {  	[sflag:s5] =	ssyncadd.s32 $0xFFFFD800  }
0x12b: {  	_ =	swait.ge [sflag:s5], $0x2800  }
0x12c: {  	[sflag:s5] =	ssyncset.done $0x0  }
0x12d: {  	[sflag:s5] =	ssyncadd.s32 $0xFFFFD800  }
0x12e: {  	[bflag:$0x0] =	sbarrier.arrive $0xFFFF  }
0x12f: {  	s0 =	rddreg [dreg:$0x8]  }
0x130: {  	[hbm:s0], [sflag:s10] =	dma.local [spmem:s11], $0x2700  }
0x131: {  	_ =	swait.ge [sflag:s6], $0x2700  }
0x132: {  	[sflag:s6] =	ssyncset.done $0x0  }
0x133: {  	s0 =	rddreg [dreg:$0x9];
	[sflag:s6] =	ssyncadd.s32 $0xFFFFD900  }
0x134: {  	[hbm:s0], [sflag:s10] =	dma.local @!p0 [spmem:s12], $0x100  }
0x135: {  	s0 =	simm.s32 @!p0 $0x7  }
0x136: {  	_ =	swait.ge @!p0 [sflag:s0], $0x100  }
0x137: {  	s8 =	sadd.s32 $0x1, s8;
	s19 =	rddreg [dreg:$0xa]  }
0x138: {  	p1 =	sne.s32 s8, s19  }
.Ltmp5:
0x139: {  	_ = 	snop;
	(pc) =	sbr.rel @p1 .LBB2_1-.Ltmp5, $3  }
0x13a: {  	_ =	sdelay $0x1  }
0x13b: {  	[sflag:s0] =	ssyncset.done @!p0 $0x0  }
0x13c: {  	[sflag:s0] =	ssyncadd.s32 @!p0 $0xFFFFFF00  }
0x13d: {  	_ =	sfence.sel $0x180000  }
0x13e: {  	[bflag:$0x0] =	sbarrier.arrive $0xFFFF  }
0x13f: {  	_ =	strace $0x90000047  }
0x140: {  	s0 =	stileid.u32;
	[bflag:$0x2] =	sbarrier.arrive $0xFFFF  }
0x141: {  	p0 =	sne.s32 s0, $0x0;
	s0 =	rddreg [dreg:$0x3]  }
0x142: {  	s0 =	sadd.s32 @!p0 $0x100000, s0  }
0x143: {  	[sflag:s0] =	ssyncadd.tile.s32 @!p0 $0x1;
	_ =	shalt  }
.Lfunc_end2:
_tile_overlayer_lowered:
.L_overlay_start_2:
0x144: {  	(tag) =	ssettag $0x2  }
0x145: {  	s0 =	rddreg [dreg:$0x0];
	s2 =	stileid.u32  }
0x146: {  	s1 =	rddreg [dreg:$0x1];
	p0 =	sne.s32 s2, $0x0  }
0x147: {  	s3 =	rddreg [dreg:$0x2];
	[bflag:$0x3] =	sbarrier.arrive $0xFFFF;
	s2 =	simm.s32 @!p0 $0x1C07  }
0x148: {  	[timem:s3], [sflag:s2] =	dma.local @!p0 [hbm:s0], s1  }
0x149: {  	s0 =	simm.s32 @!p0 $0x7  }
0x14a: {  	_ =	swait.ge @!p0 [sflag:s0], s1  }
0x14b: {  	s1 =	ssub.s32 @!p0 $0x0, s1;
	[sflag:s0] =	ssyncset.done @!p0 $0x0  }
0x14c: {  	[sflag:s0] =	ssyncadd.s32 @!p0 s1  }
0x14d: {  	[bflag:$0x3] =	sbarrier.arrive $0xFFFF  }
0x14e: {  	_ =	shalt  }

</sc_bundles>
